<compile_context>
chip_gen: v7x
topology: tpu7x:2x2x1
jax: 0.10.2.dev20260603
libtpu: 0.0.44.dev20260713+nightly
codegen_flags: <defaults>
</compile_context>

<pallas_src>
import functools

import jax
import jax.numpy as jnp
from jax import lax
from jax.experimental import pallas as pl
from jax.experimental.pallas import tpu as pltpu
from jax.experimental.pallas import tpu_sc as plsc

N = 10000
D = 128
E = 320000
G = 64
L = 3

NC = 2
NS = 16
NW = NC * NS
CHUNK = 128
NCH = 80
EPW = NCH * CHUNK
EPAD = NW * EPW
ROWS = 10112
RPT = ROWS // NS
RB = 1000
NBLK = N // RB
EPS = 1e-5

DW = D


@functools.cache
def _get_deg_kernel():
    mesh = plsc.VectorSubcoreMesh(core_axis_name="c", subcore_axis_name="s")

    @functools.partial(
        pl.kernel,
        out_type=jax.ShapeDtypeStruct((NC, ROWS, DW), jnp.float32),
        mesh=mesh,
        scratch_types=[
            pltpu.VMEM((NCH, CHUNK), jnp.int32),
            pltpu.VMEM((CHUNK, DW), jnp.float32),
            pltpu.SemaphoreType.DMA,
            pltpu.VMEM_SHARED((ROWS, DW), jnp.float32),
        ],
    )
    def deg_kernel(dst_hbm, zeros_hbm, ones_hbm, out_hbm, dst_v, ones_v,
                   sem, acc_sh):
        c = lax.axis_index("c")
        s = lax.axis_index("s")
        wid = c * NS + s
        pltpu.sync_copy(zeros_hbm.at[pl.ds(s * RPT, RPT)],
                        acc_sh.at[pl.ds(s * RPT, RPT)])
        pltpu.sync_copy(ones_hbm, ones_v)
        pltpu.sync_copy(dst_hbm.at[wid], dst_v)
        plsc.subcore_barrier()

        def fire(j, carry):
            pltpu.async_copy(ones_v, acc_sh.at[dst_v.at[j]], sem, add=True)
            return carry

        def drain(j, carry):
            pltpu.make_async_copy(ones_v, acc_sh.at[dst_v.at[j]], sem).wait()
            return carry

        lax.fori_loop(0, NCH, fire, 0)
        lax.fori_loop(0, NCH, drain, 0)
        plsc.subcore_barrier()
        pltpu.sync_copy(acc_sh.at[pl.ds(s * RPT, RPT)],
                        out_hbm.at[c, pl.ds(s * RPT, RPT)])

    return deg_kernel


@functools.cache
def _get_scatter_kernel():
    mesh = plsc.VectorSubcoreMesh(core_axis_name="c", subcore_axis_name="s")

    @functools.partial(
        pl.kernel,
        out_type=jax.ShapeDtypeStruct((NC, ROWS, D), jnp.float32),
        mesh=mesh,
        scratch_types=[
            pltpu.VMEM((NCH // 2, CHUNK), jnp.int32),
            pltpu.VMEM((NCH // 2, CHUNK), jnp.int32),
            pltpu.VMEM((CHUNK, D), jnp.float32),
            pltpu.VMEM((CHUNK, D), jnp.float32),
            pltpu.SemaphoreType.DMA,
            pltpu.SemaphoreType.DMA,
            pltpu.VMEM_SHARED((ROWS, D), jnp.float32),
        ],
    )
    def scatter_kernel(src_hbm, dst_hbm, y_hbm, zeros_hbm, out_hbm,
                       src_v, dst_v, buf_a, buf_b, sem_a, sem_b, acc_sh):
        c = lax.axis_index("c")
        s = lax.axis_index("s")
        wid = c * NS + s
        HCH = NCH // 2
        pltpu.sync_copy(zeros_hbm.at[pl.ds(s * RPT, RPT)],
                        acc_sh.at[pl.ds(s * RPT, RPT)])
        plsc.subcore_barrier()

        def process_half(h):
            pltpu.sync_copy(src_hbm.at[wid, pl.ds(h * HCH, HCH)], src_v)
            pltpu.sync_copy(dst_hbm.at[wid, pl.ds(h * HCH, HCH)], dst_v)
            pltpu.async_copy(y_hbm.at[src_v.at[0]], buf_a, sem_a)

            def chunk_body(i, carry):
                j0 = 2 * i
                j1 = 2 * i + 1
                jn = lax.rem(j1 + 1, HCH)
                pltpu.make_async_copy(
                    y_hbm.at[src_v.at[j0]], buf_a, sem_a).wait()
                pltpu.async_copy(y_hbm.at[src_v.at[j1]], buf_b, sem_b)
                pltpu.sync_copy(buf_a, acc_sh.at[dst_v.at[j0]], add=True)
                pltpu.make_async_copy(
                    y_hbm.at[src_v.at[j1]], buf_b, sem_b).wait()
                pltpu.async_copy(y_hbm.at[src_v.at[jn]], buf_a, sem_a)
                pltpu.sync_copy(buf_b, acc_sh.at[dst_v.at[j1]], add=True)
                return carry

            lax.fori_loop(0, HCH // 2, chunk_body, 0)
            pltpu.make_async_copy(y_hbm.at[src_v.at[0]], buf_a, sem_a).wait()

        process_half(0)
        process_half(1)
        plsc.subcore_barrier()
        pltpu.sync_copy(acc_sh.at[pl.ds(s * RPT, RPT)],
                        out_hbm.at[c, pl.ds(s * RPT, RPT)])

    return scatter_kernel


def _matmul_body(x_ref, w_ref, z_ref):
    z_ref[...] = jnp.dot(x_ref[...], w_ref[...],
                         preferred_element_type=jnp.float32)


def _tc_matmul(x, w):
    return pl.pallas_call(
        _matmul_body,
        grid=(NBLK,),
        in_specs=[
            pl.BlockSpec((RB, D), lambda b: (b, 0)),
            pl.BlockSpec((D, D), lambda b: (0, 0)),
        ],
        out_specs=pl.BlockSpec((RB, D), lambda b: (b, 0)),
        out_shape=jax.ShapeDtypeStruct((N, D), jnp.float32),
    )(x, w)


def _scale_body(d_ref, z_ref, y_ref, dinv_ref):
    dinv = 1.0 / jnp.sqrt(d_ref[0, :, 0:1] + d_ref[1, :, 0:1] + 1.0)
    dinv_ref[...] = dinv
    y_ref[...] = z_ref[...] * dinv


def _tc_scale(deg_parts, z):
    return pl.pallas_call(
        _scale_body,
        grid=(NBLK,),
        in_specs=[
            pl.BlockSpec((NC, RB, DW), lambda b: (0, b, 0)),
            pl.BlockSpec((RB, D), lambda b: (b, 0)),
        ],
        out_specs=[
            pl.BlockSpec((RB, D), lambda b: (b, 0)),
            pl.BlockSpec((RB, 1), lambda b: (b, 0)),
        ],
        out_shape=[
            jax.ShapeDtypeStruct((N, D), jnp.float32),
            jax.ShapeDtypeStruct((N, 1), jnp.float32),
        ],
    )(deg_parts, z)


def _make_combine_body(has_next):
    def body(*refs):
        if has_next:
            (s_ref, y_ref, dinv_ref, bb_ref, g_ref, be_ref, bat_ref, wn_ref,
             pool_ref, ynext_ref, stat_ref, r_scr) = refs
        else:
            (s_ref, y_ref, dinv_ref, bb_ref, g_ref, be_ref, bat_ref,
             pool_ref, stat_ref, r_scr) = refs
        p = pl.program_id(0)
        blk = pl.program_id(1)

        @pl.when(p == 0)
        def _():
            r = jnp.maximum(
                dinv_ref[...] * (s_ref[0] + s_ref[1] + y_ref[...])
                + bb_ref[...],
                0.0,
            )
            r_scr[pl.ds(blk * RB, RB), :] = r
            srow = jnp.sum(r, axis=0, keepdims=True)
            s2row = jnp.sum(r * r, axis=0, keepdims=True)

            @pl.when(blk == 0)
            def _():
                stat_ref[0:1] = srow
                stat_ref[1:2] = s2row

            @pl.when(blk != 0)
            def _():
                stat_ref[0:1] += srow
                stat_ref[1:2] += s2row

        @pl.when(p == 1)
        def _():
            r = r_scr[pl.ds(blk * RB, RB), :]
            mean = stat_ref[0:1] / N
            var = stat_ref[1:2] / N - mean * mean
            hbn = (r - mean) * (g_ref[...] / jnp.sqrt(var + EPS)) + be_ref[...]
            oh = (lax.broadcasted_iota(jnp.int32, (G, RB), 0)
                  == bat_ref[0]).astype(jnp.float32)
            contr = jnp.dot(oh, hbn, preferred_element_type=jnp.float32,
                            precision=lax.Precision.HIGHEST)

            @pl.when(blk == 0)
            def _():
                pool_ref[...] = contr

            @pl.when(blk != 0)
            def _():
                pool_ref[...] += contr

            if has_next:
                ynext_ref[...] = (
                    jnp.dot(hbn, wn_ref[...], preferred_element_type=jnp.float32)
                    * dinv_ref[...]
                )

    return body


def _tc_combine(S, y, dinv_col, bb, g, be, bat_row, wn):
    has_next = wn is not None
    in_specs = [
        pl.BlockSpec((NC, RB, D), lambda p, b: (0, b * (1 - p), 0)),
        pl.BlockSpec((RB, D), lambda p, b: (b * (1 - p), 0)),
        pl.BlockSpec((RB, 1), lambda p, b: (b, 0)),
        pl.BlockSpec((1, D), lambda p, b: (0, 0)),
        pl.BlockSpec((1, D), lambda p, b: (0, 0)),
        pl.BlockSpec((1, D), lambda p, b: (0, 0)),
        pl.BlockSpec((1, 1, RB), lambda p, b: (b, 0, 0)),
    ]
    args = [S, y, dinv_col, bb, g, be, bat_row]
    out_specs = [pl.BlockSpec((G, D), lambda p, b: (0, 0))]
    out_shape = [jax.ShapeDtypeStruct((G, D), jnp.float32)]
    if has_next:
        in_specs.append(pl.BlockSpec((D, D), lambda p, b: (0, 0)))
        args.append(wn)
        out_specs.append(pl.BlockSpec((RB, D), lambda p, b: (b, 0)))
        out_shape.append(jax.ShapeDtypeStruct((N, D), jnp.float32))
    res = pl.pallas_call(
        _make_combine_body(has_next),
        grid=(2, NBLK),
        in_specs=in_specs,
        out_specs=out_specs,
        out_shape=out_shape,
        scratch_shapes=[pltpu.VMEM((2, D), jnp.float32),
                        pltpu.VMEM((N, D), jnp.float32)],
    )(*args)
    if has_next:
        return res[0], res[1]
    return res[0], None


def kernel(x, edge_index, batch, Ws, bs, gammas, betas):
    src = edge_index[0]
    dst = edge_index[1]
    pad = EPAD - E
    src_p = jnp.concatenate(
        [src, jnp.arange(pad, dtype=jnp.int32)]).reshape(NW, NCH, CHUNK)
    dst_p = jnp.concatenate(
        [dst, jnp.full((pad,), N, jnp.int32)]).reshape(NW, NCH, CHUNK)
    zeros_hbm = jnp.zeros((ROWS, D), jnp.float32)
    ones_rows = jnp.ones((CHUNK, DW), jnp.float32)

    deg_parts = _get_deg_kernel()(dst_p, zeros_hbm, ones_rows)
    z = _tc_matmul(x, Ws[0])
    y, dinv_col = _tc_scale(deg_parts, z)
    bat_row = batch.reshape(NBLK, 1, RB)
    pools = []
    for i in range(L):
        S = _get_scatter_kernel()(src_p, dst_p, y, zeros_hbm)
        wn = Ws[i + 1] if i + 1 < L else None
        pool, y = _tc_combine(
            S, y, dinv_col,
            bs[i].reshape(1, D), gammas[i].reshape(1, D),
            betas[i].reshape(1, D), bat_row, wn)
        pools.append(pool)
    return jnp.concatenate(pools, axis=1)

# --- scband reference (transcript-rebuilt; emitter-appended) ---
"""Pipeline reference for scband-encoder-gcn-89713276878901 (READ-ONLY COPY).

The authoritative reference and input builder live on the scoring server;
editing this copy changes nothing except your own understanding.
"""

import jax, jax.numpy as jnp
import numpy as np

N = 10000
E = 320000
D = 128
L = 3
G = 64


def setup_inputs(seed: int = 0) -> dict:
    key = jax.random.key(seed)
    k1, k2, k3, k4 = jax.random.split(key, 4)
    x = jax.random.normal(k1, (N, D), dtype=jnp.float32)
    edge_index = jax.random.randint(k2, (2, E), 0, N, dtype=jnp.int32)
    batch = jnp.sort(jax.random.randint(k3, (N,), 0, G, dtype=jnp.int32))
    Ws = jax.random.normal(k4, (L, D, D), dtype=jnp.float32) * 0.05
    bs = jnp.zeros((L, D), dtype=jnp.float32)
    gammas = jnp.ones((L, D), dtype=jnp.float32)
    betas = jnp.zeros((L, D), dtype=jnp.float32)
    return {"x": x, "edge_index": edge_index, "batch": batch, "Ws": Ws, "bs": bs, "gammas": gammas, "betas": betas}


def gcn_conv(x, edge_index, W, b):
    n = x.shape[0]
    src, dst = edge_index[0], edge_index[1]
    loop = jnp.arange(n, dtype=src.dtype)
    src2 = jnp.concatenate([src, loop])
    dst2 = jnp.concatenate([dst, loop])
    deg = jnp.zeros((n,), x.dtype).at[dst2].add(1.0)
    dinv = jnp.where(deg > 0, deg ** -0.5, 0.0)
    norm = dinv[src2] * dinv[dst2]
    xw = x @ W
    msg = xw[src2] * norm[:, None]
    out = jnp.zeros_like(xw).at[dst2].add(msg)
    return out + b


def batchnorm1d(x, gamma, beta, eps=1e-5):
    mean = jnp.mean(x, axis=0)
    var = jnp.var(x, axis=0)
    return (x - mean) / jnp.sqrt(var + eps) * gamma + beta


def reference(x, edge_index, batch, Ws, bs, gammas, betas):
    xs = []
    h = x
    for i in range(L):
        h = jax.nn.relu(gcn_conv(h, edge_index, Ws[i], bs[i]))
        h = batchnorm1d(h, gammas[i], betas[i])
        xs.append(h)
    pools = [jax.ops.segment_sum(hh, batch, num_segments=G) for hh in xs]
    return jnp.concatenate(pools, axis=1)

if __name__ == "__main__":
    import jax
    _d = setup_inputs()
    print(jax.jit(kernel)(*tuple(_d.values())))

</pallas_src>

<mosaic_0001>
#map = affine_map<(d0, d1) -> (0, 0, 0)>
#map1 = affine_map<(d0, d1) -> (0, 0)>
module attributes {stable_mosaic.version = 14 : i64} {
  func.func @scatter_kernel(%arg0: i32, %arg1: i32, %arg2: memref<32x80x128xi32, #tpu.memory_space<hbm>>, %arg3: memref<32x80x128xi32, #tpu.memory_space<hbm>>, %arg4: memref<10000x128xf32, #tpu.memory_space<hbm>>, %arg5: memref<10112x128xf32, #tpu.memory_space<hbm>>, %arg6: memref<2x10112x128xf32, #tpu.memory_space<hbm>>, %arg7: memref<40x128xi32, #tpu.memory_space<vmem>>, %arg8: memref<40x128xi32, #tpu.memory_space<vmem>>, %arg9: memref<128x128xf32, #tpu.memory_space<vmem>>, %arg10: memref<128x128xf32, #tpu.memory_space<vmem>>, %arg11: memref<!tpu.dma_semaphore, #tpu.memory_space<semaphore_mem>>, %arg12: memref<!tpu.dma_semaphore, #tpu.memory_space<semaphore_mem>>, %arg13: memref<10112x128xf32, #tpu.memory_space<vmem_shared>>) attributes {dimension_semantics = [#tpu.dimension_semantics<core_parallel>, #tpu.dimension_semantics<subcore_parallel>], iteration_bounds = array<i64: 2, 16>, scalar_prefetch = 0 : i64, scratch_operands = 7 : i64, tpu.core_type = #tpu.core_type<sc_vector_subcore>, window_params = [{transform_indices = #map}, {transform_indices = #map}, {transform_indices = #map1}, {transform_indices = #map1}, {transform_indices = #map}]} {
    %mul3A = arith.constant 16 : i32
    %mul3A_0 = arith.muli %arg0, %mul3A : i32
    %add3A = arith.addi %mul3A_0, %arg1 : i32
    %mul3A_1 = arith.constant 632 : i32
    %mul3A_2 = arith.muli %arg1, %mul3A_1 : i32
    %mul3A_3 = arith.constant 632 : i32
    %mul3A_4 = arith.muli %arg1, %mul3A_3 : i32
    "tpu.region"() ({
      %run_scoped3A = tpu.sem_alloc : memref<!tpu.dma_semaphore, #tpu.memory_space<semaphore_mem>>
      %dma_start3A_47 = arith.constant 0 : i32
      %dma_start3A_48 = tpu.memref_slice %arg13[%mul3A_4, %dma_start3A_47] : memref<10112x128xf32, #tpu.memory_space<vmem_shared>> -> memref<632x128xf32, #tpu.memory_space<vmem_shared>>
      %dma_start3A_49 = arith.constant 0 : i32
      %dma_start3A_50 = tpu.memref_slice %arg5[%mul3A_2, %dma_start3A_49] : memref<10112x128xf32, #tpu.memory_space<hbm>> -> memref<632x128xf32, #tpu.memory_space<hbm>>
      tpu.enqueue_dma source(%dma_start3A_50 : memref<632x128xf32, #tpu.memory_space<hbm>>) target(%dma_start3A_48 : memref<632x128xf32, #tpu.memory_space<vmem_shared>>) target_semaphore(%run_scoped3A : memref<!tpu.dma_semaphore, #tpu.memory_space<semaphore_mem>>)
      %dma_wait3A_51 = arith.constant 0 : i32
      %dma_wait3A_52 = tpu.memref_slice %arg13[%mul3A_4, %dma_wait3A_51] : memref<10112x128xf32, #tpu.memory_space<vmem_shared>> -> memref<632x128xf32, #tpu.memory_space<vmem_shared>>
      %dma_wait3A_53 = arith.constant 0 : i32
      %dma_wait3A_54 = tpu.memref_slice %arg5[%mul3A_2, %dma_wait3A_53] : memref<10112x128xf32, #tpu.memory_space<hbm>> -> memref<632x128xf32, #tpu.memory_space<hbm>>
      tpu.wait_dma2 semaphore(%run_scoped3A : memref<!tpu.dma_semaphore, #tpu.memory_space<semaphore_mem>>) src(%dma_wait3A_54 : memref<632x128xf32, #tpu.memory_space<hbm>>) dst(%dma_wait3A_52 : memref<632x128xf32, #tpu.memory_space<vmem_shared>>)
      tpu.yield
    }) : () -> ()
    %barrier3A = arith.constant 0 : index
    tpu.barrier barrier_id(%barrier3A)
    "tpu.region"() ({
      %run_scoped3A = tpu.sem_alloc : memref<!tpu.dma_semaphore, #tpu.memory_space<semaphore_mem>>
      %dma_start3A_47 = arith.constant 0 : i32
      %dma_start3A_48 = arith.constant 0 : i32
      %dma_start3A_49 = tpu.memref_slice %arg2[%add3A, %dma_start3A_47, %dma_start3A_48] : memref<32x80x128xi32, #tpu.memory_space<hbm>> -> memref<1x40x128xi32, #tpu.memory_space<hbm>>
      %dma_start3A_50 = tpu.memref_squeeze %dma_start3A_49 : memref<1x40x128xi32, #tpu.memory_space<hbm>> -> memref<40x128xi32, #tpu.memory_space<hbm>>
      %dma_start3A_51 = arith.constant 0 : i32
      %dma_start3A_52 = arith.constant 0 : i32
      %dma_start3A_53 = tpu.memref_slice %arg2[%add3A, %dma_start3A_51, %dma_start3A_52] : memref<32x80x128xi32, #tpu.memory_space<hbm>> -> memref<1x40x128xi32, #tpu.memory_space<hbm>>
      %dma_start3A_54 = tpu.memref_squeeze %dma_start3A_53 : memref<1x40x128xi32, #tpu.memory_space<hbm>> -> memref<40x128xi32, #tpu.memory_space<hbm>>
      tpu.enqueue_dma source(%dma_start3A_54 : memref<40x128xi32, #tpu.memory_space<hbm>>) target(%arg7 : memref<40x128xi32, #tpu.memory_space<vmem>>) target_semaphore(%run_scoped3A : memref<!tpu.dma_semaphore, #tpu.memory_space<semaphore_mem>>)
      %dma_wait3A_55 = arith.constant 0 : i32
      %dma_wait3A_56 = arith.constant 0 : i32
      %dma_wait3A_57 = tpu.memref_slice %arg2[%add3A, %dma_wait3A_55, %dma_wait3A_56] : memref<32x80x128xi32, #tpu.memory_space<hbm>> -> memref<1x40x128xi32, #tpu.memory_space<hbm>>
      %dma_wait3A_58 = tpu.memref_squeeze %dma_wait3A_57 : memref<1x40x128xi32, #tpu.memory_space<hbm>> -> memref<40x128xi32, #tpu.memory_space<hbm>>
      %dma_wait3A_59 = arith.constant 0 : i32
      %dma_wait3A_60 = arith.constant 0 : i32
      %dma_wait3A_61 = tpu.memref_slice %arg2[%add3A, %dma_wait3A_59, %dma_wait3A_60] : memref<32x80x128xi32, #tpu.memory_space<hbm>> -> memref<1x40x128xi32, #tpu.memory_space<hbm>>
      %dma_wait3A_62 = tpu.memref_squeeze %dma_wait3A_61 : memref<1x40x128xi32, #tpu.memory_space<hbm>> -> memref<40x128xi32, #tpu.memory_space<hbm>>
      tpu.wait_dma2 semaphore(%run_scoped3A : memref<!tpu.dma_semaphore, #tpu.memory_space<semaphore_mem>>) src(%dma_wait3A_62 : memref<40x128xi32, #tpu.memory_space<hbm>>) dst(%arg7 : memref<40x128xi32, #tpu.memory_space<vmem>>)
      tpu.yield
    }) : () -> ()
    "tpu.region"() ({
      %run_scoped3A = tpu.sem_alloc : memref<!tpu.dma_semaphore, #tpu.memory_space<semaphore_mem>>
      %dma_start3A_47 = arith.constant 0 : i32
      %dma_start3A_48 = arith.constant 0 : i32
      %dma_start3A_49 = tpu.memref_slice %arg3[%add3A, %dma_start3A_47, %dma_start3A_48] : memref<32x80x128xi32, #tpu.memory_space<hbm>> -> memref<1x40x128xi32, #tpu.memory_space<hbm>>
      %dma_start3A_50 = tpu.memref_squeeze %dma_start3A_49 : memref<1x40x128xi32, #tpu.memory_space<hbm>> -> memref<40x128xi32, #tpu.memory_space<hbm>>
      %dma_start3A_51 = arith.constant 0 : i32
      %dma_start3A_52 = arith.constant 0 : i32
      %dma_start3A_53 = tpu.memref_slice %arg3[%add3A, %dma_start3A_51, %dma_start3A_52] : memref<32x80x128xi32, #tpu.memory_space<hbm>> -> memref<1x40x128xi32, #tpu.memory_space<hbm>>
      %dma_start3A_54 = tpu.memref_squeeze %dma_start3A_53 : memref<1x40x128xi32, #tpu.memory_space<hbm>> -> memref<40x128xi32, #tpu.memory_space<hbm>>
      tpu.enqueue_dma source(%dma_start3A_54 : memref<40x128xi32, #tpu.memory_space<hbm>>) target(%arg8 : memref<40x128xi32, #tpu.memory_space<vmem>>) target_semaphore(%run_scoped3A : memref<!tpu.dma_semaphore, #tpu.memory_space<semaphore_mem>>)
      %dma_wait3A_55 = arith.constant 0 : i32
      %dma_wait3A_56 = arith.constant 0 : i32
      %dma_wait3A_57 = tpu.memref_slice %arg3[%add3A, %dma_wait3A_55, %dma_wait3A_56] : memref<32x80x128xi32, #tpu.memory_space<hbm>> -> memref<1x40x128xi32, #tpu.memory_space<hbm>>
      %dma_wait3A_58 = tpu.memref_squeeze %dma_wait3A_57 : memref<1x40x128xi32, #tpu.memory_space<hbm>> -> memref<40x128xi32, #tpu.memory_space<hbm>>
      %dma_wait3A_59 = arith.constant 0 : i32
      %dma_wait3A_60 = arith.constant 0 : i32
      %dma_wait3A_61 = tpu.memref_slice %arg3[%add3A, %dma_wait3A_59, %dma_wait3A_60] : memref<32x80x128xi32, #tpu.memory_space<hbm>> -> memref<1x40x128xi32, #tpu.memory_space<hbm>>
      %dma_wait3A_62 = tpu.memref_squeeze %dma_wait3A_61 : memref<1x40x128xi32, #tpu.memory_space<hbm>> -> memref<40x128xi32, #tpu.memory_space<hbm>>
      tpu.wait_dma2 semaphore(%run_scoped3A : memref<!tpu.dma_semaphore, #tpu.memory_space<semaphore_mem>>) src(%dma_wait3A_62 : memref<40x128xi32, #tpu.memory_space<hbm>>) dst(%arg8 : memref<40x128xi32, #tpu.memory_space<vmem>>)
      tpu.yield
    }) : () -> ()
    %dma_start3A = arith.constant 0 : i32
    %dma_start3A_5 = arith.constant 0 : i32
    %dma_start3A_6 = tpu.memref_slice %arg7[%dma_start3A, %dma_start3A_5] : memref<40x128xi32, #tpu.memory_space<vmem>> -> memref<1x128xi32, #tpu.memory_space<vmem>>
    %dma_start3A_7 = tpu.memref_squeeze %dma_start3A_6 : memref<1x128xi32, #tpu.memory_space<vmem>> -> memref<128xi32, #tpu.memory_space<vmem>>
    %dma_start3A_8 = arith.constant 0 : i32
    %dma_start3A_9 = arith.constant 0 : i32
    %dma_start3A_10 = tpu.memref_slice %arg4[%dma_start3A_8, %dma_start3A_9] : memref<10000x128xf32, #tpu.memory_space<hbm>> -> memref<10000x128xf32, #tpu.memory_space<hbm>>
    tpu.enqueue_indirect_dma source(%dma_start3A_10 : memref<10000x128xf32, #tpu.memory_space<hbm>>) target(%arg9 : memref<128x128xf32, #tpu.memory_space<vmem>>) offsets(%dma_start3A_7 : memref<128xi32, #tpu.memory_space<vmem>>) semaphore(%arg11 : memref<!tpu.dma_semaphore, #tpu.memory_space<semaphore_mem>>)
    %scan3A = arith.constant 0 : i32
    %scan3A_11 = arith.constant 0 : i32
    %scan3A_12 = arith.constant 20 : i32
    %scan3A_13 = arith.addi %scan3A_11, %scan3A_12 : i32
    %scan3A_14 = arith.constant 1 : i32
    scf.for %scan3A_47 = %scan3A_11 to %scan3A_13 step %scan3A_14  : i32 {
      %mul3A_48 = arith.constant 2 : i32
      %mul3A_49 = arith.muli %mul3A_48, %scan3A_47 : i32
      %mul3A_50 = arith.constant 2 : i32
      %mul3A_51 = arith.muli %mul3A_50, %scan3A_47 : i32
      %add3A_52 = arith.constant 1 : i32
      %add3A_53 = arith.addi %mul3A_51, %add3A_52 : i32
      %add3A_54 = arith.constant 1 : i32
      %add3A_55 = arith.addi %add3A_53, %add3A_54 : i32
      %rem3A = arith.constant 40 : i32
      %rem3A_56 = arith.remsi %add3A_55, %rem3A : i32
      %dma_wait3A_57 = arith.constant 0 : i32
      %dma_wait3A_58 = tpu.memref_slice %arg7[%mul3A_49, %dma_wait3A_57] : memref<40x128xi32, #tpu.memory_space<vmem>> -> memref<1x128xi32, #tpu.memory_space<vmem>>
      %dma_wait3A_59 = tpu.memref_squeeze %dma_wait3A_58 : memref<1x128xi32, #tpu.memory_space<vmem>> -> memref<128xi32, #tpu.memory_space<vmem>>
      %dma_wait3A_60 = arith.constant 0 : i32
      %dma_wait3A_61 = arith.constant 0 : i32
      %dma_wait3A_62 = tpu.memref_slice %arg4[%dma_wait3A_60, %dma_wait3A_61] : memref<10000x128xf32, #tpu.memory_space<hbm>> -> memref<10000x128xf32, #tpu.memory_space<hbm>>
      tpu.wait_indirect_dma semaphore(%arg11 : memref<!tpu.dma_semaphore, #tpu.memory_space<semaphore_mem>>) src(%dma_wait3A_62 : memref<10000x128xf32, #tpu.memory_space<hbm>>) dst(%arg9 : memref<128x128xf32, #tpu.memory_space<vmem>>)
      %dma_start3A_63 = arith.constant 0 : i32
      %dma_start3A_64 = tpu.memref_slice %arg7[%add3A_53, %dma_start3A_63] : memref<40x128xi32, #tpu.memory_space<vmem>> -> memref<1x128xi32, #tpu.memory_space<vmem>>
      %dma_start3A_65 = tpu.memref_squeeze %dma_start3A_64 : memref<1x128xi32, #tpu.memory_space<vmem>> -> memref<128xi32, #tpu.memory_space<vmem>>
      %dma_start3A_66 = arith.constant 0 : i32
      %dma_start3A_67 = arith.constant 0 : i32
      %dma_start3A_68 = tpu.memref_slice %arg4[%dma_start3A_66, %dma_start3A_67] : memref<10000x128xf32, #tpu.memory_space<hbm>> -> memref<10000x128xf32, #tpu.memory_space<hbm>>
      tpu.enqueue_indirect_dma source(%dma_start3A_68 : memref<10000x128xf32, #tpu.memory_space<hbm>>) target(%arg10 : memref<128x128xf32, #tpu.memory_space<vmem>>) offsets(%dma_start3A_65 : memref<128xi32, #tpu.memory_space<vmem>>) semaphore(%arg12 : memref<!tpu.dma_semaphore, #tpu.memory_space<semaphore_mem>>)
      "tpu.region"() ({
        %run_scoped3A = tpu.sem_alloc : memref<!tpu.dma_semaphore, #tpu.memory_space<semaphore_mem>>
        %dma_start3A_81 = arith.constant 0 : i32
        %dma_start3A_82 = tpu.memref_slice %arg8[%mul3A_49, %dma_start3A_81] : memref<40x128xi32, #tpu.memory_space<vmem>> -> memref<1x128xi32, #tpu.memory_space<vmem>>
        %dma_start3A_83 = tpu.memref_squeeze %dma_start3A_82 : memref<1x128xi32, #tpu.memory_space<vmem>> -> memref<128xi32, #tpu.memory_space<vmem>>
        %dma_start3A_84 = arith.constant 0 : i32
        %dma_start3A_85 = arith.constant 0 : i32
        %dma_start3A_86 = tpu.memref_slice %arg13[%dma_start3A_84, %dma_start3A_85] : memref<10112x128xf32, #tpu.memory_space<vmem_shared>> -> memref<10112x128xf32, #tpu.memory_space<vmem_shared>>
        tpu.enqueue_indirect_dma source(%arg9 : memref<128x128xf32, #tpu.memory_space<vmem>>) target(%dma_start3A_86 : memref<10112x128xf32, #tpu.memory_space<vmem_shared>>) offsets(%dma_start3A_83 : memref<128xi32, #tpu.memory_space<vmem>>) semaphore(%run_scoped3A : memref<!tpu.dma_semaphore, #tpu.memory_space<semaphore_mem>>) {add = true}
        %dma_wait3A_87 = arith.constant 0 : i32
        %dma_wait3A_88 = tpu.memref_slice %arg8[%mul3A_49, %dma_wait3A_87] : memref<40x128xi32, #tpu.memory_space<vmem>> -> memref<1x128xi32, #tpu.memory_space<vmem>>
        %dma_wait3A_89 = tpu.memref_squeeze %dma_wait3A_88 : memref<1x128xi32, #tpu.memory_space<vmem>> -> memref<128xi32, #tpu.memory_space<vmem>>
        %dma_wait3A_90 = arith.constant 0 : i32
        %dma_wait3A_91 = arith.constant 0 : i32
        %dma_wait3A_92 = tpu.memref_slice %arg13[%dma_wait3A_90, %dma_wait3A_91] : memref<10112x128xf32, #tpu.memory_space<vmem_shared>> -> memref<10112x128xf32, #tpu.memory_space<vmem_shared>>
        tpu.wait_indirect_dma semaphore(%run_scoped3A : memref<!tpu.dma_semaphore, #tpu.memory_space<semaphore_mem>>) src(%arg9 : memref<128x128xf32, #tpu.memory_space<vmem>>) dst(%dma_wait3A_92 : memref<10112x128xf32, #tpu.memory_space<vmem_shared>>)
        tpu.yield
      }) : () -> ()
      %dma_wait3A_69 = arith.constant 0 : i32
      %dma_wait3A_70 = tpu.memref_slice %arg7[%add3A_53, %dma_wait3A_69] : memref<40x128xi32, #tpu.memory_space<vmem>> -> memref<1x128xi32, #tpu.memory_space<vmem>>
      %dma_wait3A_71 = tpu.memref_squeeze %dma_wait3A_70 : memref<1x128xi32, #tpu.memory_space<vmem>> -> memref<128xi32, #tpu.memory_space<vmem>>
      %dma_wait3A_72 = arith.constant 0 : i32
      %dma_wait3A_73 = arith.constant 0 : i32
      %dma_wait3A_74 = tpu.memref_slice %arg4[%dma_wait3A_72, %dma_wait3A_73] : memref<10000x128xf32, #tpu.memory_space<hbm>> -> memref<10000x128xf32, #tpu.memory_space<hbm>>
      tpu.wait_indirect_dma semaphore(%arg12 : memref<!tpu.dma_semaphore, #tpu.memory_space<semaphore_mem>>) src(%dma_wait3A_74 : memref<10000x128xf32, #tpu.memory_space<hbm>>) dst(%arg10 : memref<128x128xf32, #tpu.memory_space<vmem>>)
      %dma_start3A_75 = arith.constant 0 : i32
      %dma_start3A_76 = tpu.memref_slice %arg7[%rem3A_56, %dma_start3A_75] : memref<40x128xi32, #tpu.memory_space<vmem>> -> memref<1x128xi32, #tpu.memory_space<vmem>>
      %dma_start3A_77 = tpu.memref_squeeze %dma_start3A_76 : memref<1x128xi32, #tpu.memory_space<vmem>> -> memref<128xi32, #tpu.memory_space<vmem>>
      %dma_start3A_78 = arith.constant 0 : i32
      %dma_start3A_79 = arith.constant 0 : i32
      %dma_start3A_80 = tpu.memref_slice %arg4[%dma_start3A_78, %dma_start3A_79] : memref<10000x128xf32, #tpu.memory_space<hbm>> -> memref<10000x128xf32, #tpu.memory_space<hbm>>
      tpu.enqueue_indirect_dma source(%dma_start3A_80 : memref<10000x128xf32, #tpu.memory_space<hbm>>) target(%arg9 : memref<128x128xf32, #tpu.memory_space<vmem>>) offsets(%dma_start3A_77 : memref<128xi32, #tpu.memory_space<vmem>>) semaphore(%arg11 : memref<!tpu.dma_semaphore, #tpu.memory_space<semaphore_mem>>)
      "tpu.region"() ({
        %run_scoped3A = tpu.sem_alloc : memref<!tpu.dma_semaphore, #tpu.memory_space<semaphore_mem>>
        %dma_start3A_81 = arith.constant 0 : i32
        %dma_start3A_82 = tpu.memref_slice %arg8[%add3A_53, %dma_start3A_81] : memref<40x128xi32, #tpu.memory_space<vmem>> -> memref<1x128xi32, #tpu.memory_space<vmem>>
        %dma_start3A_83 = tpu.memref_squeeze %dma_start3A_82 : memref<1x128xi32, #tpu.memory_space<vmem>> -> memref<128xi32, #tpu.memory_space<vmem>>
        %dma_start3A_84 = arith.constant 0 : i32
        %dma_start3A_85 = arith.constant 0 : i32
        %dma_start3A_86 = tpu.memref_slice %arg13[%dma_start3A_84, %dma_start3A_85] : memref<10112x128xf32, #tpu.memory_space<vmem_shared>> -> memref<10112x128xf32, #tpu.memory_space<vmem_shared>>
        tpu.enqueue_indirect_dma source(%arg10 : memref<128x128xf32, #tpu.memory_space<vmem>>) target(%dma_start3A_86 : memref<10112x128xf32, #tpu.memory_space<vmem_shared>>) offsets(%dma_start3A_83 : memref<128xi32, #tpu.memory_space<vmem>>) semaphore(%run_scoped3A : memref<!tpu.dma_semaphore, #tpu.memory_space<semaphore_mem>>) {add = true}
        %dma_wait3A_87 = arith.constant 0 : i32
        %dma_wait3A_88 = tpu.memref_slice %arg8[%add3A_53, %dma_wait3A_87] : memref<40x128xi32, #tpu.memory_space<vmem>> -> memref<1x128xi32, #tpu.memory_space<vmem>>
        %dma_wait3A_89 = tpu.memref_squeeze %dma_wait3A_88 : memref<1x128xi32, #tpu.memory_space<vmem>> -> memref<128xi32, #tpu.memory_space<vmem>>
        %dma_wait3A_90 = arith.constant 0 : i32
        %dma_wait3A_91 = arith.constant 0 : i32
        %dma_wait3A_92 = tpu.memref_slice %arg13[%dma_wait3A_90, %dma_wait3A_91] : memref<10112x128xf32, #tpu.memory_space<vmem_shared>> -> memref<10112x128xf32, #tpu.memory_space<vmem_shared>>
        tpu.wait_indirect_dma semaphore(%run_scoped3A : memref<!tpu.dma_semaphore, #tpu.memory_space<semaphore_mem>>) src(%arg10 : memref<128x128xf32, #tpu.memory_space<vmem>>) dst(%dma_wait3A_92 : memref<10112x128xf32, #tpu.memory_space<vmem_shared>>)
        tpu.yield
      }) : () -> ()
    }
    %scan3A_15 = arith.constant 20 : i32
    %dma_wait3A = arith.constant 0 : i32
    %dma_wait3A_16 = arith.constant 0 : i32
    %dma_wait3A_17 = tpu.memref_slice %arg7[%dma_wait3A, %dma_wait3A_16] : memref<40x128xi32, #tpu.memory_space<vmem>> -> memref<1x128xi32, #tpu.memory_space<vmem>>
    %dma_wait3A_18 = tpu.memref_squeeze %dma_wait3A_17 : memref<1x128xi32, #tpu.memory_space<vmem>> -> memref<128xi32, #tpu.memory_space<vmem>>
    %dma_wait3A_19 = arith.constant 0 : i32
    %dma_wait3A_20 = arith.constant 0 : i32
    %dma_wait3A_21 = tpu.memref_slice %arg4[%dma_wait3A_19, %dma_wait3A_20] : memref<10000x128xf32, #tpu.memory_space<hbm>> -> memref<10000x128xf32, #tpu.memory_space<hbm>>
    tpu.wait_indirect_dma semaphore(%arg11 : memref<!tpu.dma_semaphore, #tpu.memory_space<semaphore_mem>>) src(%dma_wait3A_21 : memref<10000x128xf32, #tpu.memory_space<hbm>>) dst(%arg9 : memref<128x128xf32, #tpu.memory_space<vmem>>)
    "tpu.region"() ({
      %run_scoped3A = tpu.sem_alloc : memref<!tpu.dma_semaphore, #tpu.memory_space<semaphore_mem>>
      %dma_start3A_47 = arith.constant 40 : i32
      %dma_start3A_48 = arith.constant 0 : i32
      %dma_start3A_49 = tpu.memref_slice %arg2[%add3A, %dma_start3A_47, %dma_start3A_48] : memref<32x80x128xi32, #tpu.memory_space<hbm>> -> memref<1x40x128xi32, #tpu.memory_space<hbm>>
      %dma_start3A_50 = tpu.memref_squeeze %dma_start3A_49 : memref<1x40x128xi32, #tpu.memory_space<hbm>> -> memref<40x128xi32, #tpu.memory_space<hbm>>
      %dma_start3A_51 = arith.constant 40 : i32
      %dma_start3A_52 = arith.constant 0 : i32
      %dma_start3A_53 = tpu.memref_slice %arg2[%add3A, %dma_start3A_51, %dma_start3A_52] : memref<32x80x128xi32, #tpu.memory_space<hbm>> -> memref<1x40x128xi32, #tpu.memory_space<hbm>>
      %dma_start3A_54 = tpu.memref_squeeze %dma_start3A_53 : memref<1x40x128xi32, #tpu.memory_space<hbm>> -> memref<40x128xi32, #tpu.memory_space<hbm>>
      tpu.enqueue_dma source(%dma_start3A_54 : memref<40x128xi32, #tpu.memory_space<hbm>>) target(%arg7 : memref<40x128xi32, #tpu.memory_space<vmem>>) target_semaphore(%run_scoped3A : memref<!tpu.dma_semaphore, #tpu.memory_space<semaphore_mem>>)
      %dma_wait3A_55 = arith.constant 40 : i32
      %dma_wait3A_56 = arith.constant 0 : i32
      %dma_wait3A_57 = tpu.memref_slice %arg2[%add3A, %dma_wait3A_55, %dma_wait3A_56] : memref<32x80x128xi32, #tpu.memory_space<hbm>> -> memref<1x40x128xi32, #tpu.memory_space<hbm>>
      %dma_wait3A_58 = tpu.memref_squeeze %dma_wait3A_57 : memref<1x40x128xi32, #tpu.memory_space<hbm>> -> memref<40x128xi32, #tpu.memory_space<hbm>>
      %dma_wait3A_59 = arith.constant 40 : i32
      %dma_wait3A_60 = arith.constant 0 : i32
      %dma_wait3A_61 = tpu.memref_slice %arg2[%add3A, %dma_wait3A_59, %dma_wait3A_60] : memref<32x80x128xi32, #tpu.memory_space<hbm>> -> memref<1x40x128xi32, #tpu.memory_space<hbm>>
      %dma_wait3A_62 = tpu.memref_squeeze %dma_wait3A_61 : memref<1x40x128xi32, #tpu.memory_space<hbm>> -> memref<40x128xi32, #tpu.memory_space<hbm>>
      tpu.wait_dma2 semaphore(%run_scoped3A : memref<!tpu.dma_semaphore, #tpu.memory_space<semaphore_mem>>) src(%dma_wait3A_62 : memref<40x128xi32, #tpu.memory_space<hbm>>) dst(%arg7 : memref<40x128xi32, #tpu.memory_space<vmem>>)
      tpu.yield
    }) : () -> ()
    "tpu.region"() ({
      %run_scoped3A = tpu.sem_alloc : memref<!tpu.dma_semaphore, #tpu.memory_space<semaphore_mem>>
      %dma_start3A_47 = arith.constant 40 : i32
      %dma_start3A_48 = arith.constant 0 : i32
      %dma_start3A_49 = tpu.memref_slice %arg3[%add3A, %dma_start3A_47, %dma_start3A_48] : memref<32x80x128xi32, #tpu.memory_space<hbm>> -> memref<1x40x128xi32, #tpu.memory_space<hbm>>
      %dma_start3A_50 = tpu.memref_squeeze %dma_start3A_49 : memref<1x40x128xi32, #tpu.memory_space<hbm>> -> memref<40x128xi32, #tpu.memory_space<hbm>>
      %dma_start3A_51 = arith.constant 40 : i32
      %dma_start3A_52 = arith.constant 0 : i32
      %dma_start3A_53 = tpu.memref_slice %arg3[%add3A, %dma_start3A_51, %dma_start3A_52] : memref<32x80x128xi32, #tpu.memory_space<hbm>> -> memref<1x40x128xi32, #tpu.memory_space<hbm>>
      %dma_start3A_54 = tpu.memref_squeeze %dma_start3A_53 : memref<1x40x128xi32, #tpu.memory_space<hbm>> -> memref<40x128xi32, #tpu.memory_space<hbm>>
      tpu.enqueue_dma source(%dma_start3A_54 : memref<40x128xi32, #tpu.memory_space<hbm>>) target(%arg8 : memref<40x128xi32, #tpu.memory_space<vmem>>) target_semaphore(%run_scoped3A : memref<!tpu.dma_semaphore, #tpu.memory_space<semaphore_mem>>)
      %dma_wait3A_55 = arith.constant 40 : i32
      %dma_wait3A_56 = arith.constant 0 : i32
      %dma_wait3A_57 = tpu.memref_slice %arg3[%add3A, %dma_wait3A_55, %dma_wait3A_56] : memref<32x80x128xi32, #tpu.memory_space<hbm>> -> memref<1x40x128xi32, #tpu.memory_space<hbm>>
      %dma_wait3A_58 = tpu.memref_squeeze %dma_wait3A_57 : memref<1x40x128xi32, #tpu.memory_space<hbm>> -> memref<40x128xi32, #tpu.memory_space<hbm>>
      %dma_wait3A_59 = arith.constant 40 : i32
      %dma_wait3A_60 = arith.constant 0 : i32
      %dma_wait3A_61 = tpu.memref_slice %arg3[%add3A, %dma_wait3A_59, %dma_wait3A_60] : memref<32x80x128xi32, #tpu.memory_space<hbm>> -> memref<1x40x128xi32, #tpu.memory_space<hbm>>
      %dma_wait3A_62 = tpu.memref_squeeze %dma_wait3A_61 : memref<1x40x128xi32, #tpu.memory_space<hbm>> -> memref<40x128xi32, #tpu.memory_space<hbm>>
      tpu.wait_dma2 semaphore(%run_scoped3A : memref<!tpu.dma_semaphore, #tpu.memory_space<semaphore_mem>>) src(%dma_wait3A_62 : memref<40x128xi32, #tpu.memory_space<hbm>>) dst(%arg8 : memref<40x128xi32, #tpu.memory_space<vmem>>)
      tpu.yield
    }) : () -> ()
    %dma_start3A_22 = arith.constant 0 : i32
    %dma_start3A_23 = arith.constant 0 : i32
    %dma_start3A_24 = tpu.memref_slice %arg7[%dma_start3A_22, %dma_start3A_23] : memref<40x128xi32, #tpu.memory_space<vmem>> -> memref<1x128xi32, #tpu.memory_space<vmem>>
    %dma_start3A_25 = tpu.memref_squeeze %dma_start3A_24 : memref<1x128xi32, #tpu.memory_space<vmem>> -> memref<128xi32, #tpu.memory_space<vmem>>
    %dma_start3A_26 = arith.constant 0 : i32
    %dma_start3A_27 = arith.constant 0 : i32
    %dma_start3A_28 = tpu.memref_slice %arg4[%dma_start3A_26, %dma_start3A_27] : memref<10000x128xf32, #tpu.memory_space<hbm>> -> memref<10000x128xf32, #tpu.memory_space<hbm>>
    tpu.enqueue_indirect_dma source(%dma_start3A_28 : memref<10000x128xf32, #tpu.memory_space<hbm>>) target(%arg9 : memref<128x128xf32, #tpu.memory_space<vmem>>) offsets(%dma_start3A_25 : memref<128xi32, #tpu.memory_space<vmem>>) semaphore(%arg11 : memref<!tpu.dma_semaphore, #tpu.memory_space<semaphore_mem>>)
    %scan3A_29 = arith.constant 0 : i32
    %scan3A_30 = arith.constant 0 : i32
    %scan3A_31 = arith.constant 20 : i32
    %scan3A_32 = arith.addi %scan3A_30, %scan3A_31 : i32
    %scan3A_33 = arith.constant 1 : i32
    scf.for %scan3A_47 = %scan3A_30 to %scan3A_32 step %scan3A_33  : i32 {
      %mul3A_48 = arith.constant 2 : i32
      %mul3A_49 = arith.muli %mul3A_48, %scan3A_47 : i32
      %mul3A_50 = arith.constant 2 : i32
      %mul3A_51 = arith.muli %mul3A_50, %scan3A_47 : i32
      %add3A_52 = arith.constant 1 : i32
      %add3A_53 = arith.addi %mul3A_51, %add3A_52 : i32
      %add3A_54 = arith.constant 1 : i32
      %add3A_55 = arith.addi %add3A_53, %add3A_54 : i32
      %rem3A = arith.constant 40 : i32
      %rem3A_56 = arith.remsi %add3A_55, %rem3A : i32
      %dma_wait3A_57 = arith.constant 0 : i32
      %dma_wait3A_58 = tpu.memref_slice %arg7[%mul3A_49, %dma_wait3A_57] : memref<40x128xi32, #tpu.memory_space<vmem>> -> memref<1x128xi32, #tpu.memory_space<vmem>>
      %dma_wait3A_59 = tpu.memref_squeeze %dma_wait3A_58 : memref<1x128xi32, #tpu.memory_space<vmem>> -> memref<128xi32, #tpu.memory_space<vmem>>
      %dma_wait3A_60 = arith.constant 0 : i32
      %dma_wait3A_61 = arith.constant 0 : i32
      %dma_wait3A_62 = tpu.memref_slice %arg4[%dma_wait3A_60, %dma_wait3A_61] : memref<10000x128xf32, #tpu.memory_space<hbm>> -> memref<10000x128xf32, #tpu.memory_space<hbm>>
      tpu.wait_indirect_dma semaphore(%arg11 : memref<!tpu.dma_semaphore, #tpu.memory_space<semaphore_mem>>) src(%dma_wait3A_62 : memref<10000x128xf32, #tpu.memory_space<hbm>>) dst(%arg9 : memref<128x128xf32, #tpu.memory_space<vmem>>)
      %dma_start3A_63 = arith.constant 0 : i32
      %dma_start3A_64 = tpu.memref_slice %arg7[%add3A_53, %dma_start3A_63] : memref<40x128xi32, #tpu.memory_space<vmem>> -> memref<1x128xi32, #tpu.memory_space<vmem>>
      %dma_start3A_65 = tpu.memref_squeeze %dma_start3A_64 : memref<1x128xi32, #tpu.memory_space<vmem>> -> memref<128xi32, #tpu.memory_space<vmem>>
      %dma_start3A_66 = arith.constant 0 : i32
      %dma_start3A_67 = arith.constant 0 : i32
      %dma_start3A_68 = tpu.memref_slice %arg4[%dma_start3A_66, %dma_start3A_67] : memref<10000x128xf32, #tpu.memory_space<hbm>> -> memref<10000x128xf32, #tpu.memory_space<hbm>>
      tpu.enqueue_indirect_dma source(%dma_start3A_68 : memref<10000x128xf32, #tpu.memory_space<hbm>>) target(%arg10 : memref<128x128xf32, #tpu.memory_space<vmem>>) offsets(%dma_start3A_65 : memref<128xi32, #tpu.memory_space<vmem>>) semaphore(%arg12 : memref<!tpu.dma_semaphore, #tpu.memory_space<semaphore_mem>>)
      "tpu.region"() ({
        %run_scoped3A = tpu.sem_alloc : memref<!tpu.dma_semaphore, #tpu.memory_space<semaphore_mem>>
        %dma_start3A_81 = arith.constant 0 : i32
        %dma_start3A_82 = tpu.memref_slice %arg8[%mul3A_49, %dma_start3A_81] : memref<40x128xi32, #tpu.memory_space<vmem>> -> memref<1x128xi32, #tpu.memory_space<vmem>>
        %dma_start3A_83 = tpu.memref_squeeze %dma_start3A_82 : memref<1x128xi32, #tpu.memory_space<vmem>> -> memref<128xi32, #tpu.memory_space<vmem>>
        %dma_start3A_84 = arith.constant 0 : i32
        %dma_start3A_85 = arith.constant 0 : i32
        %dma_start3A_86 = tpu.memref_slice %arg13[%dma_start3A_84, %dma_start3A_85] : memref<10112x128xf32, #tpu.memory_space<vmem_shared>> -> memref<10112x128xf32, #tpu.memory_space<vmem_shared>>
        tpu.enqueue_indirect_dma source(%arg9 : memref<128x128xf32, #tpu.memory_space<vmem>>) target(%dma_start3A_86 : memref<10112x128xf32, #tpu.memory_space<vmem_shared>>) offsets(%dma_start3A_83 : memref<128xi32, #tpu.memory_space<vmem>>) semaphore(%run_scoped3A : memref<!tpu.dma_semaphore, #tpu.memory_space<semaphore_mem>>) {add = true}
        %dma_wait3A_87 = arith.constant 0 : i32
        %dma_wait3A_88 = tpu.memref_slice %arg8[%mul3A_49, %dma_wait3A_87] : memref<40x128xi32, #tpu.memory_space<vmem>> -> memref<1x128xi32, #tpu.memory_space<vmem>>
        %dma_wait3A_89 = tpu.memref_squeeze %dma_wait3A_88 : memref<1x128xi32, #tpu.memory_space<vmem>> -> memref<128xi32, #tpu.memory_space<vmem>>
        %dma_wait3A_90 = arith.constant 0 : i32
        %dma_wait3A_91 = arith.constant 0 : i32
        %dma_wait3A_92 = tpu.memref_slice %arg13[%dma_wait3A_90, %dma_wait3A_91] : memref<10112x128xf32, #tpu.memory_space<vmem_shared>> -> memref<10112x128xf32, #tpu.memory_space<vmem_shared>>
        tpu.wait_indirect_dma semaphore(%run_scoped3A : memref<!tpu.dma_semaphore, #tpu.memory_space<semaphore_mem>>) src(%arg9 : memref<128x128xf32, #tpu.memory_space<vmem>>) dst(%dma_wait3A_92 : memref<10112x128xf32, #tpu.memory_space<vmem_shared>>)
        tpu.yield
      }) : () -> ()
      %dma_wait3A_69 = arith.constant 0 : i32
      %dma_wait3A_70 = tpu.memref_slice %arg7[%add3A_53, %dma_wait3A_69] : memref<40x128xi32, #tpu.memory_space<vmem>> -> memref<1x128xi32, #tpu.memory_space<vmem>>
      %dma_wait3A_71 = tpu.memref_squeeze %dma_wait3A_70 : memref<1x128xi32, #tpu.memory_space<vmem>> -> memref<128xi32, #tpu.memory_space<vmem>>
      %dma_wait3A_72 = arith.constant 0 : i32
      %dma_wait3A_73 = arith.constant 0 : i32
      %dma_wait3A_74 = tpu.memref_slice %arg4[%dma_wait3A_72, %dma_wait3A_73] : memref<10000x128xf32, #tpu.memory_space<hbm>> -> memref<10000x128xf32, #tpu.memory_space<hbm>>
      tpu.wait_indirect_dma semaphore(%arg12 : memref<!tpu.dma_semaphore, #tpu.memory_space<semaphore_mem>>) src(%dma_wait3A_74 : memref<10000x128xf32, #tpu.memory_space<hbm>>) dst(%arg10 : memref<128x128xf32, #tpu.memory_space<vmem>>)
      %dma_start3A_75 = arith.constant 0 : i32
      %dma_start3A_76 = tpu.memref_slice %arg7[%rem3A_56, %dma_start3A_75] : memref<40x128xi32, #tpu.memory_space<vmem>> -> memref<1x128xi32, #tpu.memory_space<vmem>>
      %dma_start3A_77 = tpu.memref_squeeze %dma_start3A_76 : memref<1x128xi32, #tpu.memory_space<vmem>> -> memref<128xi32, #tpu.memory_space<vmem>>
      %dma_start3A_78 = arith.constant 0 : i32
      %dma_start3A_79 = arith.constant 0 : i32
      %dma_start3A_80 = tpu.memref_slice %arg4[%dma_start3A_78, %dma_start3A_79] : memref<10000x128xf32, #tpu.memory_space<hbm>> -> memref<10000x128xf32, #tpu.memory_space<hbm>>
      tpu.enqueue_indirect_dma source(%dma_start3A_80 : memref<10000x128xf32, #tpu.memory_space<hbm>>) target(%arg9 : memref<128x128xf32, #tpu.memory_space<vmem>>) offsets(%dma_start3A_77 : memref<128xi32, #tpu.memory_space<vmem>>) semaphore(%arg11 : memref<!tpu.dma_semaphore, #tpu.memory_space<semaphore_mem>>)
      "tpu.region"() ({
        %run_scoped3A = tpu.sem_alloc : memref<!tpu.dma_semaphore, #tpu.memory_space<semaphore_mem>>
        %dma_start3A_81 = arith.constant 0 : i32
        %dma_start3A_82 = tpu.memref_slice %arg8[%add3A_53, %dma_start3A_81] : memref<40x128xi32, #tpu.memory_space<vmem>> -> memref<1x128xi32, #tpu.memory_space<vmem>>
        %dma_start3A_83 = tpu.memref_squeeze %dma_start3A_82 : memref<1x128xi32, #tpu.memory_space<vmem>> -> memref<128xi32, #tpu.memory_space<vmem>>
        %dma_start3A_84 = arith.constant 0 : i32
        %dma_start3A_85 = arith.constant 0 : i32
        %dma_start3A_86 = tpu.memref_slice %arg13[%dma_start3A_84, %dma_start3A_85] : memref<10112x128xf32, #tpu.memory_space<vmem_shared>> -> memref<10112x128xf32, #tpu.memory_space<vmem_shared>>
        tpu.enqueue_indirect_dma source(%arg10 : memref<128x128xf32, #tpu.memory_space<vmem>>) target(%dma_start3A_86 : memref<10112x128xf32, #tpu.memory_space<vmem_shared>>) offsets(%dma_start3A_83 : memref<128xi32, #tpu.memory_space<vmem>>) semaphore(%run_scoped3A : memref<!tpu.dma_semaphore, #tpu.memory_space<semaphore_mem>>) {add = true}
        %dma_wait3A_87 = arith.constant 0 : i32
        %dma_wait3A_88 = tpu.memref_slice %arg8[%add3A_53, %dma_wait3A_87] : memref<40x128xi32, #tpu.memory_space<vmem>> -> memref<1x128xi32, #tpu.memory_space<vmem>>
        %dma_wait3A_89 = tpu.memref_squeeze %dma_wait3A_88 : memref<1x128xi32, #tpu.memory_space<vmem>> -> memref<128xi32, #tpu.memory_space<vmem>>
        %dma_wait3A_90 = arith.constant 0 : i32
        %dma_wait3A_91 = arith.constant 0 : i32
        %dma_wait3A_92 = tpu.memref_slice %arg13[%dma_wait3A_90, %dma_wait3A_91] : memref<10112x128xf32, #tpu.memory_space<vmem_shared>> -> memref<10112x128xf32, #tpu.memory_space<vmem_shared>>
        tpu.wait_indirect_dma semaphore(%run_scoped3A : memref<!tpu.dma_semaphore, #tpu.memory_space<semaphore_mem>>) src(%arg10 : memref<128x128xf32, #tpu.memory_space<vmem>>) dst(%dma_wait3A_92 : memref<10112x128xf32, #tpu.memory_space<vmem_shared>>)
        tpu.yield
      }) : () -> ()
    }
    %scan3A_34 = arith.constant 20 : i32
    %dma_wait3A_35 = arith.constant 0 : i32
    %dma_wait3A_36 = arith.constant 0 : i32
    %dma_wait3A_37 = tpu.memref_slice %arg7[%dma_wait3A_35, %dma_wait3A_36] : memref<40x128xi32, #tpu.memory_space<vmem>> -> memref<1x128xi32, #tpu.memory_space<vmem>>
    %dma_wait3A_38 = tpu.memref_squeeze %dma_wait3A_37 : memref<1x128xi32, #tpu.memory_space<vmem>> -> memref<128xi32, #tpu.memory_space<vmem>>
    %dma_wait3A_39 = arith.constant 0 : i32
    %dma_wait3A_40 = arith.constant 0 : i32
    %dma_wait3A_41 = tpu.memref_slice %arg4[%dma_wait3A_39, %dma_wait3A_40] : memref<10000x128xf32, #tpu.memory_space<hbm>> -> memref<10000x128xf32, #tpu.memory_space<hbm>>
    tpu.wait_indirect_dma semaphore(%arg11 : memref<!tpu.dma_semaphore, #tpu.memory_space<semaphore_mem>>) src(%dma_wait3A_41 : memref<10000x128xf32, #tpu.memory_space<hbm>>) dst(%arg9 : memref<128x128xf32, #tpu.memory_space<vmem>>)
    %barrier3A_42 = arith.constant 0 : index
    tpu.barrier barrier_id(%barrier3A_42)
    %mul3A_43 = arith.constant 632 : i32
    %mul3A_44 = arith.muli %arg1, %mul3A_43 : i32
    %mul3A_45 = arith.constant 632 : i32
    %mul3A_46 = arith.muli %arg1, %mul3A_45 : i32
    "tpu.region"() ({
      %run_scoped3A = tpu.sem_alloc : memref<!tpu.dma_semaphore, #tpu.memory_space<semaphore_mem>>
      %dma_start3A_47 = arith.constant 0 : i32
      %dma_start3A_48 = tpu.memref_slice %arg6[%arg0, %mul3A_46, %dma_start3A_47] : memref<2x10112x128xf32, #tpu.memory_space<hbm>> -> memref<1x632x128xf32, #tpu.memory_space<hbm>>
      %dma_start3A_49 = tpu.memref_squeeze %dma_start3A_48 : memref<1x632x128xf32, #tpu.memory_space<hbm>> -> memref<632x128xf32, #tpu.memory_space<hbm>>
      %dma_start3A_50 = arith.constant 0 : i32
      %dma_start3A_51 = tpu.memref_slice %arg13[%mul3A_44, %dma_start3A_50] : memref<10112x128xf32, #tpu.memory_space<vmem_shared>> -> memref<632x128xf32, #tpu.memory_space<vmem_shared>>
      tpu.enqueue_dma source(%dma_start3A_51 : memref<632x128xf32, #tpu.memory_space<vmem_shared>>) target(%dma_start3A_49 : memref<632x128xf32, #tpu.memory_space<hbm>>) target_semaphore(%run_scoped3A : memref<!tpu.dma_semaphore, #tpu.memory_space<semaphore_mem>>)
      %dma_wait3A_52 = arith.constant 0 : i32
      %dma_wait3A_53 = tpu.memref_slice %arg6[%arg0, %mul3A_46, %dma_wait3A_52] : memref<2x10112x128xf32, #tpu.memory_space<hbm>> -> memref<1x632x128xf32, #tpu.memory_space<hbm>>
      %dma_wait3A_54 = tpu.memref_squeeze %dma_wait3A_53 : memref<1x632x128xf32, #tpu.memory_space<hbm>> -> memref<632x128xf32, #tpu.memory_space<hbm>>
      %dma_wait3A_55 = arith.constant 0 : i32
      %dma_wait3A_56 = tpu.memref_slice %arg13[%mul3A_44, %dma_wait3A_55] : memref<10112x128xf32, #tpu.memory_space<vmem_shared>> -> memref<632x128xf32, #tpu.memory_space<vmem_shared>>
      tpu.wait_dma2 semaphore(%run_scoped3A : memref<!tpu.dma_semaphore, #tpu.memory_space<semaphore_mem>>) src(%dma_wait3A_56 : memref<632x128xf32, #tpu.memory_space<vmem_shared>>) dst(%dma_wait3A_54 : memref<632x128xf32, #tpu.memory_space<hbm>>)
      tpu.yield
    }) : () -> ()
    return
  }
}

#map = affine_map<(d0, d1) -> (0, 0, 0)>
#map1 = affine_map<(d0, d1) -> (0, 0)>
module attributes {stable_mosaic.version = 14 : i64} {
  func.func @scatter_kernel(%arg0: i32, %arg1: i32, %arg2: memref<32x80x128xi32, #tpu.memory_space<hbm>>, %arg3: memref<32x80x128xi32, #tpu.memory_space<hbm>>, %arg4: memref<10000x128xf32, #tpu.memory_space<hbm>>, %arg5: memref<10112x128xf32, #tpu.memory_space<hbm>>, %arg6: memref<2x10112x128xf32, #tpu.memory_space<hbm>>, %arg7: memref<40x128xi32, #tpu.memory_space<vmem>>, %arg8: memref<40x128xi32, #tpu.memory_space<vmem>>, %arg9: memref<128x128xf32, #tpu.memory_space<vmem>>, %arg10: memref<128x128xf32, #tpu.memory_space<vmem>>, %arg11: memref<!tpu.dma_semaphore, #tpu.memory_space<semaphore_mem>>, %arg12: memref<!tpu.dma_semaphore, #tpu.memory_space<semaphore_mem>>, %arg13: memref<10112x128xf32, #tpu.memory_space<vmem_shared>>) attributes {dimension_semantics = [#tpu.dimension_semantics<core_parallel>, #tpu.dimension_semantics<subcore_parallel>], iteration_bounds = array<i64: 2, 16>, scalar_prefetch = 0 : i64, scratch_operands = 7 : i64, tpu.core_type = #tpu.core_type<sc_vector_subcore>, window_params = [{transform_indices = #map}, {transform_indices = #map}, {transform_indices = #map1}, {transform_indices = #map1}, {transform_indices = #map}]} {
    %mul3A = arith.constant 16 : i32
    %mul3A_0 = arith.muli %arg0, %mul3A : i32
    %add3A = arith.addi %mul3A_0, %arg1 : i32
    %mul3A_1 = arith.constant 632 : i32
    %mul3A_2 = arith.muli %arg1, %mul3A_1 : i32
    %mul3A_3 = arith.constant 632 : i32
    %mul3A_4 = arith.muli %arg1, %mul3A_3 : i32
    "tpu.region"() ({
      %run_scoped3A = tpu.sem_alloc : memref<!tpu.dma_semaphore, #tpu.memory_space<semaphore_mem>>
      %dma_start3A_47 = arith.constant 0 : i32
      %dma_start3A_48 = tpu.memref_slice %arg13[%mul3A_4, %dma_start3A_47] : memref<10112x128xf32, #tpu.memory_space<vmem_shared>> -> memref<632x128xf32, #tpu.memory_space<vmem_shared>>
      %dma_start3A_49 = arith.constant 0 : i32
      %dma_start3A_50 = tpu.memref_slice %arg5[%mul3A_2, %dma_start3A_49] : memref<10112x128xf32, #tpu.memory_space<hbm>> -> memref<632x128xf32, #tpu.memory_space<hbm>>
      tpu.enqueue_dma source(%dma_start3A_50 : memref<632x128xf32, #tpu.memory_space<hbm>>) target(%dma_start3A_48 : memref<632x128xf32, #tpu.memory_space<vmem_shared>>) target_semaphore(%run_scoped3A : memref<!tpu.dma_semaphore, #tpu.memory_space<semaphore_mem>>)
      %dma_wait3A_51 = arith.constant 0 : i32
      %dma_wait3A_52 = tpu.memref_slice %arg13[%mul3A_4, %dma_wait3A_51] : memref<10112x128xf32, #tpu.memory_space<vmem_shared>> -> memref<632x128xf32, #tpu.memory_space<vmem_shared>>
      %dma_wait3A_53 = arith.constant 0 : i32
      %dma_wait3A_54 = tpu.memref_slice %arg5[%mul3A_2, %dma_wait3A_53] : memref<10112x128xf32, #tpu.memory_space<hbm>> -> memref<632x128xf32, #tpu.memory_space<hbm>>
      tpu.wait_dma2 semaphore(%run_scoped3A : memref<!tpu.dma_semaphore, #tpu.memory_space<semaphore_mem>>) src(%dma_wait3A_54 : memref<632x128xf32, #tpu.memory_space<hbm>>) dst(%dma_wait3A_52 : memref<632x128xf32, #tpu.memory_space<vmem_shared>>)
      tpu.yield
    }) : () -> ()
    %barrier3A = arith.constant 0 : index
    tpu.barrier barrier_id(%barrier3A)
    "tpu.region"() ({
      %run_scoped3A = tpu.sem_alloc : memref<!tpu.dma_semaphore, #tpu.memory_space<semaphore_mem>>
      %dma_start3A_47 = arith.constant 0 : i32
      %dma_start3A_48 = arith.constant 0 : i32
      %dma_start3A_49 = tpu.memref_slice %arg2[%add3A, %dma_start3A_47, %dma_start3A_48] : memref<32x80x128xi32, #tpu.memory_space<hbm>> -> memref<1x40x128xi32, #tpu.memory_space<hbm>>
      %dma_start3A_50 = tpu.memref_squeeze %dma_start3A_49 : memref<1x40x128xi32, #tpu.memory_space<hbm>> -> memref<40x128xi32, #tpu.memory_space<hbm>>
      %dma_start3A_51 = arith.constant 0 : i32
      %dma_start3A_52 = arith.constant 0 : i32
      %dma_start3A_53 = tpu.memref_slice %arg2[%add3A, %dma_start3A_51, %dma_start3A_52] : memref<32x80x128xi32, #tpu.memory_space<hbm>> -> memref<1x40x128xi32, #tpu.memory_space<hbm>>
      %dma_start3A_54 = tpu.memref_squeeze %dma_start3A_53 : memref<1x40x128xi32, #tpu.memory_space<hbm>> -> memref<40x128xi32, #tpu.memory_space<hbm>>
      tpu.enqueue_dma source(%dma_start3A_54 : memref<40x128xi32, #tpu.memory_space<hbm>>) target(%arg7 : memref<40x128xi32, #tpu.memory_space<vmem>>) target_semaphore(%run_scoped3A : memref<!tpu.dma_semaphore, #tpu.memory_space<semaphore_mem>>)
      %dma_wait3A_55 = arith.constant 0 : i32
      %dma_wait3A_56 = arith.constant 0 : i32
      %dma_wait3A_57 = tpu.memref_slice %arg2[%add3A, %dma_wait3A_55, %dma_wait3A_56] : memref<32x80x128xi32, #tpu.memory_space<hbm>> -> memref<1x40x128xi32, #tpu.memory_space<hbm>>
      %dma_wait3A_58 = tpu.memref_squeeze %dma_wait3A_57 : memref<1x40x128xi32, #tpu.memory_space<hbm>> -> memref<40x128xi32, #tpu.memory_space<hbm>>
      %dma_wait3A_59 = arith.constant 0 : i32
      %dma_wait3A_60 = arith.constant 0 : i32
      %dma_wait3A_61 = tpu.memref_slice %arg2[%add3A, %dma_wait3A_59, %dma_wait3A_60] : memref<32x80x128xi32, #tpu.memory_space<hbm>> -> memref<1x40x128xi32, #tpu.memory_space<hbm>>
      %dma_wait3A_62 = tpu.memref_squeeze %dma_wait3A_61 : memref<1x40x128xi32, #tpu.memory_space<hbm>> -> memref<40x128xi32, #tpu.memory_space<hbm>>
      tpu.wait_dma2 semaphore(%run_scoped3A : memref<!tpu.dma_semaphore, #tpu.memory_space<semaphore_mem>>) src(%dma_wait3A_62 : memref<40x128xi32, #tpu.memory_space<hbm>>) dst(%arg7 : memref<40x128xi32, #tpu.memory_space<vmem>>)
      tpu.yield
    }) : () -> ()
    "tpu.region"() ({
      %run_scoped3A = tpu.sem_alloc : memref<!tpu.dma_semaphore, #tpu.memory_space<semaphore_mem>>
      %dma_start3A_47 = arith.constant 0 : i32
      %dma_start3A_48 = arith.constant 0 : i32
      %dma_start3A_49 = tpu.memref_slice %arg3[%add3A, %dma_start3A_47, %dma_start3A_48] : memref<32x80x128xi32, #tpu.memory_space<hbm>> -> memref<1x40x128xi32, #tpu.memory_space<hbm>>
      %dma_start3A_50 = tpu.memref_squeeze %dma_start3A_49 : memref<1x40x128xi32, #tpu.memory_space<hbm>> -> memref<40x128xi32, #tpu.memory_space<hbm>>
      %dma_start3A_51 = arith.constant 0 : i32
      %dma_start3A_52 = arith.constant 0 : i32
      %dma_start3A_53 = tpu.memref_slice %arg3[%add3A, %dma_start3A_51, %dma_start3A_52] : memref<32x80x128xi32, #tpu.memory_space<hbm>> -> memref<1x40x128xi32, #tpu.memory_space<hbm>>
      %dma_start3A_54 = tpu.memref_squeeze %dma_start3A_53 : memref<1x40x128xi32, #tpu.memory_space<hbm>> -> memref<40x128xi32, #tpu.memory_space<hbm>>
      tpu.enqueue_dma source(%dma_start3A_54 : memref<40x128xi32, #tpu.memory_space<hbm>>) target(%arg8 : memref<40x128xi32, #tpu.memory_space<vmem>>) target_semaphore(%run_scoped3A : memref<!tpu.dma_semaphore, #tpu.memory_space<semaphore_mem>>)
      %dma_wait3A_55 = arith.constant 0 : i32
      %dma_wait3A_56 = arith.constant 0 : i32
      %dma_wait3A_57 = tpu.memref_slice %arg3[%add3A, %dma_wait3A_55, %dma_wait3A_56] : memref<32x80x128xi32, #tpu.memory_space<hbm>> -> memref<1x40x128xi32, #tpu.memory_space<hbm>>
      %dma_wait3A_58 = tpu.memref_squeeze %dma_wait3A_57 : memref<1x40x128xi32, #tpu.memory_space<hbm>> -> memref<40x128xi32, #tpu.memory_space<hbm>>
      %dma_wait3A_59 = arith.constant 0 : i32
      %dma_wait3A_60 = arith.constant 0 : i32
      %dma_wait3A_61 = tpu.memref_slice %arg3[%add3A, %dma_wait3A_59, %dma_wait3A_60] : memref<32x80x128xi32, #tpu.memory_space<hbm>> -> memref<1x40x128xi32, #tpu.memory_space<hbm>>
      %dma_wait3A_62 = tpu.memref_squeeze %dma_wait3A_61 : memref<1x40x128xi32, #tpu.memory_space<hbm>> -> memref<40x128xi32, #tpu.memory_space<hbm>>
      tpu.wait_dma2 semaphore(%run_scoped3A : memref<!tpu.dma_semaphore, #tpu.memory_space<semaphore_mem>>) src(%dma_wait3A_62 : memref<40x128xi32, #tpu.memory_space<hbm>>) dst(%arg8 : memref<40x128xi32, #tpu.memory_space<vmem>>)
      tpu.yield
    }) : () -> ()
    %dma_start3A = arith.constant 0 : i32
    %dma_start3A_5 = arith.constant 0 : i32
    %dma_start3A_6 = tpu.memref_slice %arg7[%dma_start3A, %dma_start3A_5] : memref<40x128xi32, #tpu.memory_space<vmem>> -> memref<1x128xi32, #tpu.memory_space<vmem>>
    %dma_start3A_7 = tpu.memref_squeeze %dma_start3A_6 : memref<1x128xi32, #tpu.memory_space<vmem>> -> memref<128xi32, #tpu.memory_space<vmem>>
    %dma_start3A_8 = arith.constant 0 : i32
    %dma_start3A_9 = arith.constant 0 : i32
    %dma_start3A_10 = tpu.memref_slice %arg4[%dma_start3A_8, %dma_start3A_9] : memref<10000x128xf32, #tpu.memory_space<hbm>> -> memref<10000x128xf32, #tpu.memory_space<hbm>>
    tpu.enqueue_indirect_dma source(%dma_start3A_10 : memref<10000x128xf32, #tpu.memory_space<hbm>>) target(%arg9 : memref<128x128xf32, #tpu.memory_space<vmem>>) offsets(%dma_start3A_7 : memref<128xi32, #tpu.memory_space<vmem>>) semaphore(%arg11 : memref<!tpu.dma_semaphore, #tpu.memory_space<semaphore_mem>>)
    %scan3A = arith.constant 0 : i32
    %scan3A_11 = arith.constant 0 : i32
    %scan3A_12 = arith.constant 20 : i32
    %scan3A_13 = arith.addi %scan3A_11, %scan3A_12 : i32
    %scan3A_14 = arith.constant 1 : i32
    scf.for %scan3A_47 = %scan3A_11 to %scan3A_13 step %scan3A_14  : i32 {
      %mul3A_48 = arith.constant 2 : i32
      %mul3A_49 = arith.muli %mul3A_48, %scan3A_47 : i32
      %mul3A_50 = arith.constant 2 : i32
      %mul3A_51 = arith.muli %mul3A_50, %scan3A_47 : i32
      %add3A_52 = arith.constant 1 : i32
      %add3A_53 = arith.addi %mul3A_51, %add3A_52 : i32
      %add3A_54 = arith.constant 1 : i32
      %add3A_55 = arith.addi %add3A_53, %add3A_54 : i32
      %rem3A = arith.constant 40 : i32
      %rem3A_56 = arith.remsi %add3A_55, %rem3A : i32
      %dma_wait3A_57 = arith.constant 0 : i32
      %dma_wait3A_58 = tpu.memref_slice %arg7[%mul3A_49, %dma_wait3A_57] : memref<40x128xi32, #tpu.memory_space<vmem>> -> memref<1x128xi32, #tpu.memory_space<vmem>>
      %dma_wait3A_59 = tpu.memref_squeeze %dma_wait3A_58 : memref<1x128xi32, #tpu.memory_space<vmem>> -> memref<128xi32, #tpu.memory_space<vmem>>
      %dma_wait3A_60 = arith.constant 0 : i32
      %dma_wait3A_61 = arith.constant 0 : i32
      %dma_wait3A_62 = tpu.memref_slice %arg4[%dma_wait3A_60, %dma_wait3A_61] : memref<10000x128xf32, #tpu.memory_space<hbm>> -> memref<10000x128xf32, #tpu.memory_space<hbm>>
      tpu.wait_indirect_dma semaphore(%arg11 : memref<!tpu.dma_semaphore, #tpu.memory_space<semaphore_mem>>) src(%dma_wait3A_62 : memref<10000x128xf32, #tpu.memory_space<hbm>>) dst(%arg9 : memref<128x128xf32, #tpu.memory_space<vmem>>)
      %dma_start3A_63 = arith.constant 0 : i32
      %dma_start3A_64 = tpu.memref_slice %arg7[%add3A_53, %dma_start3A_63] : memref<40x128xi32, #tpu.memory_space<vmem>> -> memref<1x128xi32, #tpu.memory_space<vmem>>
      %dma_start3A_65 = tpu.memref_squeeze %dma_start3A_64 : memref<1x128xi32, #tpu.memory_space<vmem>> -> memref<128xi32, #tpu.memory_space<vmem>>
      %dma_start3A_66 = arith.constant 0 : i32
      %dma_start3A_67 = arith.constant 0 : i32
      %dma_start3A_68 = tpu.memref_slice %arg4[%dma_start3A_66, %dma_start3A_67] : memref<10000x128xf32, #tpu.memory_space<hbm>> -> memref<10000x128xf32, #tpu.memory_space<hbm>>
      tpu.enqueue_indirect_dma source(%dma_start3A_68 : memref<10000x128xf32, #tpu.memory_space<hbm>>) target(%arg10 : memref<128x128xf32, #tpu.memory_space<vmem>>) offsets(%dma_start3A_65 : memref<128xi32, #tpu.memory_space<vmem>>) semaphore(%arg12 : memref<!tpu.dma_semaphore, #tpu.memory_space<semaphore_mem>>)
      "tpu.region"() ({
        %run_scoped3A = tpu.sem_alloc : memref<!tpu.dma_semaphore, #tpu.memory_space<semaphore_mem>>
        %dma_start3A_81 = arith.constant 0 : i32
        %dma_start3A_82 = tpu.memref_slice %arg8[%mul3A_49, %dma_start3A_81] : memref<40x128xi32, #tpu.memory_space<vmem>> -> memref<1x128xi32, #tpu.memory_space<vmem>>
        %dma_start3A_83 = tpu.memref_squeeze %dma_start3A_82 : memref<1x128xi32, #tpu.memory_space<vmem>> -> memref<128xi32, #tpu.memory_space<vmem>>
        %dma_start3A_84 = arith.constant 0 : i32
        %dma_start3A_85 = arith.constant 0 : i32
        %dma_start3A_86 = tpu.memref_slice %arg13[%dma_start3A_84, %dma_start3A_85] : memref<10112x128xf32, #tpu.memory_space<vmem_shared>> -> memref<10112x128xf32, #tpu.memory_space<vmem_shared>>
        tpu.enqueue_indirect_dma source(%arg9 : memref<128x128xf32, #tpu.memory_space<vmem>>) target(%dma_start3A_86 : memref<10112x128xf32, #tpu.memory_space<vmem_shared>>) offsets(%dma_start3A_83 : memref<128xi32, #tpu.memory_space<vmem>>) semaphore(%run_scoped3A : memref<!tpu.dma_semaphore, #tpu.memory_space<semaphore_mem>>) {add = true}
        %dma_wait3A_87 = arith.constant 0 : i32
        %dma_wait3A_88 = tpu.memref_slice %arg8[%mul3A_49, %dma_wait3A_87] : memref<40x128xi32, #tpu.memory_space<vmem>> -> memref<1x128xi32, #tpu.memory_space<vmem>>
        %dma_wait3A_89 = tpu.memref_squeeze %dma_wait3A_88 : memref<1x128xi32, #tpu.memory_space<vmem>> -> memref<128xi32, #tpu.memory_space<vmem>>
        %dma_wait3A_90 = arith.constant 0 : i32
        %dma_wait3A_91 = arith.constant 0 : i32
        %dma_wait3A_92 = tpu.memref_slice %arg13[%dma_wait3A_90, %dma_wait3A_91] : memref<10112x128xf32, #tpu.memory_space<vmem_shared>> -> memref<10112x128xf32, #tpu.memory_space<vmem_shared>>
        tpu.wait_indirect_dma semaphore(%run_scoped3A : memref<!tpu.dma_semaphore, #tpu.memory_space<semaphore_mem>>) src(%arg9 : memref<128x128xf32, #tpu.memory_space<vmem>>) dst(%dma_wait3A_92 : memref<10112x128xf32, #tpu.memory_space<vmem_shared>>)
        tpu.yield
      }) : () -> ()
      %dma_wait3A_69 = arith.constant 0 : i32
      %dma_wait3A_70 = tpu.memref_slice %arg7[%add3A_53, %dma_wait3A_69] : memref<40x128xi32, #tpu.memory_space<vmem>> -> memref<1x128xi32, #tpu.memory_space<vmem>>
      %dma_wait3A_71 = tpu.memref_squeeze %dma_wait3A_70 : memref<1x128xi32, #tpu.memory_space<vmem>> -> memref<128xi32, #tpu.memory_space<vmem>>
      %dma_wait3A_72 = arith.constant 0 : i32
      %dma_wait3A_73 = arith.constant 0 : i32
      %dma_wait3A_74 = tpu.memref_slice %arg4[%dma_wait3A_72, %dma_wait3A_73] : memref<10000x128xf32, #tpu.memory_space<hbm>> -> memref<10000x128xf32, #tpu.memory_space<hbm>>
      tpu.wait_indirect_dma semaphore(%arg12 : memref<!tpu.dma_semaphore, #tpu.memory_space<semaphore_mem>>) src(%dma_wait3A_74 : memref<10000x128xf32, #tpu.memory_space<hbm>>) dst(%arg10 : memref<128x128xf32, #tpu.memory_space<vmem>>)
      %dma_start3A_75 = arith.constant 0 : i32
      %dma_start3A_76 = tpu.memref_slice %arg7[%rem3A_56, %dma_start3A_75] : memref<40x128xi32, #tpu.memory_space<vmem>> -> memref<1x128xi32, #tpu.memory_space<vmem>>
      %dma_start3A_77 = tpu.memref_squeeze %dma_start3A_76 : memref<1x128xi32, #tpu.memory_space<vmem>> -> memref<128xi32, #tpu.memory_space<vmem>>
      %dma_start3A_78 = arith.constant 0 : i32
      %dma_start3A_79 = arith.constant 0 : i32
      %dma_start3A_80 = tpu.memref_slice %arg4[%dma_start3A_78, %dma_start3A_79] : memref<10000x128xf32, #tpu.memory_space<hbm>> -> memref<10000x128xf32, #tpu.memory_space<hbm>>
      tpu.enqueue_indirect_dma source(%dma_start3A_80 : memref<10000x128xf32, #tpu.memory_space<hbm>>) target(%arg9 : memref<128x128xf32, #tpu.memory_space<vmem>>) offsets(%dma_start3A_77 : memref<128xi32, #tpu.memory_space<vmem>>) semaphore(%arg11 : memref<!tpu.dma_semaphore, #tpu.memory_space<semaphore_mem>>)
      "tpu.region"() ({
        %run_scoped3A = tpu.sem_alloc : memref<!tpu.dma_semaphore, #tpu.memory_space<semaphore_mem>>
        %dma_start3A_81 = arith.constant 0 : i32
        %dma_start3A_82 = tpu.memref_slice %arg8[%add3A_53, %dma_start3A_81] : memref<40x128xi32, #tpu.memory_space<vmem>> -> memref<1x128xi32, #tpu.memory_space<vmem>>
        %dma_start3A_83 = tpu.memref_squeeze %dma_start3A_82 : memref<1x128xi32, #tpu.memory_space<vmem>> -> memref<128xi32, #tpu.memory_space<vmem>>
        %dma_start3A_84 = arith.constant 0 : i32
        %dma_start3A_85 = arith.constant 0 : i32
        %dma_start3A_86 = tpu.memref_slice %arg13[%dma_start3A_84, %dma_start3A_85] : memref<10112x128xf32, #tpu.memory_space<vmem_shared>> -> memref<10112x128xf32, #tpu.memory_space<vmem_shared>>
        tpu.enqueue_indirect_dma source(%arg10 : memref<128x128xf32, #tpu.memory_space<vmem>>) target(%dma_start3A_86 : memref<10112x128xf32, #tpu.memory_space<vmem_shared>>) offsets(%dma_start3A_83 : memref<128xi32, #tpu.memory_space<vmem>>) semaphore(%run_scoped3A : memref<!tpu.dma_semaphore, #tpu.memory_space<semaphore_mem>>) {add = true}
        %dma_wait3A_87 = arith.constant 0 : i32
        %dma_wait3A_88 = tpu.memref_slice %arg8[%add3A_53, %dma_wait3A_87] : memref<40x128xi32, #tpu.memory_space<vmem>> -> memref<1x128xi32, #tpu.memory_space<vmem>>
        %dma_wait3A_89 = tpu.memref_squeeze %dma_wait3A_88 : memref<1x128xi32, #tpu.memory_space<vmem>> -> memref<128xi32, #tpu.memory_space<vmem>>
        %dma_wait3A_90 = arith.constant 0 : i32
        %dma_wait3A_91 = arith.constant 0 : i32
        %dma_wait3A_92 = tpu.memref_slice %arg13[%dma_wait3A_90, %dma_wait3A_91] : memref<10112x128xf32, #tpu.memory_space<vmem_shared>> -> memref<10112x128xf32, #tpu.memory_space<vmem_shared>>
        tpu.wait_indirect_dma semaphore(%run_scoped3A : memref<!tpu.dma_semaphore, #tpu.memory_space<semaphore_mem>>) src(%arg10 : memref<128x128xf32, #tpu.memory_space<vmem>>) dst(%dma_wait3A_92 : memref<10112x128xf32, #tpu.memory_space<vmem_shared>>)
        tpu.yield
      }) : () -> ()
    }
    %scan3A_15 = arith.constant 20 : i32
    %dma_wait3A = arith.constant 0 : i32
    %dma_wait3A_16 = arith.constant 0 : i32
    %dma_wait3A_17 = tpu.memref_slice %arg7[%dma_wait3A, %dma_wait3A_16] : memref<40x128xi32, #tpu.memory_space<vmem>> -> memref<1x128xi32, #tpu.memory_space<vmem>>
    %dma_wait3A_18 = tpu.memref_squeeze %dma_wait3A_17 : memref<1x128xi32, #tpu.memory_space<vmem>> -> memref<128xi32, #tpu.memory_space<vmem>>
    %dma_wait3A_19 = arith.constant 0 : i32
    %dma_wait3A_20 = arith.constant 0 : i32
    %dma_wait3A_21 = tpu.memref_slice %arg4[%dma_wait3A_19, %dma_wait3A_20] : memref<10000x128xf32, #tpu.memory_space<hbm>> -> memref<10000x128xf32, #tpu.memory_space<hbm>>
    tpu.wait_indirect_dma semaphore(%arg11 : memref<!tpu.dma_semaphore, #tpu.memory_space<semaphore_mem>>) src(%dma_wait3A_21 : memref<10000x128xf32, #tpu.memory_space<hbm>>) dst(%arg9 : memref<128x128xf32, #tpu.memory_space<vmem>>)
    "tpu.region"() ({
      %run_scoped3A = tpu.sem_alloc : memref<!tpu.dma_semaphore, #tpu.memory_space<semaphore_mem>>
      %dma_start3A_47 = arith.constant 40 : i32
      %dma_start3A_48 = arith.constant 0 : i32
      %dma_start3A_49 = tpu.memref_slice %arg2[%add3A, %dma_start3A_47, %dma_start3A_48] : memref<32x80x128xi32, #tpu.memory_space<hbm>> -> memref<1x40x128xi32, #tpu.memory_space<hbm>>
      %dma_start3A_50 = tpu.memref_squeeze %dma_start3A_49 : memref<1x40x128xi32, #tpu.memory_space<hbm>> -> memref<40x128xi32, #tpu.memory_space<hbm>>
      %dma_start3A_51 = arith.constant 40 : i32
      %dma_start3A_52 = arith.constant 0 : i32
      %dma_start3A_53 = tpu.memref_slice %arg2[%add3A, %dma_start3A_51, %dma_start3A_52] : memref<32x80x128xi32, #tpu.memory_space<hbm>> -> memref<1x40x128xi32, #tpu.memory_space<hbm>>
      %dma_start3A_54 = tpu.memref_squeeze %dma_start3A_53 : memref<1x40x128xi32, #tpu.memory_space<hbm>> -> memref<40x128xi32, #tpu.memory_space<hbm>>
      tpu.enqueue_dma source(%dma_start3A_54 : memref<40x128xi32, #tpu.memory_space<hbm>>) target(%arg7 : memref<40x128xi32, #tpu.memory_space<vmem>>) target_semaphore(%run_scoped3A : memref<!tpu.dma_semaphore, #tpu.memory_space<semaphore_mem>>)
      %dma_wait3A_55 = arith.constant 40 : i32
      %dma_wait3A_56 = arith.constant 0 : i32
      %dma_wait3A_57 = tpu.memref_slice %arg2[%add3A, %dma_wait3A_55, %dma_wait3A_56] : memref<32x80x128xi32, #tpu.memory_space<hbm>> -> memref<1x40x128xi32, #tpu.memory_space<hbm>>
      %dma_wait3A_58 = tpu.memref_squeeze %dma_wait3A_57 : memref<1x40x128xi32, #tpu.memory_space<hbm>> -> memref<40x128xi32, #tpu.memory_space<hbm>>
      %dma_wait3A_59 = arith.constant 40 : i32
      %dma_wait3A_60 = arith.constant 0 : i32
      %dma_wait3A_61 = tpu.memref_slice %arg2[%add3A, %dma_wait3A_59, %dma_wait3A_60] : memref<32x80x128xi32, #tpu.memory_space<hbm>> -> memref<1x40x128xi32, #tpu.memory_space<hbm>>
      %dma_wait3A_62 = tpu.memref_squeeze %dma_wait3A_61 : memref<1x40x128xi32, #tpu.memory_space<hbm>> -> memref<40x128xi32, #tpu.memory_space<hbm>>
      tpu.wait_dma2 semaphore(%run_scoped3A : memref<!tpu.dma_semaphore, #tpu.memory_space<semaphore_mem>>) src(%dma_wait3A_62 : memref<40x128xi32, #tpu.memory_space<hbm>>) dst(%arg7 : memref<40x128xi32, #tpu.memory_space<vmem>>)
      tpu.yield
    }) : () -> ()
    "tpu.region"() ({
      %run_scoped3A = tpu.sem_alloc : memref<!tpu.dma_semaphore, #tpu.memory_space<semaphore_mem>>
      %dma_start3A_47 = arith.constant 40 : i32
      %dma_start3A_48 = arith.constant 0 : i32
      %dma_start3A_49 = tpu.memref_slice %arg3[%add3A, %dma_start3A_47, %dma_start3A_48] : memref<32x80x128xi32, #tpu.memory_space<hbm>> -> memref<1x40x128xi32, #tpu.memory_space<hbm>>
      %dma_start3A_50 = tpu.memref_squeeze %dma_start3A_49 : memref<1x40x128xi32, #tpu.memory_space<hbm>> -> memref<40x128xi32, #tpu.memory_space<hbm>>
      %dma_start3A_51 = arith.constant 40 : i32
      %dma_start3A_52 = arith.constant 0 : i32
      %dma_start3A_53 = tpu.memref_slice %arg3[%add3A, %dma_start3A_51, %dma_start3A_52] : memref<32x80x128xi32, #tpu.memory_space<hbm>> -> memref<1x40x128xi32, #tpu.memory_space<hbm>>
      %dma_start3A_54 = tpu.memref_squeeze %dma_start3A_53 : memref<1x40x128xi32, #tpu.memory_space<hbm>> -> memref<40x128xi32, #tpu.memory_space<hbm>>
      tpu.enqueue_dma source(%dma_start3A_54 : memref<40x128xi32, #tpu.memory_space<hbm>>) target(%arg8 : memref<40x128xi32, #tpu.memory_space<vmem>>) target_semaphore(%run_scoped3A : memref<!tpu.dma_semaphore, #tpu.memory_space<semaphore_mem>>)
      %dma_wait3A_55 = arith.constant 40 : i32
      %dma_wait3A_56 = arith.constant 0 : i32
      %dma_wait3A_57 = tpu.memref_slice %arg3[%add3A, %dma_wait3A_55, %dma_wait3A_56] : memref<32x80x128xi32, #tpu.memory_space<hbm>> -> memref<1x40x128xi32, #tpu.memory_space<hbm>>
      %dma_wait3A_58 = tpu.memref_squeeze %dma_wait3A_57 : memref<1x40x128xi32, #tpu.memory_space<hbm>> -> memref<40x128xi32, #tpu.memory_space<hbm>>
      %dma_wait3A_59 = arith.constant 40 : i32
      %dma_wait3A_60 = arith.constant 0 : i32
      %dma_wait3A_61 = tpu.memref_slice %arg3[%add3A, %dma_wait3A_59, %dma_wait3A_60] : memref<32x80x128xi32, #tpu.memory_space<hbm>> -> memref<1x40x128xi32, #tpu.memory_space<hbm>>
      %dma_wait3A_62 = tpu.memref_squeeze %dma_wait3A_61 : memref<1x40x128xi32, #tpu.memory_space<hbm>> -> memref<40x128xi32, #tpu.memory_space<hbm>>
      tpu.wait_dma2 semaphore(%run_scoped3A : memref<!tpu.dma_semaphore, #tpu.memory_space<semaphore_mem>>) src(%dma_wait3A_62 : memref<40x128xi32, #tpu.memory_space<hbm>>) dst(%arg8 : memref<40x128xi32, #tpu.memory_space<vmem>>)
      tpu.yield
    }) : () -> ()
    %dma_start3A_22 = arith.constant 0 : i32
    %dma_start3A_23 = arith.constant 0 : i32
    %dma_start3A_24 = tpu.memref_slice %arg7[%dma_start3A_22, %dma_start3A_23] : memref<40x128xi32, #tpu.memory_space<vmem>> -> memref<1x128xi32, #tpu.memory_space<vmem>>
    %dma_start3A_25 = tpu.memref_squeeze %dma_start3A_24 : memref<1x128xi32, #tpu.memory_space<vmem>> -> memref<128xi32, #tpu.memory_space<vmem>>
    %dma_start3A_26 = arith.constant 0 : i32
    %dma_start3A_27 = arith.constant 0 : i32
    %dma_start3A_28 = tpu.memref_slice %arg4[%dma_start3A_26, %dma_start3A_27] : memref<10000x128xf32, #tpu.memory_space<hbm>> -> memref<10000x128xf32, #tpu.memory_space<hbm>>
    tpu.enqueue_indirect_dma source(%dma_start3A_28 : memref<10000x128xf32, #tpu.memory_space<hbm>>) target(%arg9 : memref<128x128xf32, #tpu.memory_space<vmem>>) offsets(%dma_start3A_25 : memref<128xi32, #tpu.memory_space<vmem>>) semaphore(%arg11 : memref<!tpu.dma_semaphore, #tpu.memory_space<semaphore_mem>>)
    %scan3A_29 = arith.constant 0 : i32
    %scan3A_30 = arith.constant 0 : i32
    %scan3A_31 = arith.constant 20 : i32
    %scan3A_32 = arith.addi %scan3A_30, %scan3A_31 : i32
    %scan3A_33 = arith.constant 1 : i32
    scf.for %scan3A_47 = %scan3A_30 to %scan3A_32 step %scan3A_33  : i32 {
      %mul3A_48 = arith.constant 2 : i32
      %mul3A_49 = arith.muli %mul3A_48, %scan3A_47 : i32
      %mul3A_50 = arith.constant 2 : i32
      %mul3A_51 = arith.muli %mul3A_50, %scan3A_47 : i32
      %add3A_52 = arith.constant 1 : i32
      %add3A_53 = arith.addi %mul3A_51, %add3A_52 : i32
      %add3A_54 = arith.constant 1 : i32
      %add3A_55 = arith.addi %add3A_53, %add3A_54 : i32
      %rem3A = arith.constant 40 : i32
      %rem3A_56 = arith.remsi %add3A_55, %rem3A : i32
      %dma_wait3A_57 = arith.constant 0 : i32
      %dma_wait3A_58 = tpu.memref_slice %arg7[%mul3A_49, %dma_wait3A_57] : memref<40x128xi32, #tpu.memory_space<vmem>> -> memref<1x128xi32, #tpu.memory_space<vmem>>
      %dma_wait3A_59 = tpu.memref_squeeze %dma_wait3A_58 : memref<1x128xi32, #tpu.memory_space<vmem>> -> memref<128xi32, #tpu.memory_space<vmem>>
      %dma_wait3A_60 = arith.constant 0 : i32
      %dma_wait3A_61 = arith.constant 0 : i32
      %dma_wait3A_62 = tpu.memref_slice %arg4[%dma_wait3A_60, %dma_wait3A_61] : memref<10000x128xf32, #tpu.memory_space<hbm>> -> memref<10000x128xf32, #tpu.memory_space<hbm>>
      tpu.wait_indirect_dma semaphore(%arg11 : memref<!tpu.dma_semaphore, #tpu.memory_space<semaphore_mem>>) src(%dma_wait3A_62 : memref<10000x128xf32, #tpu.memory_space<hbm>>) dst(%arg9 : memref<128x128xf32, #tpu.memory_space<vmem>>)
      %dma_start3A_63 = arith.constant 0 : i32
      %dma_start3A_64 = tpu.memref_slice %arg7[%add3A_53, %dma_start3A_63] : memref<40x128xi32, #tpu.memory_space<vmem>> -> memref<1x128xi32, #tpu.memory_space<vmem>>
      %dma_start3A_65 = tpu.memref_squeeze %dma_start3A_64 : memref<1x128xi32, #tpu.memory_space<vmem>> -> memref<128xi32, #tpu.memory_space<vmem>>
      %dma_start3A_66 = arith.constant 0 : i32
      %dma_start3A_67 = arith.constant 0 : i32
      %dma_start3A_68 = tpu.memref_slice %arg4[%dma_start3A_66, %dma_start3A_67] : memref<10000x128xf32, #tpu.memory_space<hbm>> -> memref<10000x128xf32, #tpu.memory_space<hbm>>
      tpu.enqueue_indirect_dma source(%dma_start3A_68 : memref<10000x128xf32, #tpu.memory_space<hbm>>) target(%arg10 : memref<128x128xf32, #tpu.memory_space<vmem>>) offsets(%dma_start3A_65 : memref<128xi32, #tpu.memory_space<vmem>>) semaphore(%arg12 : memref<!tpu.dma_semaphore, #tpu.memory_space<semaphore_mem>>)
      "tpu.region"() ({
        %run_scoped3A = tpu.sem_alloc : memref<!tpu.dma_semaphore, #tpu.memory_space<semaphore_mem>>
        %dma_start3A_81 = arith.constant 0 : i32
        %dma_start3A_82 = tpu.memref_slice %arg8[%mul3A_49, %dma_start3A_81] : memref<40x128xi32, #tpu.memory_space<vmem>> -> memref<1x128xi32, #tpu.memory_space<vmem>>
        %dma_start3A_83 = tpu.memref_squeeze %dma_start3A_82 : memref<1x128xi32, #tpu.memory_space<vmem>> -> memref<128xi32, #tpu.memory_space<vmem>>
        %dma_start3A_84 = arith.constant 0 : i32
        %dma_start3A_85 = arith.constant 0 : i32
        %dma_start3A_86 = tpu.memref_slice %arg13[%dma_start3A_84, %dma_start3A_85] : memref<10112x128xf32, #tpu.memory_space<vmem_shared>> -> memref<10112x128xf32, #tpu.memory_space<vmem_shared>>
        tpu.enqueue_indirect_dma source(%arg9 : memref<128x128xf32, #tpu.memory_space<vmem>>) target(%dma_start3A_86 : memref<10112x128xf32, #tpu.memory_space<vmem_shared>>) offsets(%dma_start3A_83 : memref<128xi32, #tpu.memory_space<vmem>>) semaphore(%run_scoped3A : memref<!tpu.dma_semaphore, #tpu.memory_space<semaphore_mem>>) {add = true}
        %dma_wait3A_87 = arith.constant 0 : i32
        %dma_wait3A_88 = tpu.memref_slice %arg8[%mul3A_49, %dma_wait3A_87] : memref<40x128xi32, #tpu.memory_space<vmem>> -> memref<1x128xi32, #tpu.memory_space<vmem>>
        %dma_wait3A_89 = tpu.memref_squeeze %dma_wait3A_88 : memref<1x128xi32, #tpu.memory_space<vmem>> -> memref<128xi32, #tpu.memory_space<vmem>>
        %dma_wait3A_90 = arith.constant 0 : i32
        %dma_wait3A_91 = arith.constant 0 : i32
        %dma_wait3A_92 = tpu.memref_slice %arg13[%dma_wait3A_90, %dma_wait3A_91] : memref<10112x128xf32, #tpu.memory_space<vmem_shared>> -> memref<10112x128xf32, #tpu.memory_space<vmem_shared>>
        tpu.wait_indirect_dma semaphore(%run_scoped3A : memref<!tpu.dma_semaphore, #tpu.memory_space<semaphore_mem>>) src(%arg9 : memref<128x128xf32, #tpu.memory_space<vmem>>) dst(%dma_wait3A_92 : memref<10112x128xf32, #tpu.memory_space<vmem_shared>>)
        tpu.yield
      }) : () -> ()
      %dma_wait3A_69 = arith.constant 0 : i32
      %dma_wait3A_70 = tpu.memref_slice %arg7[%add3A_53, %dma_wait3A_69] : memref<40x128xi32, #tpu.memory_space<vmem>> -> memref<1x128xi32, #tpu.memory_space<vmem>>
      %dma_wait3A_71 = tpu.memref_squeeze %dma_wait3A_70 : memref<1x128xi32, #tpu.memory_space<vmem>> -> memref<128xi32, #tpu.memory_space<vmem>>
      %dma_wait3A_72 = arith.constant 0 : i32
      %dma_wait3A_73 = arith.constant 0 : i32
      %dma_wait3A_74 = tpu.memref_slice %arg4[%dma_wait3A_72, %dma_wait3A_73] : memref<10000x128xf32, #tpu.memory_space<hbm>> -> memref<10000x128xf32, #tpu.memory_space<hbm>>
      tpu.wait_indirect_dma semaphore(%arg12 : memref<!tpu.dma_semaphore, #tpu.memory_space<semaphore_mem>>) src(%dma_wait3A_74 : memref<10000x128xf32, #tpu.memory_space<hbm>>) dst(%arg10 : memref<128x128xf32, #tpu.memory_space<vmem>>)
      %dma_start3A_75 = arith.constant 0 : i32
      %dma_start3A_76 = tpu.memref_slice %arg7[%rem3A_56, %dma_start3A_75] : memref<40x128xi32, #tpu.memory_space<vmem>> -> memref<1x128xi32, #tpu.memory_space<vmem>>
      %dma_start3A_77 = tpu.memref_squeeze %dma_start3A_76 : memref<1x128xi32, #tpu.memory_space<vmem>> -> memref<128xi32, #tpu.memory_space<vmem>>
      %dma_start3A_78 = arith.constant 0 : i32
      %dma_start3A_79 = arith.constant 0 : i32
      %dma_start3A_80 = tpu.memref_slice %arg4[%dma_start3A_78, %dma_start3A_79] : memref<10000x128xf32, #tpu.memory_space<hbm>> -> memref<10000x128xf32, #tpu.memory_space<hbm>>
      tpu.enqueue_indirect_dma source(%dma_start3A_80 : memref<10000x128xf32, #tpu.memory_space<hbm>>) target(%arg9 : memref<128x128xf32, #tpu.memory_space<vmem>>) offsets(%dma_start3A_77 : memref<128xi32, #tpu.memory_space<vmem>>) semaphore(%arg11 : memref<!tpu.dma_semaphore, #tpu.memory_space<semaphore_mem>>)
      "tpu.region"() ({
        %run_scoped3A = tpu.sem_alloc : memref<!tpu.dma_semaphore, #tpu.memory_space<semaphore_mem>>
        %dma_start3A_81 = arith.constant 0 : i32
        %dma_start3A_82 = tpu.memref_slice %arg8[%add3A_53, %dma_start3A_81] : memref<40x128xi32, #tpu.memory_space<vmem>> -> memref<1x128xi32, #tpu.memory_space<vmem>>
        %dma_start3A_83 = tpu.memref_squeeze %dma_start3A_82 : memref<1x128xi32, #tpu.memory_space<vmem>> -> memref<128xi32, #tpu.memory_space<vmem>>
        %dma_start3A_84 = arith.constant 0 : i32
        %dma_start3A_85 = arith.constant 0 : i32
        %dma_start3A_86 = tpu.memref_slice %arg13[%dma_start3A_84, %dma_start3A_85] : memref<10112x128xf32, #tpu.memory_space<vmem_shared>> -> memref<10112x128xf32, #tpu.memory_space<vmem_shared>>
        tpu.enqueue_indirect_dma source(%arg10 : memref<128x128xf32, #tpu.memory_space<vmem>>) target(%dma_start3A_86 : memref<10112x128xf32, #tpu.memory_space<vmem_shared>>) offsets(%dma_start3A_83 : memref<128xi32, #tpu.memory_space<vmem>>) semaphore(%run_scoped3A : memref<!tpu.dma_semaphore, #tpu.memory_space<semaphore_mem>>) {add = true}
        %dma_wait3A_87 = arith.constant 0 : i32
        %dma_wait3A_88 = tpu.memref_slice %arg8[%add3A_53, %dma_wait3A_87] : memref<40x128xi32, #tpu.memory_space<vmem>> -> memref<1x128xi32, #tpu.memory_space<vmem>>
        %dma_wait3A_89 = tpu.memref_squeeze %dma_wait3A_88 : memref<1x128xi32, #tpu.memory_space<vmem>> -> memref<128xi32, #tpu.memory_space<vmem>>
        %dma_wait3A_90 = arith.constant 0 : i32
        %dma_wait3A_91 = arith.constant 0 : i32
        %dma_wait3A_92 = tpu.memref_slice %arg13[%dma_wait3A_90, %dma_wait3A_91] : memref<10112x128xf32, #tpu.memory_space<vmem_shared>> -> memref<10112x128xf32, #tpu.memory_space<vmem_shared>>
        tpu.wait_indirect_dma semaphore(%run_scoped3A : memref<!tpu.dma_semaphore, #tpu.memory_space<semaphore_mem>>) src(%arg10 : memref<128x128xf32, #tpu.memory_space<vmem>>) dst(%dma_wait3A_92 : memref<10112x128xf32, #tpu.memory_space<vmem_shared>>)
        tpu.yield
      }) : () -> ()
    }
    %scan3A_34 = arith.constant 20 : i32
    %dma_wait3A_35 = arith.constant 0 : i32
    %dma_wait3A_36 = arith.constant 0 : i32
    %dma_wait3A_37 = tpu.memref_slice %arg7[%dma_wait3A_35, %dma_wait3A_36] : memref<40x128xi32, #tpu.memory_space<vmem>> -> memref<1x128xi32, #tpu.memory_space<vmem>>
    %dma_wait3A_38 = tpu.memref_squeeze %dma_wait3A_37 : memref<1x128xi32, #tpu.memory_space<vmem>> -> memref<128xi32, #tpu.memory_space<vmem>>
    %dma_wait3A_39 = arith.constant 0 : i32
    %dma_wait3A_40 = arith.constant 0 : i32
    %dma_wait3A_41 = tpu.memref_slice %arg4[%dma_wait3A_39, %dma_wait3A_40] : memref<10000x128xf32, #tpu.memory_space<hbm>> -> memref<10000x128xf32, #tpu.memory_space<hbm>>
    tpu.wait_indirect_dma semaphore(%arg11 : memref<!tpu.dma_semaphore, #tpu.memory_space<semaphore_mem>>) src(%dma_wait3A_41 : memref<10000x128xf32, #tpu.memory_space<hbm>>) dst(%arg9 : memref<128x128xf32, #tpu.memory_space<vmem>>)
    %barrier3A_42 = arith.constant 0 : index
    tpu.barrier barrier_id(%barrier3A_42)
    %mul3A_43 = arith.constant 632 : i32
    %mul3A_44 = arith.muli %arg1, %mul3A_43 : i32
    %mul3A_45 = arith.constant 632 : i32
    %mul3A_46 = arith.muli %arg1, %mul3A_45 : i32
    "tpu.region"() ({
      %run_scoped3A = tpu.sem_alloc : memref<!tpu.dma_semaphore, #tpu.memory_space<semaphore_mem>>
      %dma_start3A_47 = arith.constant 0 : i32
      %dma_start3A_48 = tpu.memref_slice %arg6[%arg0, %mul3A_46, %dma_start3A_47] : memref<2x10112x128xf32, #tpu.memory_space<hbm>> -> memref<1x632x128xf32, #tpu.memory_space<hbm>>
      %dma_start3A_49 = tpu.memref_squeeze %dma_start3A_48 : memref<1x632x128xf32, #tpu.memory_space<hbm>> -> memref<632x128xf32, #tpu.memory_space<hbm>>
      %dma_start3A_50 = arith.constant 0 : i32
      %dma_start3A_51 = tpu.memref_slice %arg13[%mul3A_44, %dma_start3A_50] : memref<10112x128xf32, #tpu.memory_space<vmem_shared>> -> memref<632x128xf32, #tpu.memory_space<vmem_shared>>
      tpu.enqueue_dma source(%dma_start3A_51 : memref<632x128xf32, #tpu.memory_space<vmem_shared>>) target(%dma_start3A_49 : memref<632x128xf32, #tpu.memory_space<hbm>>) target_semaphore(%run_scoped3A : memref<!tpu.dma_semaphore, #tpu.memory_space<semaphore_mem>>)
      %dma_wait3A_52 = arith.constant 0 : i32
      %dma_wait3A_53 = tpu.memref_slice %arg6[%arg0, %mul3A_46, %dma_wait3A_52] : memref<2x10112x128xf32, #tpu.memory_space<hbm>> -> memref<1x632x128xf32, #tpu.memory_space<hbm>>
      %dma_wait3A_54 = tpu.memref_squeeze %dma_wait3A_53 : memref<1x632x128xf32, #tpu.memory_space<hbm>> -> memref<632x128xf32, #tpu.memory_space<hbm>>
      %dma_wait3A_55 = arith.constant 0 : i32
      %dma_wait3A_56 = tpu.memref_slice %arg13[%mul3A_44, %dma_wait3A_55] : memref<10112x128xf32, #tpu.memory_space<vmem_shared>> -> memref<632x128xf32, #tpu.memory_space<vmem_shared>>
      tpu.wait_dma2 semaphore(%run_scoped3A : memref<!tpu.dma_semaphore, #tpu.memory_space<semaphore_mem>>) src(%dma_wait3A_56 : memref<632x128xf32, #tpu.memory_space<vmem_shared>>) dst(%dma_wait3A_54 : memref<632x128xf32, #tpu.memory_space<hbm>>)
      tpu.yield
    }) : () -> ()
    return
  }
}

#map = affine_map<(d0, d1) -> (0, 0, 0)>
#map1 = affine_map<(d0, d1) -> (0, 0)>
module attributes {stable_mosaic.version = 14 : i64} {
  func.func @deg_kernel(%arg0: i32, %arg1: i32, %arg2: memref<32x80x128xi32, #tpu.memory_space<hbm>>, %arg3: memref<10112x128xf32, #tpu.memory_space<hbm>>, %arg4: memref<128x128xf32, #tpu.memory_space<hbm>>, %arg5: memref<2x10112x128xf32, #tpu.memory_space<hbm>>, %arg6: memref<80x128xi32, #tpu.memory_space<vmem>>, %arg7: memref<128x128xf32, #tpu.memory_space<vmem>>, %arg8: memref<!tpu.dma_semaphore, #tpu.memory_space<semaphore_mem>>, %arg9: memref<10112x128xf32, #tpu.memory_space<vmem_shared>>) attributes {dimension_semantics = [#tpu.dimension_semantics<core_parallel>, #tpu.dimension_semantics<subcore_parallel>], iteration_bounds = array<i64: 2, 16>, scalar_prefetch = 0 : i64, scratch_operands = 4 : i64, tpu.core_type = #tpu.core_type<sc_vector_subcore>, window_params = [{transform_indices = #map}, {transform_indices = #map1}, {transform_indices = #map1}, {transform_indices = #map}]} {
    %mul3A = arith.constant 16 : i32
    %mul3A_0 = arith.muli %arg0, %mul3A : i32
    %add3A = arith.addi %mul3A_0, %arg1 : i32
    %mul3A_1 = arith.constant 632 : i32
    %mul3A_2 = arith.muli %arg1, %mul3A_1 : i32
    %mul3A_3 = arith.constant 632 : i32
    %mul3A_4 = arith.muli %arg1, %mul3A_3 : i32
    "tpu.region"() ({
      %run_scoped3A = tpu.sem_alloc : memref<!tpu.dma_semaphore, #tpu.memory_space<semaphore_mem>>
      %dma_start3A = arith.constant 0 : i32
      %dma_start3A_21 = tpu.memref_slice %arg9[%mul3A_4, %dma_start3A] : memref<10112x128xf32, #tpu.memory_space<vmem_shared>> -> memref<632x128xf32, #tpu.memory_space<vmem_shared>>
      %dma_start3A_22 = arith.constant 0 : i32
      %dma_start3A_23 = tpu.memref_slice %arg3[%mul3A_2, %dma_start3A_22] : memref<10112x128xf32, #tpu.memory_space<hbm>> -> memref<632x128xf32, #tpu.memory_space<hbm>>
      tpu.enqueue_dma source(%dma_start3A_23 : memref<632x128xf32, #tpu.memory_space<hbm>>) target(%dma_start3A_21 : memref<632x128xf32, #tpu.memory_space<vmem_shared>>) target_semaphore(%run_scoped3A : memref<!tpu.dma_semaphore, #tpu.memory_space<semaphore_mem>>)
      %dma_wait3A = arith.constant 0 : i32
      %dma_wait3A_24 = tpu.memref_slice %arg9[%mul3A_4, %dma_wait3A] : memref<10112x128xf32, #tpu.memory_space<vmem_shared>> -> memref<632x128xf32, #tpu.memory_space<vmem_shared>>
      %dma_wait3A_25 = arith.constant 0 : i32
      %dma_wait3A_26 = tpu.memref_slice %arg3[%mul3A_2, %dma_wait3A_25] : memref<10112x128xf32, #tpu.memory_space<hbm>> -> memref<632x128xf32, #tpu.memory_space<hbm>>
      tpu.wait_dma2 semaphore(%run_scoped3A : memref<!tpu.dma_semaphore, #tpu.memory_space<semaphore_mem>>) src(%dma_wait3A_26 : memref<632x128xf32, #tpu.memory_space<hbm>>) dst(%dma_wait3A_24 : memref<632x128xf32, #tpu.memory_space<vmem_shared>>)
      tpu.yield
    }) : () -> ()
    "tpu.region"() ({
      %run_scoped3A = tpu.sem_alloc : memref<!tpu.dma_semaphore, #tpu.memory_space<semaphore_mem>>
      tpu.enqueue_dma source(%arg4 : memref<128x128xf32, #tpu.memory_space<hbm>>) target(%arg7 : memref<128x128xf32, #tpu.memory_space<vmem>>) target_semaphore(%run_scoped3A : memref<!tpu.dma_semaphore, #tpu.memory_space<semaphore_mem>>)
      tpu.wait_dma2 semaphore(%run_scoped3A : memref<!tpu.dma_semaphore, #tpu.memory_space<semaphore_mem>>) src(%arg4 : memref<128x128xf32, #tpu.memory_space<hbm>>) dst(%arg7 : memref<128x128xf32, #tpu.memory_space<vmem>>)
      tpu.yield
    }) : () -> ()
    "tpu.region"() ({
      %run_scoped3A = tpu.sem_alloc : memref<!tpu.dma_semaphore, #tpu.memory_space<semaphore_mem>>
      %dma_start3A = arith.constant 0 : i32
      %dma_start3A_21 = arith.constant 0 : i32
      %dma_start3A_22 = tpu.memref_slice %arg2[%add3A, %dma_start3A, %dma_start3A_21] : memref<32x80x128xi32, #tpu.memory_space<hbm>> -> memref<1x80x128xi32, #tpu.memory_space<hbm>>
      %dma_start3A_23 = tpu.memref_squeeze %dma_start3A_22 : memref<1x80x128xi32, #tpu.memory_space<hbm>> -> memref<80x128xi32, #tpu.memory_space<hbm>>
      %dma_start3A_24 = arith.constant 0 : i32
      %dma_start3A_25 = arith.constant 0 : i32
      %dma_start3A_26 = tpu.memref_slice %arg2[%add3A, %dma_start3A_24, %dma_start3A_25] : memref<32x80x128xi32, #tpu.memory_space<hbm>> -> memref<1x80x128xi32, #tpu.memory_space<hbm>>
      %dma_start3A_27 = tpu.memref_squeeze %dma_start3A_26 : memref<1x80x128xi32, #tpu.memory_space<hbm>> -> memref<80x128xi32, #tpu.memory_space<hbm>>
      tpu.enqueue_dma source(%dma_start3A_27 : memref<80x128xi32, #tpu.memory_space<hbm>>) target(%arg6 : memref<80x128xi32, #tpu.memory_space<vmem>>) target_semaphore(%run_scoped3A : memref<!tpu.dma_semaphore, #tpu.memory_space<semaphore_mem>>)
      %dma_wait3A = arith.constant 0 : i32
      %dma_wait3A_28 = arith.constant 0 : i32
      %dma_wait3A_29 = tpu.memref_slice %arg2[%add3A, %dma_wait3A, %dma_wait3A_28] : memref<32x80x128xi32, #tpu.memory_space<hbm>> -> memref<1x80x128xi32, #tpu.memory_space<hbm>>
      %dma_wait3A_30 = tpu.memref_squeeze %dma_wait3A_29 : memref<1x80x128xi32, #tpu.memory_space<hbm>> -> memref<80x128xi32, #tpu.memory_space<hbm>>
      %dma_wait3A_31 = arith.constant 0 : i32
      %dma_wait3A_32 = arith.constant 0 : i32
      %dma_wait3A_33 = tpu.memref_slice %arg2[%add3A, %dma_wait3A_31, %dma_wait3A_32] : memref<32x80x128xi32, #tpu.memory_space<hbm>> -> memref<1x80x128xi32, #tpu.memory_space<hbm>>
      %dma_wait3A_34 = tpu.memref_squeeze %dma_wait3A_33 : memref<1x80x128xi32, #tpu.memory_space<hbm>> -> memref<80x128xi32, #tpu.memory_space<hbm>>
      tpu.wait_dma2 semaphore(%run_scoped3A : memref<!tpu.dma_semaphore, #tpu.memory_space<semaphore_mem>>) src(%dma_wait3A_34 : memref<80x128xi32, #tpu.memory_space<hbm>>) dst(%arg6 : memref<80x128xi32, #tpu.memory_space<vmem>>)
      tpu.yield
    }) : () -> ()
    %barrier3A = arith.constant 0 : index
    tpu.barrier barrier_id(%barrier3A)
    %scan3A = arith.constant 0 : i32
    %scan3A_5 = arith.constant 0 : i32
    %scan3A_6 = arith.constant 80 : i32
    %scan3A_7 = arith.addi %scan3A_5, %scan3A_6 : i32
    %scan3A_8 = arith.constant 1 : i32
    scf.for %scan3A_21 = %scan3A_5 to %scan3A_7 step %scan3A_8  : i32 {
      %dma_start3A = arith.constant 0 : i32
      %dma_start3A_22 = tpu.memref_slice %arg6[%scan3A_21, %dma_start3A] : memref<80x128xi32, #tpu.memory_space<vmem>> -> memref<1x128xi32, #tpu.memory_space<vmem>>
      %dma_start3A_23 = tpu.memref_squeeze %dma_start3A_22 : memref<1x128xi32, #tpu.memory_space<vmem>> -> memref<128xi32, #tpu.memory_space<vmem>>
      %dma_start3A_24 = arith.constant 0 : i32
      %dma_start3A_25 = arith.constant 0 : i32
      %dma_start3A_26 = tpu.memref_slice %arg9[%dma_start3A_24, %dma_start3A_25] : memref<10112x128xf32, #tpu.memory_space<vmem_shared>> -> memref<10112x128xf32, #tpu.memory_space<vmem_shared>>
      tpu.enqueue_indirect_dma source(%arg7 : memref<128x128xf32, #tpu.memory_space<vmem>>) target(%dma_start3A_26 : memref<10112x128xf32, #tpu.memory_space<vmem_shared>>) offsets(%dma_start3A_23 : memref<128xi32, #tpu.memory_space<vmem>>) semaphore(%arg8 : memref<!tpu.dma_semaphore, #tpu.memory_space<semaphore_mem>>) {add = true}
    }
    %scan3A_9 = arith.constant 80 : i32
    %scan3A_10 = arith.constant 0 : i32
    %scan3A_11 = arith.constant 0 : i32
    %scan3A_12 = arith.constant 80 : i32
    %scan3A_13 = arith.addi %scan3A_11, %scan3A_12 : i32
    %scan3A_14 = arith.constant 1 : i32
    scf.for %scan3A_21 = %scan3A_11 to %scan3A_13 step %scan3A_14  : i32 {
      %dma_wait3A = arith.constant 0 : i32
      %dma_wait3A_22 = tpu.memref_slice %arg6[%scan3A_21, %dma_wait3A] : memref<80x128xi32, #tpu.memory_space<vmem>> -> memref<1x128xi32, #tpu.memory_space<vmem>>
      %dma_wait3A_23 = tpu.memref_squeeze %dma_wait3A_22 : memref<1x128xi32, #tpu.memory_space<vmem>> -> memref<128xi32, #tpu.memory_space<vmem>>
      %dma_wait3A_24 = arith.constant 0 : i32
      %dma_wait3A_25 = arith.constant 0 : i32
      %dma_wait3A_26 = tpu.memref_slice %arg9[%dma_wait3A_24, %dma_wait3A_25] : memref<10112x128xf32, #tpu.memory_space<vmem_shared>> -> memref<10112x128xf32, #tpu.memory_space<vmem_shared>>
      tpu.wait_indirect_dma semaphore(%arg8 : memref<!tpu.dma_semaphore, #tpu.memory_space<semaphore_mem>>) src(%arg7 : memref<128x128xf32, #tpu.memory_space<vmem>>) dst(%dma_wait3A_26 : memref<10112x128xf32, #tpu.memory_space<vmem_shared>>)
    }
    %scan3A_15 = arith.constant 80 : i32
    %barrier3A_16 = arith.constant 0 : index
    tpu.barrier barrier_id(%barrier3A_16)
    %mul3A_17 = arith.constant 632 : i32
    %mul3A_18 = arith.muli %arg1, %mul3A_17 : i32
    %mul3A_19 = arith.constant 632 : i32
    %mul3A_20 = arith.muli %arg1, %mul3A_19 : i32
    "tpu.region"() ({
      %run_scoped3A = tpu.sem_alloc : memref<!tpu.dma_semaphore, #tpu.memory_space<semaphore_mem>>
      %dma_start3A = arith.constant 0 : i32
      %dma_start3A_21 = tpu.memref_slice %arg5[%arg0, %mul3A_20, %dma_start3A] : memref<2x10112x128xf32, #tpu.memory_space<hbm>> -> memref<1x632x128xf32, #tpu.memory_space<hbm>>
      %dma_start3A_22 = tpu.memref_squeeze %dma_start3A_21 : memref<1x632x128xf32, #tpu.memory_space<hbm>> -> memref<632x128xf32, #tpu.memory_space<hbm>>
      %dma_start3A_23 = arith.constant 0 : i32
      %dma_start3A_24 = tpu.memref_slice %arg9[%mul3A_18, %dma_start3A_23] : memref<10112x128xf32, #tpu.memory_space<vmem_shared>> -> memref<632x128xf32, #tpu.memory_space<vmem_shared>>
      tpu.enqueue_dma source(%dma_start3A_24 : memref<632x128xf32, #tpu.memory_space<vmem_shared>>) target(%dma_start3A_22 : memref<632x128xf32, #tpu.memory_space<hbm>>) target_semaphore(%run_scoped3A : memref<!tpu.dma_semaphore, #tpu.memory_space<semaphore_mem>>)
      %dma_wait3A = arith.constant 0 : i32
      %dma_wait3A_25 = tpu.memref_slice %arg5[%arg0, %mul3A_20, %dma_wait3A] : memref<2x10112x128xf32, #tpu.memory_space<hbm>> -> memref<1x632x128xf32, #tpu.memory_space<hbm>>
      %dma_wait3A_26 = tpu.memref_squeeze %dma_wait3A_25 : memref<1x632x128xf32, #tpu.memory_space<hbm>> -> memref<632x128xf32, #tpu.memory_space<hbm>>
      %dma_wait3A_27 = arith.constant 0 : i32
      %dma_wait3A_28 = tpu.memref_slice %arg9[%mul3A_18, %dma_wait3A_27] : memref<10112x128xf32, #tpu.memory_space<vmem_shared>> -> memref<632x128xf32, #tpu.memory_space<vmem_shared>>
      tpu.wait_dma2 semaphore(%run_scoped3A : memref<!tpu.dma_semaphore, #tpu.memory_space<semaphore_mem>>) src(%dma_wait3A_28 : memref<632x128xf32, #tpu.memory_space<vmem_shared>>) dst(%dma_wait3A_26 : memref<632x128xf32, #tpu.memory_space<hbm>>)
      tpu.yield
    }) : () -> ()
    return
  }
}

#map = affine_map<(d0, d1) -> (0, 0, 0)>
#map1 = affine_map<(d0, d1) -> (0, 0)>
module attributes {stable_mosaic.version = 14 : i64} {
  func.func @scatter_kernel(%arg0: i32, %arg1: i32, %arg2: memref<32x80x128xi32, #tpu.memory_space<hbm>>, %arg3: memref<32x80x128xi32, #tpu.memory_space<hbm>>, %arg4: memref<10000x128xf32, #tpu.memory_space<hbm>>, %arg5: memref<10112x128xf32, #tpu.memory_space<hbm>>, %arg6: memref<2x10112x128xf32, #tpu.memory_space<hbm>>, %arg7: memref<40x128xi32, #tpu.memory_space<vmem>>, %arg8: memref<40x128xi32, #tpu.memory_space<vmem>>, %arg9: memref<128x128xf32, #tpu.memory_space<vmem>>, %arg10: memref<128x128xf32, #tpu.memory_space<vmem>>, %arg11: memref<!tpu.dma_semaphore, #tpu.memory_space<semaphore_mem>>, %arg12: memref<!tpu.dma_semaphore, #tpu.memory_space<semaphore_mem>>, %arg13: memref<10112x128xf32, #tpu.memory_space<vmem_shared>>) attributes {dimension_semantics = [#tpu.dimension_semantics<core_parallel>, #tpu.dimension_semantics<subcore_parallel>], iteration_bounds = array<i64: 2, 16>, scalar_prefetch = 0 : i64, scratch_operands = 7 : i64, tpu.core_type = #tpu.core_type<sc_vector_subcore>, window_params = [{transform_indices = #map}, {transform_indices = #map}, {transform_indices = #map1}, {transform_indices = #map1}, {transform_indices = #map}]} {
    %mul3A = arith.constant 16 : i32
    %mul3A_0 = arith.muli %arg0, %mul3A : i32
    %add3A = arith.addi %mul3A_0, %arg1 : i32
    %mul3A_1 = arith.constant 632 : i32
    %mul3A_2 = arith.muli %arg1, %mul3A_1 : i32
    %mul3A_3 = arith.constant 632 : i32
    %mul3A_4 = arith.muli %arg1, %mul3A_3 : i32
    "tpu.region"() ({
      %run_scoped3A = tpu.sem_alloc : memref<!tpu.dma_semaphore, #tpu.memory_space<semaphore_mem>>
      %dma_start3A_47 = arith.constant 0 : i32
      %dma_start3A_48 = tpu.memref_slice %arg13[%mul3A_4, %dma_start3A_47] : memref<10112x128xf32, #tpu.memory_space<vmem_shared>> -> memref<632x128xf32, #tpu.memory_space<vmem_shared>>
      %dma_start3A_49 = arith.constant 0 : i32
      %dma_start3A_50 = tpu.memref_slice %arg5[%mul3A_2, %dma_start3A_49] : memref<10112x128xf32, #tpu.memory_space<hbm>> -> memref<632x128xf32, #tpu.memory_space<hbm>>
      tpu.enqueue_dma source(%dma_start3A_50 : memref<632x128xf32, #tpu.memory_space<hbm>>) target(%dma_start3A_48 : memref<632x128xf32, #tpu.memory_space<vmem_shared>>) target_semaphore(%run_scoped3A : memref<!tpu.dma_semaphore, #tpu.memory_space<semaphore_mem>>)
      %dma_wait3A_51 = arith.constant 0 : i32
      %dma_wait3A_52 = tpu.memref_slice %arg13[%mul3A_4, %dma_wait3A_51] : memref<10112x128xf32, #tpu.memory_space<vmem_shared>> -> memref<632x128xf32, #tpu.memory_space<vmem_shared>>
      %dma_wait3A_53 = arith.constant 0 : i32
      %dma_wait3A_54 = tpu.memref_slice %arg5[%mul3A_2, %dma_wait3A_53] : memref<10112x128xf32, #tpu.memory_space<hbm>> -> memref<632x128xf32, #tpu.memory_space<hbm>>
      tpu.wait_dma2 semaphore(%run_scoped3A : memref<!tpu.dma_semaphore, #tpu.memory_space<semaphore_mem>>) src(%dma_wait3A_54 : memref<632x128xf32, #tpu.memory_space<hbm>>) dst(%dma_wait3A_52 : memref<632x128xf32, #tpu.memory_space<vmem_shared>>)
      tpu.yield
    }) : () -> ()
    %barrier3A = arith.constant 0 : index
    tpu.barrier barrier_id(%barrier3A)
    "tpu.region"() ({
      %run_scoped3A = tpu.sem_alloc : memref<!tpu.dma_semaphore, #tpu.memory_space<semaphore_mem>>
      %dma_start3A_47 = arith.constant 0 : i32
      %dma_start3A_48 = arith.constant 0 : i32
      %dma_start3A_49 = tpu.memref_slice %arg2[%add3A, %dma_start3A_47, %dma_start3A_48] : memref<32x80x128xi32, #tpu.memory_space<hbm>> -> memref<1x40x128xi32, #tpu.memory_space<hbm>>
      %dma_start3A_50 = tpu.memref_squeeze %dma_start3A_49 : memref<1x40x128xi32, #tpu.memory_space<hbm>> -> memref<40x128xi32, #tpu.memory_space<hbm>>
      %dma_start3A_51 = arith.constant 0 : i32
      %dma_start3A_52 = arith.constant 0 : i32
      %dma_start3A_53 = tpu.memref_slice %arg2[%add3A, %dma_start3A_51, %dma_start3A_52] : memref<32x80x128xi32, #tpu.memory_space<hbm>> -> memref<1x40x128xi32, #tpu.memory_space<hbm>>
      %dma_start3A_54 = tpu.memref_squeeze %dma_start3A_53 : memref<1x40x128xi32, #tpu.memory_space<hbm>> -> memref<40x128xi32, #tpu.memory_space<hbm>>
      tpu.enqueue_dma source(%dma_start3A_54 : memref<40x128xi32, #tpu.memory_space<hbm>>) target(%arg7 : memref<40x128xi32, #tpu.memory_space<vmem>>) target_semaphore(%run_scoped3A : memref<!tpu.dma_semaphore, #tpu.memory_space<semaphore_mem>>)
      %dma_wait3A_55 = arith.constant 0 : i32
      %dma_wait3A_56 = arith.constant 0 : i32
      %dma_wait3A_57 = tpu.memref_slice %arg2[%add3A, %dma_wait3A_55, %dma_wait3A_56] : memref<32x80x128xi32, #tpu.memory_space<hbm>> -> memref<1x40x128xi32, #tpu.memory_space<hbm>>
      %dma_wait3A_58 = tpu.memref_squeeze %dma_wait3A_57 : memref<1x40x128xi32, #tpu.memory_space<hbm>> -> memref<40x128xi32, #tpu.memory_space<hbm>>
      %dma_wait3A_59 = arith.constant 0 : i32
      %dma_wait3A_60 = arith.constant 0 : i32
      %dma_wait3A_61 = tpu.memref_slice %arg2[%add3A, %dma_wait3A_59, %dma_wait3A_60] : memref<32x80x128xi32, #tpu.memory_space<hbm>> -> memref<1x40x128xi32, #tpu.memory_space<hbm>>
      %dma_wait3A_62 = tpu.memref_squeeze %dma_wait3A_61 : memref<1x40x128xi32, #tpu.memory_space<hbm>> -> memref<40x128xi32, #tpu.memory_space<hbm>>
      tpu.wait_dma2 semaphore(%run_scoped3A : memref<!tpu.dma_semaphore, #tpu.memory_space<semaphore_mem>>) src(%dma_wait3A_62 : memref<40x128xi32, #tpu.memory_space<hbm>>) dst(%arg7 : memref<40x128xi32, #tpu.memory_space<vmem>>)
      tpu.yield
    }) : () -> ()
    "tpu.region"() ({
      %run_scoped3A = tpu.sem_alloc : memref<!tpu.dma_semaphore, #tpu.memory_space<semaphore_mem>>
      %dma_start3A_47 = arith.constant 0 : i32
      %dma_start3A_48 = arith.constant 0 : i32
      %dma_start3A_49 = tpu.memref_slice %arg3[%add3A, %dma_start3A_47, %dma_start3A_48] : memref<32x80x128xi32, #tpu.memory_space<hbm>> -> memref<1x40x128xi32, #tpu.memory_space<hbm>>
      %dma_start3A_50 = tpu.memref_squeeze %dma_start3A_49 : memref<1x40x128xi32, #tpu.memory_space<hbm>> -> memref<40x128xi32, #tpu.memory_space<hbm>>
      %dma_start3A_51 = arith.constant 0 : i32
      %dma_start3A_52 = arith.constant 0 : i32
      %dma_start3A_53 = tpu.memref_slice %arg3[%add3A, %dma_start3A_51, %dma_start3A_52] : memref<32x80x128xi32, #tpu.memory_space<hbm>> -> memref<1x40x128xi32, #tpu.memory_space<hbm>>
      %dma_start3A_54 = tpu.memref_squeeze %dma_start3A_53 : memref<1x40x128xi32, #tpu.memory_space<hbm>> -> memref<40x128xi32, #tpu.memory_space<hbm>>
      tpu.enqueue_dma source(%dma_start3A_54 : memref<40x128xi32, #tpu.memory_space<hbm>>) target(%arg8 : memref<40x128xi32, #tpu.memory_space<vmem>>) target_semaphore(%run_scoped3A : memref<!tpu.dma_semaphore, #tpu.memory_space<semaphore_mem>>)
      %dma_wait3A_55 = arith.constant 0 : i32
      %dma_wait3A_56 = arith.constant 0 : i32
      %dma_wait3A_57 = tpu.memref_slice %arg3[%add3A, %dma_wait3A_55, %dma_wait3A_56] : memref<32x80x128xi32, #tpu.memory_space<hbm>> -> memref<1x40x128xi32, #tpu.memory_space<hbm>>
      %dma_wait3A_58 = tpu.memref_squeeze %dma_wait3A_57 : memref<1x40x128xi32, #tpu.memory_space<hbm>> -> memref<40x128xi32, #tpu.memory_space<hbm>>
      %dma_wait3A_59 = arith.constant 0 : i32
      %dma_wait3A_60 = arith.constant 0 : i32
      %dma_wait3A_61 = tpu.memref_slice %arg3[%add3A, %dma_wait3A_59, %dma_wait3A_60] : memref<32x80x128xi32, #tpu.memory_space<hbm>> -> memref<1x40x128xi32, #tpu.memory_space<hbm>>
      %dma_wait3A_62 = tpu.memref_squeeze %dma_wait3A_61 : memref<1x40x128xi32, #tpu.memory_space<hbm>> -> memref<40x128xi32, #tpu.memory_space<hbm>>
      tpu.wait_dma2 semaphore(%run_scoped3A : memref<!tpu.dma_semaphore, #tpu.memory_space<semaphore_mem>>) src(%dma_wait3A_62 : memref<40x128xi32, #tpu.memory_space<hbm>>) dst(%arg8 : memref<40x128xi32, #tpu.memory_space<vmem>>)
      tpu.yield
    }) : () -> ()
    %dma_start3A = arith.constant 0 : i32
    %dma_start3A_5 = arith.constant 0 : i32
    %dma_start3A_6 = tpu.memref_slice %arg7[%dma_start3A, %dma_start3A_5] : memref<40x128xi32, #tpu.memory_space<vmem>> -> memref<1x128xi32, #tpu.memory_space<vmem>>
    %dma_start3A_7 = tpu.memref_squeeze %dma_start3A_6 : memref<1x128xi32, #tpu.memory_space<vmem>> -> memref<128xi32, #tpu.memory_space<vmem>>
    %dma_start3A_8 = arith.constant 0 : i32
    %dma_start3A_9 = arith.constant 0 : i32
    %dma_start3A_10 = tpu.memref_slice %arg4[%dma_start3A_8, %dma_start3A_9] : memref<10000x128xf32, #tpu.memory_space<hbm>> -> memref<10000x128xf32, #tpu.memory_space<hbm>>
    tpu.enqueue_indirect_dma source(%dma_start3A_10 : memref<10000x128xf32, #tpu.memory_space<hbm>>) target(%arg9 : memref<128x128xf32, #tpu.memory_space<vmem>>) offsets(%dma_start3A_7 : memref<128xi32, #tpu.memory_space<vmem>>) semaphore(%arg11 : memref<!tpu.dma_semaphore, #tpu.memory_space<semaphore_mem>>)
    %scan3A = arith.constant 0 : i32
    %scan3A_11 = arith.constant 0 : i32
    %scan3A_12 = arith.constant 20 : i32
    %scan3A_13 = arith.addi %scan3A_11, %scan3A_12 : i32
    %scan3A_14 = arith.constant 1 : i32
    scf.for %scan3A_47 = %scan3A_11 to %scan3A_13 step %scan3A_14  : i32 {
      %mul3A_48 = arith.constant 2 : i32
      %mul3A_49 = arith.muli %mul3A_48, %scan3A_47 : i32
      %mul3A_50 = arith.constant 2 : i32
      %mul3A_51 = arith.muli %mul3A_50, %scan3A_47 : i32
      %add3A_52 = arith.constant 1 : i32
      %add3A_53 = arith.addi %mul3A_51, %add3A_52 : i32
      %add3A_54 = arith.constant 1 : i32
      %add3A_55 = arith.addi %add3A_53, %add3A_54 : i32
      %rem3A = arith.constant 40 : i32
      %rem3A_56 = arith.remsi %add3A_55, %rem3A : i32
      %dma_wait3A_57 = arith.constant 0 : i32
      %dma_wait3A_58 = tpu.memref_slice %arg7[%mul3A_49, %dma_wait3A_57] : memref<40x128xi32, #tpu.memory_space<vmem>> -> memref<1x128xi32, #tpu.memory_space<vmem>>
      %dma_wait3A_59 = tpu.memref_squeeze %dma_wait3A_58 : memref<1x128xi32, #tpu.memory_space<vmem>> -> memref<128xi32, #tpu.memory_space<vmem>>
      %dma_wait3A_60 = arith.constant 0 : i32
      %dma_wait3A_61 = arith.constant 0 : i32
      %dma_wait3A_62 = tpu.memref_slice %arg4[%dma_wait3A_60, %dma_wait3A_61] : memref<10000x128xf32, #tpu.memory_space<hbm>> -> memref<10000x128xf32, #tpu.memory_space<hbm>>
      tpu.wait_indirect_dma semaphore(%arg11 : memref<!tpu.dma_semaphore, #tpu.memory_space<semaphore_mem>>) src(%dma_wait3A_62 : memref<10000x128xf32, #tpu.memory_space<hbm>>) dst(%arg9 : memref<128x128xf32, #tpu.memory_space<vmem>>)
      %dma_start3A_63 = arith.constant 0 : i32
      %dma_start3A_64 = tpu.memref_slice %arg7[%add3A_53, %dma_start3A_63] : memref<40x128xi32, #tpu.memory_space<vmem>> -> memref<1x128xi32, #tpu.memory_space<vmem>>
      %dma_start3A_65 = tpu.memref_squeeze %dma_start3A_64 : memref<1x128xi32, #tpu.memory_space<vmem>> -> memref<128xi32, #tpu.memory_space<vmem>>
      %dma_start3A_66 = arith.constant 0 : i32
      %dma_start3A_67 = arith.constant 0 : i32
      %dma_start3A_68 = tpu.memref_slice %arg4[%dma_start3A_66, %dma_start3A_67] : memref<10000x128xf32, #tpu.memory_space<hbm>> -> memref<10000x128xf32, #tpu.memory_space<hbm>>
      tpu.enqueue_indirect_dma source(%dma_start3A_68 : memref<10000x128xf32, #tpu.memory_space<hbm>>) target(%arg10 : memref<128x128xf32, #tpu.memory_space<vmem>>) offsets(%dma_start3A_65 : memref<128xi32, #tpu.memory_space<vmem>>) semaphore(%arg12 : memref<!tpu.dma_semaphore, #tpu.memory_space<semaphore_mem>>)
      "tpu.region"() ({
        %run_scoped3A = tpu.sem_alloc : memref<!tpu.dma_semaphore, #tpu.memory_space<semaphore_mem>>
        %dma_start3A_81 = arith.constant 0 : i32
        %dma_start3A_82 = tpu.memref_slice %arg8[%mul3A_49, %dma_start3A_81] : memref<40x128xi32, #tpu.memory_space<vmem>> -> memref<1x128xi32, #tpu.memory_space<vmem>>
        %dma_start3A_83 = tpu.memref_squeeze %dma_start3A_82 : memref<1x128xi32, #tpu.memory_space<vmem>> -> memref<128xi32, #tpu.memory_space<vmem>>
        %dma_start3A_84 = arith.constant 0 : i32
        %dma_start3A_85 = arith.constant 0 : i32
        %dma_start3A_86 = tpu.memref_slice %arg13[%dma_start3A_84, %dma_start3A_85] : memref<10112x128xf32, #tpu.memory_space<vmem_shared>> -> memref<10112x128xf32, #tpu.memory_space<vmem_shared>>
        tpu.enqueue_indirect_dma source(%arg9 : memref<128x128xf32, #tpu.memory_space<vmem>>) target(%dma_start3A_86 : memref<10112x128xf32, #tpu.memory_space<vmem_shared>>) offsets(%dma_start3A_83 : memref<128xi32, #tpu.memory_space<vmem>>) semaphore(%run_scoped3A : memref<!tpu.dma_semaphore, #tpu.memory_space<semaphore_mem>>) {add = true}
        %dma_wait3A_87 = arith.constant 0 : i32
        %dma_wait3A_88 = tpu.memref_slice %arg8[%mul3A_49, %dma_wait3A_87] : memref<40x128xi32, #tpu.memory_space<vmem>> -> memref<1x128xi32, #tpu.memory_space<vmem>>
        %dma_wait3A_89 = tpu.memref_squeeze %dma_wait3A_88 : memref<1x128xi32, #tpu.memory_space<vmem>> -> memref<128xi32, #tpu.memory_space<vmem>>
        %dma_wait3A_90 = arith.constant 0 : i32
        %dma_wait3A_91 = arith.constant 0 : i32
        %dma_wait3A_92 = tpu.memref_slice %arg13[%dma_wait3A_90, %dma_wait3A_91] : memref<10112x128xf32, #tpu.memory_space<vmem_shared>> -> memref<10112x128xf32, #tpu.memory_space<vmem_shared>>
        tpu.wait_indirect_dma semaphore(%run_scoped3A : memref<!tpu.dma_semaphore, #tpu.memory_space<semaphore_mem>>) src(%arg9 : memref<128x128xf32, #tpu.memory_space<vmem>>) dst(%dma_wait3A_92 : memref<10112x128xf32, #tpu.memory_space<vmem_shared>>)
        tpu.yield
      }) : () -> ()
      %dma_wait3A_69 = arith.constant 0 : i32
      %dma_wait3A_70 = tpu.memref_slice %arg7[%add3A_53, %dma_wait3A_69] : memref<40x128xi32, #tpu.memory_space<vmem>> -> memref<1x128xi32, #tpu.memory_space<vmem>>
      %dma_wait3A_71 = tpu.memref_squeeze %dma_wait3A_70 : memref<1x128xi32, #tpu.memory_space<vmem>> -> memref<128xi32, #tpu.memory_space<vmem>>
      %dma_wait3A_72 = arith.constant 0 : i32
      %dma_wait3A_73 = arith.constant 0 : i32
      %dma_wait3A_74 = tpu.memref_slice %arg4[%dma_wait3A_72, %dma_wait3A_73] : memref<10000x128xf32, #tpu.memory_space<hbm>> -> memref<10000x128xf32, #tpu.memory_space<hbm>>
      tpu.wait_indirect_dma semaphore(%arg12 : memref<!tpu.dma_semaphore, #tpu.memory_space<semaphore_mem>>) src(%dma_wait3A_74 : memref<10000x128xf32, #tpu.memory_space<hbm>>) dst(%arg10 : memref<128x128xf32, #tpu.memory_space<vmem>>)
      %dma_start3A_75 = arith.constant 0 : i32
      %dma_start3A_76 = tpu.memref_slice %arg7[%rem3A_56, %dma_start3A_75] : memref<40x128xi32, #tpu.memory_space<vmem>> -> memref<1x128xi32, #tpu.memory_space<vmem>>
      %dma_start3A_77 = tpu.memref_squeeze %dma_start3A_76 : memref<1x128xi32, #tpu.memory_space<vmem>> -> memref<128xi32, #tpu.memory_space<vmem>>
      %dma_start3A_78 = arith.constant 0 : i32
      %dma_start3A_79 = arith.constant 0 : i32
      %dma_start3A_80 = tpu.memref_slice %arg4[%dma_start3A_78, %dma_start3A_79] : memref<10000x128xf32, #tpu.memory_space<hbm>> -> memref<10000x128xf32, #tpu.memory_space<hbm>>
      tpu.enqueue_indirect_dma source(%dma_start3A_80 : memref<10000x128xf32, #tpu.memory_space<hbm>>) target(%arg9 : memref<128x128xf32, #tpu.memory_space<vmem>>) offsets(%dma_start3A_77 : memref<128xi32, #tpu.memory_space<vmem>>) semaphore(%arg11 : memref<!tpu.dma_semaphore, #tpu.memory_space<semaphore_mem>>)
      "tpu.region"() ({
        %run_scoped3A = tpu.sem_alloc : memref<!tpu.dma_semaphore, #tpu.memory_space<semaphore_mem>>
        %dma_start3A_81 = arith.constant 0 : i32
        %dma_start3A_82 = tpu.memref_slice %arg8[%add3A_53, %dma_start3A_81] : memref<40x128xi32, #tpu.memory_space<vmem>> -> memref<1x128xi32, #tpu.memory_space<vmem>>
        %dma_start3A_83 = tpu.memref_squeeze %dma_start3A_82 : memref<1x128xi32, #tpu.memory_space<vmem>> -> memref<128xi32, #tpu.memory_space<vmem>>
        %dma_start3A_84 = arith.constant 0 : i32
        %dma_start3A_85 = arith.constant 0 : i32
        %dma_start3A_86 = tpu.memref_slice %arg13[%dma_start3A_84, %dma_start3A_85] : memref<10112x128xf32, #tpu.memory_space<vmem_shared>> -> memref<10112x128xf32, #tpu.memory_space<vmem_shared>>
        tpu.enqueue_indirect_dma source(%arg10 : memref<128x128xf32, #tpu.memory_space<vmem>>) target(%dma_start3A_86 : memref<10112x128xf32, #tpu.memory_space<vmem_shared>>) offsets(%dma_start3A_83 : memref<128xi32, #tpu.memory_space<vmem>>) semaphore(%run_scoped3A : memref<!tpu.dma_semaphore, #tpu.memory_space<semaphore_mem>>) {add = true}
        %dma_wait3A_87 = arith.constant 0 : i32
        %dma_wait3A_88 = tpu.memref_slice %arg8[%add3A_53, %dma_wait3A_87] : memref<40x128xi32, #tpu.memory_space<vmem>> -> memref<1x128xi32, #tpu.memory_space<vmem>>
        %dma_wait3A_89 = tpu.memref_squeeze %dma_wait3A_88 : memref<1x128xi32, #tpu.memory_space<vmem>> -> memref<128xi32, #tpu.memory_space<vmem>>
        %dma_wait3A_90 = arith.constant 0 : i32
        %dma_wait3A_91 = arith.constant 0 : i32
        %dma_wait3A_92 = tpu.memref_slice %arg13[%dma_wait3A_90, %dma_wait3A_91] : memref<10112x128xf32, #tpu.memory_space<vmem_shared>> -> memref<10112x128xf32, #tpu.memory_space<vmem_shared>>
        tpu.wait_indirect_dma semaphore(%run_scoped3A : memref<!tpu.dma_semaphore, #tpu.memory_space<semaphore_mem>>) src(%arg10 : memref<128x128xf32, #tpu.memory_space<vmem>>) dst(%dma_wait3A_92 : memref<10112x128xf32, #tpu.memory_space<vmem_shared>>)
        tpu.yield
      }) : () -> ()
    }
    %scan3A_15 = arith.constant 20 : i32
    %dma_wait3A = arith.constant 0 : i32
    %dma_wait3A_16 = arith.constant 0 : i32
    %dma_wait3A_17 = tpu.memref_slice %arg7[%dma_wait3A, %dma_wait3A_16] : memref<40x128xi32, #tpu.memory_space<vmem>> -> memref<1x128xi32, #tpu.memory_space<vmem>>
    %dma_wait3A_18 = tpu.memref_squeeze %dma_wait3A_17 : memref<1x128xi32, #tpu.memory_space<vmem>> -> memref<128xi32, #tpu.memory_space<vmem>>
    %dma_wait3A_19 = arith.constant 0 : i32
    %dma_wait3A_20 = arith.constant 0 : i32
    %dma_wait3A_21 = tpu.memref_slice %arg4[%dma_wait3A_19, %dma_wait3A_20] : memref<10000x128xf32, #tpu.memory_space<hbm>> -> memref<10000x128xf32, #tpu.memory_space<hbm>>
    tpu.wait_indirect_dma semaphore(%arg11 : memref<!tpu.dma_semaphore, #tpu.memory_space<semaphore_mem>>) src(%dma_wait3A_21 : memref<10000x128xf32, #tpu.memory_space<hbm>>) dst(%arg9 : memref<128x128xf32, #tpu.memory_space<vmem>>)
    "tpu.region"() ({
      %run_scoped3A = tpu.sem_alloc : memref<!tpu.dma_semaphore, #tpu.memory_space<semaphore_mem>>
      %dma_start3A_47 = arith.constant 40 : i32
      %dma_start3A_48 = arith.constant 0 : i32
      %dma_start3A_49 = tpu.memref_slice %arg2[%add3A, %dma_start3A_47, %dma_start3A_48] : memref<32x80x128xi32, #tpu.memory_space<hbm>> -> memref<1x40x128xi32, #tpu.memory_space<hbm>>
      %dma_start3A_50 = tpu.memref_squeeze %dma_start3A_49 : memref<1x40x128xi32, #tpu.memory_space<hbm>> -> memref<40x128xi32, #tpu.memory_space<hbm>>
      %dma_start3A_51 = arith.constant 40 : i32
      %dma_start3A_52 = arith.constant 0 : i32
      %dma_start3A_53 = tpu.memref_slice %arg2[%add3A, %dma_start3A_51, %dma_start3A_52] : memref<32x80x128xi32, #tpu.memory_space<hbm>> -> memref<1x40x128xi32, #tpu.memory_space<hbm>>
      %dma_start3A_54 = tpu.memref_squeeze %dma_start3A_53 : memref<1x40x128xi32, #tpu.memory_space<hbm>> -> memref<40x128xi32, #tpu.memory_space<hbm>>
      tpu.enqueue_dma source(%dma_start3A_54 : memref<40x128xi32, #tpu.memory_space<hbm>>) target(%arg7 : memref<40x128xi32, #tpu.memory_space<vmem>>) target_semaphore(%run_scoped3A : memref<!tpu.dma_semaphore, #tpu.memory_space<semaphore_mem>>)
      %dma_wait3A_55 = arith.constant 40 : i32
      %dma_wait3A_56 = arith.constant 0 : i32
      %dma_wait3A_57 = tpu.memref_slice %arg2[%add3A, %dma_wait3A_55, %dma_wait3A_56] : memref<32x80x128xi32, #tpu.memory_space<hbm>> -> memref<1x40x128xi32, #tpu.memory_space<hbm>>
      %dma_wait3A_58 = tpu.memref_squeeze %dma_wait3A_57 : memref<1x40x128xi32, #tpu.memory_space<hbm>> -> memref<40x128xi32, #tpu.memory_space<hbm>>
      %dma_wait3A_59 = arith.constant 40 : i32
      %dma_wait3A_60 = arith.constant 0 : i32
      %dma_wait3A_61 = tpu.memref_slice %arg2[%add3A, %dma_wait3A_59, %dma_wait3A_60] : memref<32x80x128xi32, #tpu.memory_space<hbm>> -> memref<1x40x128xi32, #tpu.memory_space<hbm>>
      %dma_wait3A_62 = tpu.memref_squeeze %dma_wait3A_61 : memref<1x40x128xi32, #tpu.memory_space<hbm>> -> memref<40x128xi32, #tpu.memory_space<hbm>>
      tpu.wait_dma2 semaphore(%run_scoped3A : memref<!tpu.dma_semaphore, #tpu.memory_space<semaphore_mem>>) src(%dma_wait3A_62 : memref<40x128xi32, #tpu.memory_space<hbm>>) dst(%arg7 : memref<40x128xi32, #tpu.memory_space<vmem>>)
      tpu.yield
    }) : () -> ()
    "tpu.region"() ({
      %run_scoped3A = tpu.sem_alloc : memref<!tpu.dma_semaphore, #tpu.memory_space<semaphore_mem>>
      %dma_start3A_47 = arith.constant 40 : i32
      %dma_start3A_48 = arith.constant 0 : i32
      %dma_start3A_49 = tpu.memref_slice %arg3[%add3A, %dma_start3A_47, %dma_start3A_48] : memref<32x80x128xi32, #tpu.memory_space<hbm>> -> memref<1x40x128xi32, #tpu.memory_space<hbm>>
      %dma_start3A_50 = tpu.memref_squeeze %dma_start3A_49 : memref<1x40x128xi32, #tpu.memory_space<hbm>> -> memref<40x128xi32, #tpu.memory_space<hbm>>
      %dma_start3A_51 = arith.constant 40 : i32
      %dma_start3A_52 = arith.constant 0 : i32
      %dma_start3A_53 = tpu.memref_slice %arg3[%add3A, %dma_start3A_51, %dma_start3A_52] : memref<32x80x128xi32, #tpu.memory_space<hbm>> -> memref<1x40x128xi32, #tpu.memory_space<hbm>>
      %dma_start3A_54 = tpu.memref_squeeze %dma_start3A_53 : memref<1x40x128xi32, #tpu.memory_space<hbm>> -> memref<40x128xi32, #tpu.memory_space<hbm>>
      tpu.enqueue_dma source(%dma_start3A_54 : memref<40x128xi32, #tpu.memory_space<hbm>>) target(%arg8 : memref<40x128xi32, #tpu.memory_space<vmem>>) target_semaphore(%run_scoped3A : memref<!tpu.dma_semaphore, #tpu.memory_space<semaphore_mem>>)
      %dma_wait3A_55 = arith.constant 40 : i32
      %dma_wait3A_56 = arith.constant 0 : i32
      %dma_wait3A_57 = tpu.memref_slice %arg3[%add3A, %dma_wait3A_55, %dma_wait3A_56] : memref<32x80x128xi32, #tpu.memory_space<hbm>> -> memref<1x40x128xi32, #tpu.memory_space<hbm>>
      %dma_wait3A_58 = tpu.memref_squeeze %dma_wait3A_57 : memref<1x40x128xi32, #tpu.memory_space<hbm>> -> memref<40x128xi32, #tpu.memory_space<hbm>>
      %dma_wait3A_59 = arith.constant 40 : i32
      %dma_wait3A_60 = arith.constant 0 : i32
      %dma_wait3A_61 = tpu.memref_slice %arg3[%add3A, %dma_wait3A_59, %dma_wait3A_60] : memref<32x80x128xi32, #tpu.memory_space<hbm>> -> memref<1x40x128xi32, #tpu.memory_space<hbm>>
      %dma_wait3A_62 = tpu.memref_squeeze %dma_wait3A_61 : memref<1x40x128xi32, #tpu.memory_space<hbm>> -> memref<40x128xi32, #tpu.memory_space<hbm>>
      tpu.wait_dma2 semaphore(%run_scoped3A : memref<!tpu.dma_semaphore, #tpu.memory_space<semaphore_mem>>) src(%dma_wait3A_62 : memref<40x128xi32, #tpu.memory_space<hbm>>) dst(%arg8 : memref<40x128xi32, #tpu.memory_space<vmem>>)
      tpu.yield
    }) : () -> ()
    %dma_start3A_22 = arith.constant 0 : i32
    %dma_start3A_23 = arith.constant 0 : i32
    %dma_start3A_24 = tpu.memref_slice %arg7[%dma_start3A_22, %dma_start3A_23] : memref<40x128xi32, #tpu.memory_space<vmem>> -> memref<1x128xi32, #tpu.memory_space<vmem>>
    %dma_start3A_25 = tpu.memref_squeeze %dma_start3A_24 : memref<1x128xi32, #tpu.memory_space<vmem>> -> memref<128xi32, #tpu.memory_space<vmem>>
    %dma_start3A_26 = arith.constant 0 : i32
    %dma_start3A_27 = arith.constant 0 : i32
    %dma_start3A_28 = tpu.memref_slice %arg4[%dma_start3A_26, %dma_start3A_27] : memref<10000x128xf32, #tpu.memory_space<hbm>> -> memref<10000x128xf32, #tpu.memory_space<hbm>>
    tpu.enqueue_indirect_dma source(%dma_start3A_28 : memref<10000x128xf32, #tpu.memory_space<hbm>>) target(%arg9 : memref<128x128xf32, #tpu.memory_space<vmem>>) offsets(%dma_start3A_25 : memref<128xi32, #tpu.memory_space<vmem>>) semaphore(%arg11 : memref<!tpu.dma_semaphore, #tpu.memory_space<semaphore_mem>>)
    %scan3A_29 = arith.constant 0 : i32
    %scan3A_30 = arith.constant 0 : i32
    %scan3A_31 = arith.constant 20 : i32
    %scan3A_32 = arith.addi %scan3A_30, %scan3A_31 : i32
    %scan3A_33 = arith.constant 1 : i32
    scf.for %scan3A_47 = %scan3A_30 to %scan3A_32 step %scan3A_33  : i32 {
      %mul3A_48 = arith.constant 2 : i32
      %mul3A_49 = arith.muli %mul3A_48, %scan3A_47 : i32
      %mul3A_50 = arith.constant 2 : i32
      %mul3A_51 = arith.muli %mul3A_50, %scan3A_47 : i32
      %add3A_52 = arith.constant 1 : i32
      %add3A_53 = arith.addi %mul3A_51, %add3A_52 : i32
      %add3A_54 = arith.constant 1 : i32
      %add3A_55 = arith.addi %add3A_53, %add3A_54 : i32
      %rem3A = arith.constant 40 : i32
      %rem3A_56 = arith.remsi %add3A_55, %rem3A : i32
      %dma_wait3A_57 = arith.constant 0 : i32
      %dma_wait3A_58 = tpu.memref_slice %arg7[%mul3A_49, %dma_wait3A_57] : memref<40x128xi32, #tpu.memory_space<vmem>> -> memref<1x128xi32, #tpu.memory_space<vmem>>
      %dma_wait3A_59 = tpu.memref_squeeze %dma_wait3A_58 : memref<1x128xi32, #tpu.memory_space<vmem>> -> memref<128xi32, #tpu.memory_space<vmem>>
      %dma_wait3A_60 = arith.constant 0 : i32
      %dma_wait3A_61 = arith.constant 0 : i32
      %dma_wait3A_62 = tpu.memref_slice %arg4[%dma_wait3A_60, %dma_wait3A_61] : memref<10000x128xf32, #tpu.memory_space<hbm>> -> memref<10000x128xf32, #tpu.memory_space<hbm>>
      tpu.wait_indirect_dma semaphore(%arg11 : memref<!tpu.dma_semaphore, #tpu.memory_space<semaphore_mem>>) src(%dma_wait3A_62 : memref<10000x128xf32, #tpu.memory_space<hbm>>) dst(%arg9 : memref<128x128xf32, #tpu.memory_space<vmem>>)
      %dma_start3A_63 = arith.constant 0 : i32
      %dma_start3A_64 = tpu.memref_slice %arg7[%add3A_53, %dma_start3A_63] : memref<40x128xi32, #tpu.memory_space<vmem>> -> memref<1x128xi32, #tpu.memory_space<vmem>>
      %dma_start3A_65 = tpu.memref_squeeze %dma_start3A_64 : memref<1x128xi32, #tpu.memory_space<vmem>> -> memref<128xi32, #tpu.memory_space<vmem>>
      %dma_start3A_66 = arith.constant 0 : i32
      %dma_start3A_67 = arith.constant 0 : i32
      %dma_start3A_68 = tpu.memref_slice %arg4[%dma_start3A_66, %dma_start3A_67] : memref<10000x128xf32, #tpu.memory_space<hbm>> -> memref<10000x128xf32, #tpu.memory_space<hbm>>
      tpu.enqueue_indirect_dma source(%dma_start3A_68 : memref<10000x128xf32, #tpu.memory_space<hbm>>) target(%arg10 : memref<128x128xf32, #tpu.memory_space<vmem>>) offsets(%dma_start3A_65 : memref<128xi32, #tpu.memory_space<vmem>>) semaphore(%arg12 : memref<!tpu.dma_semaphore, #tpu.memory_space<semaphore_mem>>)
      "tpu.region"() ({
        %run_scoped3A = tpu.sem_alloc : memref<!tpu.dma_semaphore, #tpu.memory_space<semaphore_mem>>
        %dma_start3A_81 = arith.constant 0 : i32
        %dma_start3A_82 = tpu.memref_slice %arg8[%mul3A_49, %dma_start3A_81] : memref<40x128xi32, #tpu.memory_space<vmem>> -> memref<1x128xi32, #tpu.memory_space<vmem>>
        %dma_start3A_83 = tpu.memref_squeeze %dma_start3A_82 : memref<1x128xi32, #tpu.memory_space<vmem>> -> memref<128xi32, #tpu.memory_space<vmem>>
        %dma_start3A_84 = arith.constant 0 : i32
        %dma_start3A_85 = arith.constant 0 : i32
        %dma_start3A_86 = tpu.memref_slice %arg13[%dma_start3A_84, %dma_start3A_85] : memref<10112x128xf32, #tpu.memory_space<vmem_shared>> -> memref<10112x128xf32, #tpu.memory_space<vmem_shared>>
        tpu.enqueue_indirect_dma source(%arg9 : memref<128x128xf32, #tpu.memory_space<vmem>>) target(%dma_start3A_86 : memref<10112x128xf32, #tpu.memory_space<vmem_shared>>) offsets(%dma_start3A_83 : memref<128xi32, #tpu.memory_space<vmem>>) semaphore(%run_scoped3A : memref<!tpu.dma_semaphore, #tpu.memory_space<semaphore_mem>>) {add = true}
        %dma_wait3A_87 = arith.constant 0 : i32
        %dma_wait3A_88 = tpu.memref_slice %arg8[%mul3A_49, %dma_wait3A_87] : memref<40x128xi32, #tpu.memory_space<vmem>> -> memref<1x128xi32, #tpu.memory_space<vmem>>
        %dma_wait3A_89 = tpu.memref_squeeze %dma_wait3A_88 : memref<1x128xi32, #tpu.memory_space<vmem>> -> memref<128xi32, #tpu.memory_space<vmem>>
        %dma_wait3A_90 = arith.constant 0 : i32
        %dma_wait3A_91 = arith.constant 0 : i32
        %dma_wait3A_92 = tpu.memref_slice %arg13[%dma_wait3A_90, %dma_wait3A_91] : memref<10112x128xf32, #tpu.memory_space<vmem_shared>> -> memref<10112x128xf32, #tpu.memory_space<vmem_shared>>
        tpu.wait_indirect_dma semaphore(%run_scoped3A : memref<!tpu.dma_semaphore, #tpu.memory_space<semaphore_mem>>) src(%arg9 : memref<128x128xf32, #tpu.memory_space<vmem>>) dst(%dma_wait3A_92 : memref<10112x128xf32, #tpu.memory_space<vmem_shared>>)
        tpu.yield
      }) : () -> ()
      %dma_wait3A_69 = arith.constant 0 : i32
      %dma_wait3A_70 = tpu.memref_slice %arg7[%add3A_53, %dma_wait3A_69] : memref<40x128xi32, #tpu.memory_space<vmem>> -> memref<1x128xi32, #tpu.memory_space<vmem>>
      %dma_wait3A_71 = tpu.memref_squeeze %dma_wait3A_70 : memref<1x128xi32, #tpu.memory_space<vmem>> -> memref<128xi32, #tpu.memory_space<vmem>>
      %dma_wait3A_72 = arith.constant 0 : i32
      %dma_wait3A_73 = arith.constant 0 : i32
      %dma_wait3A_74 = tpu.memref_slice %arg4[%dma_wait3A_72, %dma_wait3A_73] : memref<10000x128xf32, #tpu.memory_space<hbm>> -> memref<10000x128xf32, #tpu.memory_space<hbm>>
      tpu.wait_indirect_dma semaphore(%arg12 : memref<!tpu.dma_semaphore, #tpu.memory_space<semaphore_mem>>) src(%dma_wait3A_74 : memref<10000x128xf32, #tpu.memory_space<hbm>>) dst(%arg10 : memref<128x128xf32, #tpu.memory_space<vmem>>)
      %dma_start3A_75 = arith.constant 0 : i32
      %dma_start3A_76 = tpu.memref_slice %arg7[%rem3A_56, %dma_start3A_75] : memref<40x128xi32, #tpu.memory_space<vmem>> -> memref<1x128xi32, #tpu.memory_space<vmem>>
      %dma_start3A_77 = tpu.memref_squeeze %dma_start3A_76 : memref<1x128xi32, #tpu.memory_space<vmem>> -> memref<128xi32, #tpu.memory_space<vmem>>
      %dma_start3A_78 = arith.constant 0 : i32
      %dma_start3A_79 = arith.constant 0 : i32
      %dma_start3A_80 = tpu.memref_slice %arg4[%dma_start3A_78, %dma_start3A_79] : memref<10000x128xf32, #tpu.memory_space<hbm>> -> memref<10000x128xf32, #tpu.memory_space<hbm>>
      tpu.enqueue_indirect_dma source(%dma_start3A_80 : memref<10000x128xf32, #tpu.memory_space<hbm>>) target(%arg9 : memref<128x128xf32, #tpu.memory_space<vmem>>) offsets(%dma_start3A_77 : memref<128xi32, #tpu.memory_space<vmem>>) semaphore(%arg11 : memref<!tpu.dma_semaphore, #tpu.memory_space<semaphore_mem>>)
      "tpu.region"() ({
        %run_scoped3A = tpu.sem_alloc : memref<!tpu.dma_semaphore, #tpu.memory_space<semaphore_mem>>
        %dma_start3A_81 = arith.constant 0 : i32
        %dma_start3A_82 = tpu.memref_slice %arg8[%add3A_53, %dma_start3A_81] : memref<40x128xi32, #tpu.memory_space<vmem>> -> memref<1x128xi32, #tpu.memory_space<vmem>>
        %dma_start3A_83 = tpu.memref_squeeze %dma_start3A_82 : memref<1x128xi32, #tpu.memory_space<vmem>> -> memref<128xi32, #tpu.memory_space<vmem>>
        %dma_start3A_84 = arith.constant 0 : i32
        %dma_start3A_85 = arith.constant 0 : i32
        %dma_start3A_86 = tpu.memref_slice %arg13[%dma_start3A_84, %dma_start3A_85] : memref<10112x128xf32, #tpu.memory_space<vmem_shared>> -> memref<10112x128xf32, #tpu.memory_space<vmem_shared>>
        tpu.enqueue_indirect_dma source(%arg10 : memref<128x128xf32, #tpu.memory_space<vmem>>) target(%dma_start3A_86 : memref<10112x128xf32, #tpu.memory_space<vmem_shared>>) offsets(%dma_start3A_83 : memref<128xi32, #tpu.memory_space<vmem>>) semaphore(%run_scoped3A : memref<!tpu.dma_semaphore, #tpu.memory_space<semaphore_mem>>) {add = true}
        %dma_wait3A_87 = arith.constant 0 : i32
        %dma_wait3A_88 = tpu.memref_slice %arg8[%add3A_53, %dma_wait3A_87] : memref<40x128xi32, #tpu.memory_space<vmem>> -> memref<1x128xi32, #tpu.memory_space<vmem>>
        %dma_wait3A_89 = tpu.memref_squeeze %dma_wait3A_88 : memref<1x128xi32, #tpu.memory_space<vmem>> -> memref<128xi32, #tpu.memory_space<vmem>>
        %dma_wait3A_90 = arith.constant 0 : i32
        %dma_wait3A_91 = arith.constant 0 : i32
        %dma_wait3A_92 = tpu.memref_slice %arg13[%dma_wait3A_90, %dma_wait3A_91] : memref<10112x128xf32, #tpu.memory_space<vmem_shared>> -> memref<10112x128xf32, #tpu.memory_space<vmem_shared>>
        tpu.wait_indirect_dma semaphore(%run_scoped3A : memref<!tpu.dma_semaphore, #tpu.memory_space<semaphore_mem>>) src(%arg10 : memref<128x128xf32, #tpu.memory_space<vmem>>) dst(%dma_wait3A_92 : memref<10112x128xf32, #tpu.memory_space<vmem_shared>>)
        tpu.yield
      }) : () -> ()
    }
    %scan3A_34 = arith.constant 20 : i32
    %dma_wait3A_35 = arith.constant 0 : i32
    %dma_wait3A_36 = arith.constant 0 : i32
    %dma_wait3A_37 = tpu.memref_slice %arg7[%dma_wait3A_35, %dma_wait3A_36] : memref<40x128xi32, #tpu.memory_space<vmem>> -> memref<1x128xi32, #tpu.memory_space<vmem>>
    %dma_wait3A_38 = tpu.memref_squeeze %dma_wait3A_37 : memref<1x128xi32, #tpu.memory_space<vmem>> -> memref<128xi32, #tpu.memory_space<vmem>>
    %dma_wait3A_39 = arith.constant 0 : i32
    %dma_wait3A_40 = arith.constant 0 : i32
    %dma_wait3A_41 = tpu.memref_slice %arg4[%dma_wait3A_39, %dma_wait3A_40] : memref<10000x128xf32, #tpu.memory_space<hbm>> -> memref<10000x128xf32, #tpu.memory_space<hbm>>
    tpu.wait_indirect_dma semaphore(%arg11 : memref<!tpu.dma_semaphore, #tpu.memory_space<semaphore_mem>>) src(%dma_wait3A_41 : memref<10000x128xf32, #tpu.memory_space<hbm>>) dst(%arg9 : memref<128x128xf32, #tpu.memory_space<vmem>>)
    %barrier3A_42 = arith.constant 0 : index
    tpu.barrier barrier_id(%barrier3A_42)
    %mul3A_43 = arith.constant 632 : i32
    %mul3A_44 = arith.muli %arg1, %mul3A_43 : i32
    %mul3A_45 = arith.constant 632 : i32
    %mul3A_46 = arith.muli %arg1, %mul3A_45 : i32
    "tpu.region"() ({
      %run_scoped3A = tpu.sem_alloc : memref<!tpu.dma_semaphore, #tpu.memory_space<semaphore_mem>>
      %dma_start3A_47 = arith.constant 0 : i32
      %dma_start3A_48 = tpu.memref_slice %arg6[%arg0, %mul3A_46, %dma_start3A_47] : memref<2x10112x128xf32, #tpu.memory_space<hbm>> -> memref<1x632x128xf32, #tpu.memory_space<hbm>>
      %dma_start3A_49 = tpu.memref_squeeze %dma_start3A_48 : memref<1x632x128xf32, #tpu.memory_space<hbm>> -> memref<632x128xf32, #tpu.memory_space<hbm>>
      %dma_start3A_50 = arith.constant 0 : i32
      %dma_start3A_51 = tpu.memref_slice %arg13[%mul3A_44, %dma_start3A_50] : memref<10112x128xf32, #tpu.memory_space<vmem_shared>> -> memref<632x128xf32, #tpu.memory_space<vmem_shared>>
      tpu.enqueue_dma source(%dma_start3A_51 : memref<632x128xf32, #tpu.memory_space<vmem_shared>>) target(%dma_start3A_49 : memref<632x128xf32, #tpu.memory_space<hbm>>) target_semaphore(%run_scoped3A : memref<!tpu.dma_semaphore, #tpu.memory_space<semaphore_mem>>)
      %dma_wait3A_52 = arith.constant 0 : i32
      %dma_wait3A_53 = tpu.memref_slice %arg6[%arg0, %mul3A_46, %dma_wait3A_52] : memref<2x10112x128xf32, #tpu.memory_space<hbm>> -> memref<1x632x128xf32, #tpu.memory_space<hbm>>
      %dma_wait3A_54 = tpu.memref_squeeze %dma_wait3A_53 : memref<1x632x128xf32, #tpu.memory_space<hbm>> -> memref<632x128xf32, #tpu.memory_space<hbm>>
      %dma_wait3A_55 = arith.constant 0 : i32
      %dma_wait3A_56 = tpu.memref_slice %arg13[%mul3A_44, %dma_wait3A_55] : memref<10112x128xf32, #tpu.memory_space<vmem_shared>> -> memref<632x128xf32, #tpu.memory_space<vmem_shared>>
      tpu.wait_dma2 semaphore(%run_scoped3A : memref<!tpu.dma_semaphore, #tpu.memory_space<semaphore_mem>>) src(%dma_wait3A_56 : memref<632x128xf32, #tpu.memory_space<vmem_shared>>) dst(%dma_wait3A_54 : memref<632x128xf32, #tpu.memory_space<hbm>>)
      tpu.yield
    }) : () -> ()
    return
  }
}

module attributes {stable_mosaic.version = 14 : i64} {
  func.func @_matmul_body(%arg0: i32, %arg1: memref<1000x128xf32, #tpu.memory_space<vmem>>, %arg2: memref<128x128xf32, #tpu.memory_space<vmem>>, %arg3: memref<1000x128xf32, #tpu.memory_space<vmem>>) attributes {dimension_semantics = [#tpu.dimension_semantics<arbitrary>], iteration_bounds = array<i64: 10>, scalar_prefetch = 0 : i64, scratch_operands = 0 : i64, tpu.core_type = #tpu.core_type<tc>, window_params = [{transform_indices = @transform_0, window_bounds = array<i64: 1000, 128>}, {pipeline_mode = #tpu.pipeline_mode<synchronous>, transform_indices = @transform_1, window_bounds = array<i64: 128, 128>}, {transform_indices = @transform_2, window_bounds = array<i64: 1000, 128>}]} {
    %get3A = arith.constant 0 : index
    %get3A_0 = arith.constant 0 : index
    %get3A_1 = vector.load %arg1[%get3A, %get3A_0] : memref<1000x128xf32, #tpu.memory_space<vmem>>, vector<1000x128xf32>
    %get3A_2 = arith.constant 0 : index
    %get3A_3 = arith.constant 0 : index
    %get3A_4 = vector.load %arg2[%get3A_2, %get3A_3] : memref<128x128xf32, #tpu.memory_space<vmem>>, vector<128x128xf32>
    %dot_general3A = arith.constant dense<0.000000e+00> : vector<1000x128xf32>
    %dot_general3A_5 = tpu.matmul %get3A_1, %get3A_4, %dot_general3A {dimension_numbers = #tpu.dot_dimension_numbers<[1], [0], [0], [1], [0, 0, 1, 1], [], []>, transpose_lhs_hint = false} : vector<1000x128xf32>, vector<128x128xf32>, vector<1000x128xf32> -> vector<1000x128xf32>
    %swap3A = arith.constant 0 : index
    %swap3A_6 = arith.constant 0 : index
    %swap3A_7 = vector.load %arg3[%swap3A, %swap3A_6] : memref<1000x128xf32, #tpu.memory_space<vmem>>, vector<1000x128xf32>
    tpu.vector_store %arg3[%swap3A, %swap3A_6], %dot_general3A_5 {strides = array<i32>} : memref<1000x128xf32, #tpu.memory_space<vmem>>, vector<1000x128xf32>,
    return
  }
  func.func @transform_0(%arg0: i32) -> (i32, i32) {
    %c0_i32 = arith.constant 0 : i32
    %c0_i32_0 = arith.constant 0 : i32
    return %arg0, %c0_i32 : i32, i32
  }
  func.func @transform_1(%arg0: i32) -> (i32, i32) {
    %c0_i32 = arith.constant 0 : i32
    %c0_i32_0 = arith.constant 0 : i32
    %c0_i32_1 = arith.constant 0 : i32
    return %c0_i32, %c0_i32_0 : i32, i32
  }
  func.func @transform_2(%arg0: i32) -> (i32, i32) {
    %c0_i32 = arith.constant 0 : i32
    %c0_i32_0 = arith.constant 0 : i32
    return %arg0, %c0_i32 : i32, i32
  }
}

module attributes {stable_mosaic.version = 14 : i64} {
  func.func @_scale_body(%arg0: i32, %arg1: memref<2x1000x128xf32, #tpu.memory_space<vmem>>, %arg2: memref<1000x128xf32, #tpu.memory_space<vmem>>, %arg3: memref<1000x128xf32, #tpu.memory_space<vmem>>, %arg4: memref<1000x1xf32, #tpu.memory_space<vmem>>) attributes {dimension_semantics = [#tpu.dimension_semantics<arbitrary>], iteration_bounds = array<i64: 10>, scalar_prefetch = 0 : i64, scratch_operands = 0 : i64, tpu.core_type = #tpu.core_type<tc>, window_params = [{transform_indices = @transform_0, window_bounds = array<i64: 2, 1000, 128>}, {transform_indices = @transform_1, window_bounds = array<i64: 1000, 128>}, {transform_indices = @transform_2, window_bounds = array<i64: 1000, 128>}, {transform_indices = @transform_3, window_bounds = array<i64: 1000, 1>}]} {
    %get3A = arith.constant 0 : index
    %get3A_0 = arith.constant 0 : index
    %get3A_1 = arith.constant 0 : index
    %get3A_2 = vector.load %arg1[%get3A, %get3A_0, %get3A_1] : memref<2x1000x128xf32, #tpu.memory_space<vmem>>, vector<1x1000x1xf32>
    %get3A_3 = vector.shape_cast %get3A_2 : vector<1x1000x1xf32> to vector<1000x1xf32>
    %get3A_4 = arith.constant 1 : index
    %get3A_5 = arith.constant 0 : index
    %get3A_6 = arith.constant 0 : index
    %get3A_7 = vector.load %arg1[%get3A_4, %get3A_5, %get3A_6] : memref<2x1000x128xf32, #tpu.memory_space<vmem>>, vector<1x1000x1xf32>
    %get3A_8 = vector.shape_cast %get3A_7 : vector<1x1000x1xf32> to vector<1000x1xf32>
    %add3A = arith.addf %get3A_3, %get3A_8 : vector<1000x1xf32>
    %add3A_9 = arith.constant 1.000000e+00 : f32
    %add3A_10 = vector.broadcast %add3A_9 : f32 to vector<1000x1xf32>
    %add3A_11 = arith.addf %add3A, %add3A_10 : vector<1000x1xf32>
    %sqrt3A = math.sqrt %add3A_11 : vector<1000x1xf32>
    %div3A = arith.constant 1.000000e+00 : f32
    %div3A_12 = vector.broadcast %div3A : f32 to vector<1000x1xf32>
    %div3A_13 = arith.divf %div3A_12, %sqrt3A : vector<1000x1xf32>
    %swap3A = arith.constant 0 : index
    %swap3A_14 = arith.constant 0 : index
    %swap3A_15 = vector.load %arg4[%swap3A, %swap3A_14] : memref<1000x1xf32, #tpu.memory_space<vmem>>, vector<1000x1xf32>
    tpu.vector_store %arg4[%swap3A, %swap3A_14], %div3A_13 {strides = array<i32>} : memref<1000x1xf32, #tpu.memory_space<vmem>>, vector<1000x1xf32>,
    %get3A_16 = arith.constant 0 : index
    %get3A_17 = arith.constant 0 : index
    %get3A_18 = vector.load %arg2[%get3A_16, %get3A_17] : memref<1000x128xf32, #tpu.memory_space<vmem>>, vector<1000x128xf32>
    %mul3A = vector.broadcast %div3A_13 : vector<1000x1xf32> to vector<1000x128xf32>
    %mul3A_19 = arith.mulf %get3A_18, %mul3A : vector<1000x128xf32>
    %swap3A_20 = arith.constant 0 : index
    %swap3A_21 = arith.constant 0 : index
    %swap3A_22 = vector.load %arg3[%swap3A_20, %swap3A_21] : memref<1000x128xf32, #tpu.memory_space<vmem>>, vector<1000x128xf32>
    tpu.vector_store %arg3[%swap3A_20, %swap3A_21], %mul3A_19 {strides = array<i32>} : memref<1000x128xf32, #tpu.memory_space<vmem>>, vector<1000x128xf32>,
    return
  }
  func.func @transform_0(%arg0: i32) -> (i32, i32, i32) {
    %c0_i32 = arith.constant 0 : i32
    %c0_i32_0 = arith.constant 0 : i32
    %c0_i32_1 = arith.constant 0 : i32
    return %c0_i32, %arg0, %c0_i32_0 : i32, i32, i32
  }
  func.func @transform_1(%arg0: i32) -> (i32, i32) {
    %c0_i32 = arith.constant 0 : i32
    %c0_i32_0 = arith.constant 0 : i32
    return %arg0, %c0_i32 : i32, i32
  }
  func.func @transform_2(%arg0: i32) -> (i32, i32) {
    %c0_i32 = arith.constant 0 : i32
    %c0_i32_0 = arith.constant 0 : i32
    return %arg0, %c0_i32 : i32, i32
  }
  func.func @transform_3(%arg0: i32) -> (i32, i32) {
    %c0_i32 = arith.constant 0 : i32
    %c0_i32_0 = arith.constant 0 : i32
    return %arg0, %c0_i32 : i32, i32
  }
}

module attributes {stable_mosaic.version = 14 : i64} {
  func.func @body(%arg0: i32, %arg1: i32, %arg2: memref<2x1000x128xf32, #tpu.memory_space<vmem>>, %arg3: memref<1000x128xf32, #tpu.memory_space<vmem>>, %arg4: memref<1000x1xf32, #tpu.memory_space<vmem>>, %arg5: memref<1x128xf32, #tpu.memory_space<vmem>>, %arg6: memref<1x128xf32, #tpu.memory_space<vmem>>, %arg7: memref<1x128xf32, #tpu.memory_space<vmem>>, %arg8: memref<1x1x1000xi32, #tpu.memory_space<vmem>>, %arg9: memref<128x128xf32, #tpu.memory_space<vmem>>, %arg10: memref<64x128xf32, #tpu.memory_space<vmem>>, %arg11: memref<1000x128xf32, #tpu.memory_space<vmem>>, %arg12: memref<2x128xf32, #tpu.memory_space<vmem>>, %arg13: memref<10000x128xf32, #tpu.memory_space<vmem>>) attributes {dimension_semantics = [#tpu.dimension_semantics<arbitrary>, #tpu.dimension_semantics<arbitrary>], iteration_bounds = array<i64: 2, 10>, scalar_prefetch = 0 : i64, scratch_operands = 2 : i64, tpu.core_type = #tpu.core_type<tc>, window_params = [{transform_indices = @transform_0, window_bounds = array<i64: 2, 1000, 128>}, {transform_indices = @transform_1, window_bounds = array<i64: 1000, 128>}, {transform_indices = @transform_2, window_bounds = array<i64: 1000, 1>}, {pipeline_mode = #tpu.pipeline_mode<synchronous>, transform_indices = @transform_3, window_bounds = array<i64: 1, 128>}, {pipeline_mode = #tpu.pipeline_mode<synchronous>, transform_indices = @transform_4, window_bounds = array<i64: 1, 128>}, {pipeline_mode = #tpu.pipeline_mode<synchronous>, transform_indices = @transform_5, window_bounds = array<i64: 1, 128>}, {transform_indices = @transform_6, window_bounds = array<i64: 1, 1, 1000>}, {pipeline_mode = #tpu.pipeline_mode<synchronous>, transform_indices = @transform_7, window_bounds = array<i64: 128, 128>}, {pipeline_mode = #tpu.pipeline_mode<synchronous>, transform_indices = @transform_8, window_bounds = array<i64: 64, 128>}, {transform_indices = @transform_9, window_bounds = array<i64: 1000, 128>}]} {
    %eq3A = arith.constant 0 : i32
    %eq3A_0 = arith.cmpi eq, %arg0, %eq3A : i32
    %convert_element_type3A = arith.extui %eq3A_0 : i1 to i32
    %cond3A = arith.constant 0 : i32
    %cond3A_1 = arith.cmpi ne, %convert_element_type3A, %cond3A : i32
    scf.if %cond3A_1 {
      %get3A = arith.constant 0 : index
      %get3A_7 = arith.constant 0 : index
      %get3A_8 = vector.load %arg4[%get3A, %get3A_7] : memref<1000x1xf32, #tpu.memory_space<vmem>>, vector<1000x1xf32>
      %get3A_9 = arith.constant 0 : index
      %get3A_10 = arith.constant 0 : index
      %get3A_11 = arith.constant 0 : index
      %get3A_12 = vector.load %arg2[%get3A_9, %get3A_10, %get3A_11] : memref<2x1000x128xf32, #tpu.memory_space<vmem>>, vector<1x1000x128xf32>
      %get3A_13 = vector.shape_cast %get3A_12 : vector<1x1000x128xf32> to vector<1000x128xf32>
      %get3A_14 = arith.constant 1 : index
      %get3A_15 = arith.constant 0 : index
      %get3A_16 = arith.constant 0 : index
      %get3A_17 = vector.load %arg2[%get3A_14, %get3A_15, %get3A_16] : memref<2x1000x128xf32, #tpu.memory_space<vmem>>, vector<1x1000x128xf32>
      %get3A_18 = vector.shape_cast %get3A_17 : vector<1x1000x128xf32> to vector<1000x128xf32>
      %add3A = arith.addf %get3A_13, %get3A_18 : vector<1000x128xf32>
      %get3A_19 = arith.constant 0 : index
      %get3A_20 = arith.constant 0 : index
      %get3A_21 = vector.load %arg3[%get3A_19, %get3A_20] : memref<1000x128xf32, #tpu.memory_space<vmem>>, vector<1000x128xf32>
      %add3A_22 = arith.addf %add3A, %get3A_21 : vector<1000x128xf32>
      %mul3A = vector.broadcast %get3A_8 : vector<1000x1xf32> to vector<1000x128xf32>
      %mul3A_23 = arith.mulf %mul3A, %add3A_22 : vector<1000x128xf32>
      %get3A_24 = arith.constant 0 : index
      %get3A_25 = arith.constant 0 : index
      %get3A_26 = vector.load %arg5[%get3A_24, %get3A_25] : memref<1x128xf32, #tpu.memory_space<vmem>>, vector<1x128xf32>
      %add3A_27 = vector.broadcast %get3A_26 : vector<1x128xf32> to vector<1000x128xf32>
      %add3A_28 = arith.addf %mul3A_23, %add3A_27 : vector<1000x128xf32>
      %max3A = arith.constant 0.000000e+00 : f32
      %max3A_29 = vector.broadcast %max3A : f32 to vector<1000x128xf32>
      %max3A_30 = arith.maximumf %add3A_28, %max3A_29 : vector<1000x128xf32>
      %mul3A_31 = arith.constant 1000 : i32
      %mul3A_32 = arith.muli %arg1, %mul3A_31 : i32
      %swap3A = arith.index_cast %mul3A_32 : i32 to index
      %swap3A_33 = arith.constant 0 : index
      %swap3A_34 = vector.load %arg13[%swap3A, %swap3A_33] : memref<10000x128xf32, #tpu.memory_space<vmem>>, vector<1000x128xf32>
      tpu.vector_store %arg13[%swap3A, %swap3A_33], %max3A_30 {strides = array<i32>} : memref<10000x128xf32, #tpu.memory_space<vmem>>, vector<1000x128xf32>,
      %reduce_sum3A = arith.constant dense<0.000000e+00> : vector<128xf32>
      %reduce_sum3A_35 = vector.multi_reduction <add>, %max3A_30, %reduce_sum3A [0] : vector<1000x128xf32> to vector<128xf32>
      %broadcast_in_dim3A = vector.shape_cast %reduce_sum3A_35 : vector<128xf32> to vector<1x128xf32>
      %mul3A_36 = arith.mulf %max3A_30, %max3A_30 : vector<1000x128xf32>
      %reduce_sum3A_37 = arith.constant dense<0.000000e+00> : vector<128xf32>
      %reduce_sum3A_38 = vector.multi_reduction <add>, %mul3A_36, %reduce_sum3A_37 [0] : vector<1000x128xf32> to vector<128xf32>
      %broadcast_in_dim3A_39 = vector.shape_cast %reduce_sum3A_38 : vector<128xf32> to vector<1x128xf32>
      %eq3A_40 = arith.constant 0 : i32
      %eq3A_41 = arith.cmpi eq, %arg1, %eq3A_40 : i32
      %convert_element_type3A_42 = arith.extui %eq3A_41 : i1 to i32
      %cond3A_43 = arith.constant 0 : i32
      %cond3A_44 = arith.cmpi ne, %convert_element_type3A_42, %cond3A_43 : i32
      scf.if %cond3A_44 {
        %swap3A_49 = arith.constant 0 : index
        %swap3A_50 = arith.constant 0 : index
        %swap3A_51 = vector.load %arg12[%swap3A_49, %swap3A_50] : memref<2x128xf32, #tpu.memory_space<vmem>>, vector<1x128xf32>
        tpu.vector_store %arg12[%swap3A_49, %swap3A_50], %broadcast_in_dim3A {strides = array<i32>} : memref<2x128xf32, #tpu.memory_space<vmem>>, vector<1x128xf32>,
        %swap3A_52 = arith.constant 1 : index
        %swap3A_53 = arith.constant 0 : index
        %swap3A_54 = vector.load %arg12[%swap3A_52, %swap3A_53] : memref<2x128xf32, #tpu.memory_space<vmem>>, vector<1x128xf32>
        tpu.vector_store %arg12[%swap3A_52, %swap3A_53], %broadcast_in_dim3A_39 {strides = array<i32>} : memref<2x128xf32, #tpu.memory_space<vmem>>, vector<1x128xf32>,
      } else {
      }
      %ne3A = arith.constant 0 : i32
      %ne3A_45 = arith.cmpi ne, %arg1, %ne3A : i32
      %convert_element_type3A_46 = arith.extui %ne3A_45 : i1 to i32
      %cond3A_47 = arith.constant 0 : i32
      %cond3A_48 = arith.cmpi ne, %convert_element_type3A_46, %cond3A_47 : i32
      scf.if %cond3A_48 {
        %get3A_49 = arith.constant 0 : index
        %get3A_50 = arith.constant 0 : index
        %get3A_51 = vector.load %arg12[%get3A_49, %get3A_50] : memref<2x128xf32, #tpu.memory_space<vmem>>, vector<1x128xf32>
        %add3A_52 = arith.addf %get3A_51, %broadcast_in_dim3A : vector<1x128xf32>
        %swap3A_53 = arith.constant 0 : index
        %swap3A_54 = arith.constant 0 : index
        %swap3A_55 = vector.load %arg12[%swap3A_53, %swap3A_54] : memref<2x128xf32, #tpu.memory_space<vmem>>, vector<1x128xf32>
        tpu.vector_store %arg12[%swap3A_53, %swap3A_54], %add3A_52 {strides = array<i32>} : memref<2x128xf32, #tpu.memory_space<vmem>>, vector<1x128xf32>,
        %get3A_56 = arith.constant 1 : index
        %get3A_57 = arith.constant 0 : index
        %get3A_58 = vector.load %arg12[%get3A_56, %get3A_57] : memref<2x128xf32, #tpu.memory_space<vmem>>, vector<1x128xf32>
        %add3A_59 = arith.addf %get3A_58, %broadcast_in_dim3A_39 : vector<1x128xf32>
        %swap3A_60 = arith.constant 1 : index
        %swap3A_61 = arith.constant 0 : index
        %swap3A_62 = vector.load %arg12[%swap3A_60, %swap3A_61] : memref<2x128xf32, #tpu.memory_space<vmem>>, vector<1x128xf32>
        tpu.vector_store %arg12[%swap3A_60, %swap3A_61], %add3A_59 {strides = array<i32>} : memref<2x128xf32, #tpu.memory_space<vmem>>, vector<1x128xf32>,
      } else {
      }
    } else {
    }
    %eq3A_2 = arith.constant 1 : i32
    %eq3A_3 = arith.cmpi eq, %arg0, %eq3A_2 : i32
    %convert_element_type3A_4 = arith.extui %eq3A_3 : i1 to i32
    %cond3A_5 = arith.constant 0 : i32
    %cond3A_6 = arith.cmpi ne, %convert_element_type3A_4, %cond3A_5 : i32
    scf.if %cond3A_6 {
      %mul3A = arith.constant 1000 : i32
      %mul3A_7 = arith.muli %arg1, %mul3A : i32
      %get3A = arith.index_cast %mul3A_7 : i32 to index
      %get3A_8 = arith.constant 0 : index
      %get3A_9 = vector.load %arg13[%get3A, %get3A_8] : memref<10000x128xf32, #tpu.memory_space<vmem>>, vector<1000x128xf32>
      %get3A_10 = arith.constant 0 : index
      %get3A_11 = arith.constant 0 : index
      %get3A_12 = vector.load %arg12[%get3A_10, %get3A_11] : memref<2x128xf32, #tpu.memory_space<vmem>>, vector<1x128xf32>
      %div3A = arith.constant 1.000000e+04 : f32
      %div3A_13 = vector.broadcast %div3A : f32 to vector<1x128xf32>
      %div3A_14 = arith.divf %get3A_12, %div3A_13 : vector<1x128xf32>
      %get3A_15 = arith.constant 1 : index
      %get3A_16 = arith.constant 0 : index
      %get3A_17 = vector.load %arg12[%get3A_15, %get3A_16] : memref<2x128xf32, #tpu.memory_space<vmem>>, vector<1x128xf32>
      %div3A_18 = arith.constant 1.000000e+04 : f32
      %div3A_19 = vector.broadcast %div3A_18 : f32 to vector<1x128xf32>
      %div3A_20 = arith.divf %get3A_17, %div3A_19 : vector<1x128xf32>
      %mul3A_21 = arith.mulf %div3A_14, %div3A_14 : vector<1x128xf32>
      %sub3A = arith.subf %div3A_20, %mul3A_21 : vector<1x128xf32>
      %sub3A_22 = vector.broadcast %div3A_14 : vector<1x128xf32> to vector<1000x128xf32>
      %sub3A_23 = arith.subf %get3A_9, %sub3A_22 : vector<1000x128xf32>
      %get3A_24 = arith.constant 0 : index
      %get3A_25 = arith.constant 0 : index
      %get3A_26 = vector.load %arg6[%get3A_24, %get3A_25] : memref<1x128xf32, #tpu.memory_space<vmem>>, vector<1x128xf32>
      %add3A = arith.constant 9.99999974E-6 : f32
      %add3A_27 = vector.broadcast %add3A : f32 to vector<1x128xf32>
      %add3A_28 = arith.addf %sub3A, %add3A_27 : vector<1x128xf32>
      %sqrt3A = math.sqrt %add3A_28 : vector<1x128xf32>
      %div3A_29 = arith.divf %get3A_26, %sqrt3A : vector<1x128xf32>
      %mul3A_30 = vector.broadcast %div3A_29 : vector<1x128xf32> to vector<1000x128xf32>
      %mul3A_31 = arith.mulf %sub3A_23, %mul3A_30 : vector<1000x128xf32>
      %get3A_32 = arith.constant 0 : index
      %get3A_33 = arith.constant 0 : index
      %get3A_34 = vector.load %arg7[%get3A_32, %get3A_33] : memref<1x128xf32, #tpu.memory_space<vmem>>, vector<1x128xf32>
      %add3A_35 = vector.broadcast %get3A_34 : vector<1x128xf32> to vector<1000x128xf32>
      %add3A_36 = arith.addf %mul3A_31, %add3A_35 : vector<1000x128xf32>
      %iota3A = tpu.iota {dimensions = array<i32: 0>} : vector<64x1000xi32>
      %get3A_37 = arith.constant 0 : index
      %get3A_38 = arith.constant 0 : index
      %get3A_39 = arith.constant 0 : index
      %get3A_40 = vector.load %arg8[%get3A_37, %get3A_38, %get3A_39] : memref<1x1x1000xi32, #tpu.memory_space<vmem>>, vector<1x1x1000xi32>
      %get3A_41 = vector.shape_cast %get3A_40 : vector<1x1x1000xi32> to vector<1x1000xi32>
      %eq3A_42 = vector.broadcast %get3A_41 : vector<1x1000xi32> to vector<64x1000xi32>
      %eq3A_43 = arith.cmpi eq, %iota3A, %eq3A_42 : vector<64x1000xi32>
      %convert_element_type3A_44 = arith.extui %eq3A_43 : vector<64x1000xi1> to vector<64x1000xi32>
      %convert_element_type3A_45 = arith.sitofp %convert_element_type3A_44 : vector<64x1000xi32> to vector<64x1000xf32>
      %dot_general3A = arith.constant dense<0.000000e+00> : vector<64x128xf32>
      %dot_general3A_46 = tpu.matmul %convert_element_type3A_45, %add3A_36, %dot_general3A {dimension_numbers = #tpu.dot_dimension_numbers<[1], [0], [0], [1], [0, 0, 1, 1], [], []>, precision = #tpu.contract_precision<fp32>, transpose_lhs_hint = false} : vector<64x1000xf32>, vector<1000x128xf32>, vector<64x128xf32> -> vector<64x128xf32>
      %eq3A_47 = arith.constant 0 : i32
      %eq3A_48 = arith.cmpi eq, %arg1, %eq3A_47 : i32
      %convert_element_type3A_49 = arith.extui %eq3A_48 : i1 to i32
      %cond3A_50 = arith.constant 0 : i32
      %cond3A_51 = arith.cmpi ne, %convert_element_type3A_49, %cond3A_50 : i32
      scf.if %cond3A_51 {
        %swap3A_68 = arith.constant 0 : index
        %swap3A_69 = arith.constant 0 : index
        %swap3A_70 = vector.load %arg10[%swap3A_68, %swap3A_69] : memref<64x128xf32, #tpu.memory_space<vmem>>, vector<64x128xf32>
        tpu.vector_store %arg10[%swap3A_68, %swap3A_69], %dot_general3A_46 {strides = array<i32>} : memref<64x128xf32, #tpu.memory_space<vmem>>, vector<64x128xf32>,
      } else {
      }
      %ne3A = arith.constant 0 : i32
      %ne3A_52 = arith.cmpi ne, %arg1, %ne3A : i32
      %convert_element_type3A_53 = arith.extui %ne3A_52 : i1 to i32
      %cond3A_54 = arith.constant 0 : i32
      %cond3A_55 = arith.cmpi ne, %convert_element_type3A_53, %cond3A_54 : i32
      scf.if %cond3A_55 {
        %get3A_68 = arith.constant 0 : index
        %get3A_69 = arith.constant 0 : index
        %get3A_70 = vector.load %arg10[%get3A_68, %get3A_69] : memref<64x128xf32, #tpu.memory_space<vmem>>, vector<64x128xf32>
        %add3A_71 = arith.addf %get3A_70, %dot_general3A_46 : vector<64x128xf32>
        %swap3A_72 = arith.constant 0 : index
        %swap3A_73 = arith.constant 0 : index
        %swap3A_74 = vector.load %arg10[%swap3A_72, %swap3A_73] : memref<64x128xf32, #tpu.memory_space<vmem>>, vector<64x128xf32>
        tpu.vector_store %arg10[%swap3A_72, %swap3A_73], %add3A_71 {strides = array<i32>} : memref<64x128xf32, #tpu.memory_space<vmem>>, vector<64x128xf32>,
      } else {
      }
      %get3A_56 = arith.constant 0 : index
      %get3A_57 = arith.constant 0 : index
      %get3A_58 = vector.load %arg9[%get3A_56, %get3A_57] : memref<128x128xf32, #tpu.memory_space<vmem>>, vector<128x128xf32>
      %dot_general3A_59 = arith.constant dense<0.000000e+00> : vector<1000x128xf32>
      %dot_general3A_60 = tpu.matmul %add3A_36, %get3A_58, %dot_general3A_59 {dimension_numbers = #tpu.dot_dimension_numbers<[1], [0], [0], [1], [0, 0, 1, 1], [], []>, transpose_lhs_hint = false} : vector<1000x128xf32>, vector<128x128xf32>, vector<1000x128xf32> -> vector<1000x128xf32>
      %get3A_61 = arith.constant 0 : index
      %get3A_62 = arith.constant 0 : index
      %get3A_63 = vector.load %arg4[%get3A_61, %get3A_62] : memref<1000x1xf32, #tpu.memory_space<vmem>>, vector<1000x1xf32>
      %mul3A_64 = vector.broadcast %get3A_63 : vector<1000x1xf32> to vector<1000x128xf32>
      %mul3A_65 = arith.mulf %dot_general3A_60, %mul3A_64 : vector<1000x128xf32>
      %swap3A = arith.constant 0 : index
      %swap3A_66 = arith.constant 0 : index
      %swap3A_67 = vector.load %arg11[%swap3A, %swap3A_66] : memref<1000x128xf32, #tpu.memory_space<vmem>>, vector<1000x128xf32>
      tpu.vector_store %arg11[%swap3A, %swap3A_66], %mul3A_65 {strides = array<i32>} : memref<1000x128xf32, #tpu.memory_space<vmem>>, vector<1000x128xf32>,
    } else {
    }
    return
  }
  func.func @transform_0(%arg0: i32, %arg1: i32) -> (i32, i32, i32) {
    %sub3A = arith.constant 1 : i32
    %sub3A_0 = arith.subi %sub3A, %arg0 : i32
    %mul3A = arith.muli %arg1, %sub3A_0 : i32
    %c0_i32 = arith.constant 0 : i32
    %c0_i32_1 = arith.constant 0 : i32
    %c0_i32_2 = arith.constant 0 : i32
    return %c0_i32, %mul3A, %c0_i32_1 : i32, i32, i32
  }
  func.func @transform_1(%arg0: i32, %arg1: i32) -> (i32, i32) {
    %sub3A = arith.constant 1 : i32
    %sub3A_0 = arith.subi %sub3A, %arg0 : i32
    %mul3A = arith.muli %arg1, %sub3A_0 : i32
    %c0_i32 = arith.constant 0 : i32
    %c0_i32_1 = arith.constant 0 : i32
    return %mul3A, %c0_i32 : i32, i32
  }
  func.func @transform_2(%arg0: i32, %arg1: i32) -> (i32, i32) {
    %c0_i32 = arith.constant 0 : i32
    %c0_i32_0 = arith.constant 0 : i32
    return %arg1, %c0_i32 : i32, i32
  }
  func.func @transform_3(%arg0: i32, %arg1: i32) -> (i32, i32) {
    %c0_i32 = arith.constant 0 : i32
    %c0_i32_0 = arith.constant 0 : i32
    %c0_i32_1 = arith.constant 0 : i32
    return %c0_i32, %c0_i32_0 : i32, i32
  }
  func.func @transform_4(%arg0: i32, %arg1: i32) -> (i32, i32) {
    %c0_i32 = arith.constant 0 : i32
    %c0_i32_0 = arith.constant 0 : i32
    %c0_i32_1 = arith.constant 0 : i32
    return %c0_i32, %c0_i32_0 : i32, i32
  }
  func.func @transform_5(%arg0: i32, %arg1: i32) -> (i32, i32) {
    %c0_i32 = arith.constant 0 : i32
    %c0_i32_0 = arith.constant 0 : i32
    %c0_i32_1 = arith.constant 0 : i32
    return %c0_i32, %c0_i32_0 : i32, i32
  }
  func.func @transform_6(%arg0: i32, %arg1: i32) -> (i32, i32, i32) {
    %c0_i32 = arith.constant 0 : i32
    %c0_i32_0 = arith.constant 0 : i32
    %c0_i32_1 = arith.constant 0 : i32
    return %arg1, %c0_i32, %c0_i32_0 : i32, i32, i32
  }
  func.func @transform_7(%arg0: i32, %arg1: i32) -> (i32, i32) {
    %c0_i32 = arith.constant 0 : i32
    %c0_i32_0 = arith.constant 0 : i32
    %c0_i32_1 = arith.constant 0 : i32
    return %c0_i32, %c0_i32_0 : i32, i32
  }
  func.func @transform_8(%arg0: i32, %arg1: i32) -> (i32, i32) {
    %c0_i32 = arith.constant 0 : i32
    %c0_i32_0 = arith.constant 0 : i32
    %c0_i32_1 = arith.constant 0 : i32
    return %c0_i32, %c0_i32_0 : i32, i32
  }
  func.func @transform_9(%arg0: i32, %arg1: i32) -> (i32, i32) {
    %c0_i32 = arith.constant 0 : i32
    %c0_i32_0 = arith.constant 0 : i32
    return %arg1, %c0_i32 : i32, i32
  }
}

module attributes {stable_mosaic.version = 14 : i64} {
  func.func @body(%arg0: i32, %arg1: i32, %arg2: memref<2x1000x128xf32, #tpu.memory_space<vmem>>, %arg3: memref<1000x128xf32, #tpu.memory_space<vmem>>, %arg4: memref<1000x1xf32, #tpu.memory_space<vmem>>, %arg5: memref<1x128xf32, #tpu.memory_space<vmem>>, %arg6: memref<1x128xf32, #tpu.memory_space<vmem>>, %arg7: memref<1x128xf32, #tpu.memory_space<vmem>>, %arg8: memref<1x1x1000xi32, #tpu.memory_space<vmem>>, %arg9: memref<64x128xf32, #tpu.memory_space<vmem>>, %arg10: memref<2x128xf32, #tpu.memory_space<vmem>>, %arg11: memref<10000x128xf32, #tpu.memory_space<vmem>>) attributes {dimension_semantics = [#tpu.dimension_semantics<arbitrary>, #tpu.dimension_semantics<arbitrary>], iteration_bounds = array<i64: 2, 10>, scalar_prefetch = 0 : i64, scratch_operands = 2 : i64, tpu.core_type = #tpu.core_type<tc>, window_params = [{transform_indices = @transform_0, window_bounds = array<i64: 2, 1000, 128>}, {transform_indices = @transform_1, window_bounds = array<i64: 1000, 128>}, {transform_indices = @transform_2, window_bounds = array<i64: 1000, 1>}, {pipeline_mode = #tpu.pipeline_mode<synchronous>, transform_indices = @transform_3, window_bounds = array<i64: 1, 128>}, {pipeline_mode = #tpu.pipeline_mode<synchronous>, transform_indices = @transform_4, window_bounds = array<i64: 1, 128>}, {pipeline_mode = #tpu.pipeline_mode<synchronous>, transform_indices = @transform_5, window_bounds = array<i64: 1, 128>}, {transform_indices = @transform_6, window_bounds = array<i64: 1, 1, 1000>}, {pipeline_mode = #tpu.pipeline_mode<synchronous>, transform_indices = @transform_7, window_bounds = array<i64: 64, 128>}]} {
    %eq3A = arith.constant 0 : i32
    %eq3A_0 = arith.cmpi eq, %arg0, %eq3A : i32
    %convert_element_type3A = arith.extui %eq3A_0 : i1 to i32
    %cond3A = arith.constant 0 : i32
    %cond3A_1 = arith.cmpi ne, %convert_element_type3A, %cond3A : i32
    scf.if %cond3A_1 {
      %get3A = arith.constant 0 : index
      %get3A_7 = arith.constant 0 : index
      %get3A_8 = vector.load %arg4[%get3A, %get3A_7] : memref<1000x1xf32, #tpu.memory_space<vmem>>, vector<1000x1xf32>
      %get3A_9 = arith.constant 0 : index
      %get3A_10 = arith.constant 0 : index
      %get3A_11 = arith.constant 0 : index
      %get3A_12 = vector.load %arg2[%get3A_9, %get3A_10, %get3A_11] : memref<2x1000x128xf32, #tpu.memory_space<vmem>>, vector<1x1000x128xf32>
      %get3A_13 = vector.shape_cast %get3A_12 : vector<1x1000x128xf32> to vector<1000x128xf32>
      %get3A_14 = arith.constant 1 : index
      %get3A_15 = arith.constant 0 : index
      %get3A_16 = arith.constant 0 : index
      %get3A_17 = vector.load %arg2[%get3A_14, %get3A_15, %get3A_16] : memref<2x1000x128xf32, #tpu.memory_space<vmem>>, vector<1x1000x128xf32>
      %get3A_18 = vector.shape_cast %get3A_17 : vector<1x1000x128xf32> to vector<1000x128xf32>
      %add3A = arith.addf %get3A_13, %get3A_18 : vector<1000x128xf32>
      %get3A_19 = arith.constant 0 : index
      %get3A_20 = arith.constant 0 : index
      %get3A_21 = vector.load %arg3[%get3A_19, %get3A_20] : memref<1000x128xf32, #tpu.memory_space<vmem>>, vector<1000x128xf32>
      %add3A_22 = arith.addf %add3A, %get3A_21 : vector<1000x128xf32>
      %mul3A = vector.broadcast %get3A_8 : vector<1000x1xf32> to vector<1000x128xf32>
      %mul3A_23 = arith.mulf %mul3A, %add3A_22 : vector<1000x128xf32>
      %get3A_24 = arith.constant 0 : index
      %get3A_25 = arith.constant 0 : index
      %get3A_26 = vector.load %arg5[%get3A_24, %get3A_25] : memref<1x128xf32, #tpu.memory_space<vmem>>, vector<1x128xf32>
      %add3A_27 = vector.broadcast %get3A_26 : vector<1x128xf32> to vector<1000x128xf32>
      %add3A_28 = arith.addf %mul3A_23, %add3A_27 : vector<1000x128xf32>
      %max3A = arith.constant 0.000000e+00 : f32
      %max3A_29 = vector.broadcast %max3A : f32 to vector<1000x128xf32>
      %max3A_30 = arith.maximumf %add3A_28, %max3A_29 : vector<1000x128xf32>
      %mul3A_31 = arith.constant 1000 : i32
      %mul3A_32 = arith.muli %arg1, %mul3A_31 : i32
      %swap3A = arith.index_cast %mul3A_32 : i32 to index
      %swap3A_33 = arith.constant 0 : index
      %swap3A_34 = vector.load %arg11[%swap3A, %swap3A_33] : memref<10000x128xf32, #tpu.memory_space<vmem>>, vector<1000x128xf32>
      tpu.vector_store %arg11[%swap3A, %swap3A_33], %max3A_30 {strides = array<i32>} : memref<10000x128xf32, #tpu.memory_space<vmem>>, vector<1000x128xf32>,
      %reduce_sum3A = arith.constant dense<0.000000e+00> : vector<128xf32>
      %reduce_sum3A_35 = vector.multi_reduction <add>, %max3A_30, %reduce_sum3A [0] : vector<1000x128xf32> to vector<128xf32>
      %broadcast_in_dim3A = vector.shape_cast %reduce_sum3A_35 : vector<128xf32> to vector<1x128xf32>
      %mul3A_36 = arith.mulf %max3A_30, %max3A_30 : vector<1000x128xf32>
      %reduce_sum3A_37 = arith.constant dense<0.000000e+00> : vector<128xf32>
      %reduce_sum3A_38 = vector.multi_reduction <add>, %mul3A_36, %reduce_sum3A_37 [0] : vector<1000x128xf32> to vector<128xf32>
      %broadcast_in_dim3A_39 = vector.shape_cast %reduce_sum3A_38 : vector<128xf32> to vector<1x128xf32>
      %eq3A_40 = arith.constant 0 : i32
      %eq3A_41 = arith.cmpi eq, %arg1, %eq3A_40 : i32
      %convert_element_type3A_42 = arith.extui %eq3A_41 : i1 to i32
      %cond3A_43 = arith.constant 0 : i32
      %cond3A_44 = arith.cmpi ne, %convert_element_type3A_42, %cond3A_43 : i32
      scf.if %cond3A_44 {
        %swap3A_49 = arith.constant 0 : index
        %swap3A_50 = arith.constant 0 : index
        %swap3A_51 = vector.load %arg10[%swap3A_49, %swap3A_50] : memref<2x128xf32, #tpu.memory_space<vmem>>, vector<1x128xf32>
        tpu.vector_store %arg10[%swap3A_49, %swap3A_50], %broadcast_in_dim3A {strides = array<i32>} : memref<2x128xf32, #tpu.memory_space<vmem>>, vector<1x128xf32>,
        %swap3A_52 = arith.constant 1 : index
        %swap3A_53 = arith.constant 0 : index
        %swap3A_54 = vector.load %arg10[%swap3A_52, %swap3A_53] : memref<2x128xf32, #tpu.memory_space<vmem>>, vector<1x128xf32>
        tpu.vector_store %arg10[%swap3A_52, %swap3A_53], %broadcast_in_dim3A_39 {strides = array<i32>} : memref<2x128xf32, #tpu.memory_space<vmem>>, vector<1x128xf32>,
      } else {
      }
      %ne3A = arith.constant 0 : i32
      %ne3A_45 = arith.cmpi ne, %arg1, %ne3A : i32
      %convert_element_type3A_46 = arith.extui %ne3A_45 : i1 to i32
      %cond3A_47 = arith.constant 0 : i32
      %cond3A_48 = arith.cmpi ne, %convert_element_type3A_46, %cond3A_47 : i32
      scf.if %cond3A_48 {
        %get3A_49 = arith.constant 0 : index
        %get3A_50 = arith.constant 0 : index
        %get3A_51 = vector.load %arg10[%get3A_49, %get3A_50] : memref<2x128xf32, #tpu.memory_space<vmem>>, vector<1x128xf32>
        %add3A_52 = arith.addf %get3A_51, %broadcast_in_dim3A : vector<1x128xf32>
        %swap3A_53 = arith.constant 0 : index
        %swap3A_54 = arith.constant 0 : index
        %swap3A_55 = vector.load %arg10[%swap3A_53, %swap3A_54] : memref<2x128xf32, #tpu.memory_space<vmem>>, vector<1x128xf32>
        tpu.vector_store %arg10[%swap3A_53, %swap3A_54], %add3A_52 {strides = array<i32>} : memref<2x128xf32, #tpu.memory_space<vmem>>, vector<1x128xf32>,
        %get3A_56 = arith.constant 1 : index
        %get3A_57 = arith.constant 0 : index
        %get3A_58 = vector.load %arg10[%get3A_56, %get3A_57] : memref<2x128xf32, #tpu.memory_space<vmem>>, vector<1x128xf32>
        %add3A_59 = arith.addf %get3A_58, %broadcast_in_dim3A_39 : vector<1x128xf32>
        %swap3A_60 = arith.constant 1 : index
        %swap3A_61 = arith.constant 0 : index
        %swap3A_62 = vector.load %arg10[%swap3A_60, %swap3A_61] : memref<2x128xf32, #tpu.memory_space<vmem>>, vector<1x128xf32>
        tpu.vector_store %arg10[%swap3A_60, %swap3A_61], %add3A_59 {strides = array<i32>} : memref<2x128xf32, #tpu.memory_space<vmem>>, vector<1x128xf32>,
      } else {
      }
    } else {
    }
    %eq3A_2 = arith.constant 1 : i32
    %eq3A_3 = arith.cmpi eq, %arg0, %eq3A_2 : i32
    %convert_element_type3A_4 = arith.extui %eq3A_3 : i1 to i32
    %cond3A_5 = arith.constant 0 : i32
    %cond3A_6 = arith.cmpi ne, %convert_element_type3A_4, %cond3A_5 : i32
    scf.if %cond3A_6 {
      %mul3A = arith.constant 1000 : i32
      %mul3A_7 = arith.muli %arg1, %mul3A : i32
      %get3A = arith.index_cast %mul3A_7 : i32 to index
      %get3A_8 = arith.constant 0 : index
      %get3A_9 = vector.load %arg11[%get3A, %get3A_8] : memref<10000x128xf32, #tpu.memory_space<vmem>>, vector<1000x128xf32>
      %get3A_10 = arith.constant 0 : index
      %get3A_11 = arith.constant 0 : index
      %get3A_12 = vector.load %arg10[%get3A_10, %get3A_11] : memref<2x128xf32, #tpu.memory_space<vmem>>, vector<1x128xf32>
      %div3A = arith.constant 1.000000e+04 : f32
      %div3A_13 = vector.broadcast %div3A : f32 to vector<1x128xf32>
      %div3A_14 = arith.divf %get3A_12, %div3A_13 : vector<1x128xf32>
      %get3A_15 = arith.constant 1 : index
      %get3A_16 = arith.constant 0 : index
      %get3A_17 = vector.load %arg10[%get3A_15, %get3A_16] : memref<2x128xf32, #tpu.memory_space<vmem>>, vector<1x128xf32>
      %div3A_18 = arith.constant 1.000000e+04 : f32
      %div3A_19 = vector.broadcast %div3A_18 : f32 to vector<1x128xf32>
      %div3A_20 = arith.divf %get3A_17, %div3A_19 : vector<1x128xf32>
      %mul3A_21 = arith.mulf %div3A_14, %div3A_14 : vector<1x128xf32>
      %sub3A = arith.subf %div3A_20, %mul3A_21 : vector<1x128xf32>
      %sub3A_22 = vector.broadcast %div3A_14 : vector<1x128xf32> to vector<1000x128xf32>
      %sub3A_23 = arith.subf %get3A_9, %sub3A_22 : vector<1000x128xf32>
      %get3A_24 = arith.constant 0 : index
      %get3A_25 = arith.constant 0 : index
      %get3A_26 = vector.load %arg6[%get3A_24, %get3A_25] : memref<1x128xf32, #tpu.memory_space<vmem>>, vector<1x128xf32>
      %add3A = arith.constant 9.99999974E-6 : f32
      %add3A_27 = vector.broadcast %add3A : f32 to vector<1x128xf32>
      %add3A_28 = arith.addf %sub3A, %add3A_27 : vector<1x128xf32>
      %sqrt3A = math.sqrt %add3A_28 : vector<1x128xf32>
      %div3A_29 = arith.divf %get3A_26, %sqrt3A : vector<1x128xf32>
      %mul3A_30 = vector.broadcast %div3A_29 : vector<1x128xf32> to vector<1000x128xf32>
      %mul3A_31 = arith.mulf %sub3A_23, %mul3A_30 : vector<1000x128xf32>
      %get3A_32 = arith.constant 0 : index
      %get3A_33 = arith.constant 0 : index
      %get3A_34 = vector.load %arg7[%get3A_32, %get3A_33] : memref<1x128xf32, #tpu.memory_space<vmem>>, vector<1x128xf32>
      %add3A_35 = vector.broadcast %get3A_34 : vector<1x128xf32> to vector<1000x128xf32>
      %add3A_36 = arith.addf %mul3A_31, %add3A_35 : vector<1000x128xf32>
      %iota3A = tpu.iota {dimensions = array<i32: 0>} : vector<64x1000xi32>
      %get3A_37 = arith.constant 0 : index
      %get3A_38 = arith.constant 0 : index
      %get3A_39 = arith.constant 0 : index
      %get3A_40 = vector.load %arg8[%get3A_37, %get3A_38, %get3A_39] : memref<1x1x1000xi32, #tpu.memory_space<vmem>>, vector<1x1x1000xi32>
      %get3A_41 = vector.shape_cast %get3A_40 : vector<1x1x1000xi32> to vector<1x1000xi32>
      %eq3A_42 = vector.broadcast %get3A_41 : vector<1x1000xi32> to vector<64x1000xi32>
      %eq3A_43 = arith.cmpi eq, %iota3A, %eq3A_42 : vector<64x1000xi32>
      %convert_element_type3A_44 = arith.extui %eq3A_43 : vector<64x1000xi1> to vector<64x1000xi32>
      %convert_element_type3A_45 = arith.sitofp %convert_element_type3A_44 : vector<64x1000xi32> to vector<64x1000xf32>
      %dot_general3A = arith.constant dense<0.000000e+00> : vector<64x128xf32>
      %dot_general3A_46 = tpu.matmul %convert_element_type3A_45, %add3A_36, %dot_general3A {dimension_numbers = #tpu.dot_dimension_numbers<[1], [0], [0], [1], [0, 0, 1, 1], [], []>, precision = #tpu.contract_precision<fp32>, transpose_lhs_hint = false} : vector<64x1000xf32>, vector<1000x128xf32>, vector<64x128xf32> -> vector<64x128xf32>
      %eq3A_47 = arith.constant 0 : i32
      %eq3A_48 = arith.cmpi eq, %arg1, %eq3A_47 : i32
      %convert_element_type3A_49 = arith.extui %eq3A_48 : i1 to i32
      %cond3A_50 = arith.constant 0 : i32
      %cond3A_51 = arith.cmpi ne, %convert_element_type3A_49, %cond3A_50 : i32
      scf.if %cond3A_51 {
        %swap3A = arith.constant 0 : index
        %swap3A_56 = arith.constant 0 : index
        %swap3A_57 = vector.load %arg9[%swap3A, %swap3A_56] : memref<64x128xf32, #tpu.memory_space<vmem>>, vector<64x128xf32>
        tpu.vector_store %arg9[%swap3A, %swap3A_56], %dot_general3A_46 {strides = array<i32>} : memref<64x128xf32, #tpu.memory_space<vmem>>, vector<64x128xf32>,
      } else {
      }
      %ne3A = arith.constant 0 : i32
      %ne3A_52 = arith.cmpi ne, %arg1, %ne3A : i32
      %convert_element_type3A_53 = arith.extui %ne3A_52 : i1 to i32
      %cond3A_54 = arith.constant 0 : i32
      %cond3A_55 = arith.cmpi ne, %convert_element_type3A_53, %cond3A_54 : i32
      scf.if %cond3A_55 {
        %get3A_56 = arith.constant 0 : index
        %get3A_57 = arith.constant 0 : index
        %get3A_58 = vector.load %arg9[%get3A_56, %get3A_57] : memref<64x128xf32, #tpu.memory_space<vmem>>, vector<64x128xf32>
        %add3A_59 = arith.addf %get3A_58, %dot_general3A_46 : vector<64x128xf32>
        %swap3A = arith.constant 0 : index
        %swap3A_60 = arith.constant 0 : index
        %swap3A_61 = vector.load %arg9[%swap3A, %swap3A_60] : memref<64x128xf32, #tpu.memory_space<vmem>>, vector<64x128xf32>
        tpu.vector_store %arg9[%swap3A, %swap3A_60], %add3A_59 {strides = array<i32>} : memref<64x128xf32, #tpu.memory_space<vmem>>, vector<64x128xf32>,
      } else {
      }
    } else {
    }
    return
  }
  func.func @transform_0(%arg0: i32, %arg1: i32) -> (i32, i32, i32) {
    %sub3A = arith.constant 1 : i32
    %sub3A_0 = arith.subi %sub3A, %arg0 : i32
    %mul3A = arith.muli %arg1, %sub3A_0 : i32
    %c0_i32 = arith.constant 0 : i32
    %c0_i32_1 = arith.constant 0 : i32
    %c0_i32_2 = arith.constant 0 : i32
    return %c0_i32, %mul3A, %c0_i32_1 : i32, i32, i32
  }
  func.func @transform_1(%arg0: i32, %arg1: i32) -> (i32, i32) {
    %sub3A = arith.constant 1 : i32
    %sub3A_0 = arith.subi %sub3A, %arg0 : i32
    %mul3A = arith.muli %arg1, %sub3A_0 : i32
    %c0_i32 = arith.constant 0 : i32
    %c0_i32_1 = arith.constant 0 : i32
    return %mul3A, %c0_i32 : i32, i32
  }
  func.func @transform_2(%arg0: i32, %arg1: i32) -> (i32, i32) {
    %c0_i32 = arith.constant 0 : i32
    %c0_i32_0 = arith.constant 0 : i32
    return %arg1, %c0_i32 : i32, i32
  }
  func.func @transform_3(%arg0: i32, %arg1: i32) -> (i32, i32) {
    %c0_i32 = arith.constant 0 : i32
    %c0_i32_0 = arith.constant 0 : i32
    %c0_i32_1 = arith.constant 0 : i32
    return %c0_i32, %c0_i32_0 : i32, i32
  }
  func.func @transform_4(%arg0: i32, %arg1: i32) -> (i32, i32) {
    %c0_i32 = arith.constant 0 : i32
    %c0_i32_0 = arith.constant 0 : i32
    %c0_i32_1 = arith.constant 0 : i32
    return %c0_i32, %c0_i32_0 : i32, i32
  }
  func.func @transform_5(%arg0: i32, %arg1: i32) -> (i32, i32) {
    %c0_i32 = arith.constant 0 : i32
    %c0_i32_0 = arith.constant 0 : i32
    %c0_i32_1 = arith.constant 0 : i32
    return %c0_i32, %c0_i32_0 : i32, i32
  }
  func.func @transform_6(%arg0: i32, %arg1: i32) -> (i32, i32, i32) {
    %c0_i32 = arith.constant 0 : i32
    %c0_i32_0 = arith.constant 0 : i32
    %c0_i32_1 = arith.constant 0 : i32
    return %arg1, %c0_i32, %c0_i32_0 : i32, i32, i32
  }
  func.func @transform_7(%arg0: i32, %arg1: i32) -> (i32, i32) {
    %c0_i32 = arith.constant 0 : i32
    %c0_i32_0 = arith.constant 0 : i32
    %c0_i32_1 = arith.constant 0 : i32
    return %c0_i32, %c0_i32_0 : i32, i32
  }
}

</mosaic_0001>

<sc_bundles>
// kernel: kernel.11.cloned.1.call-start
scs
__scs_entry_jumppad:
0x0: {  	(pc) =	sbr.rel $0x88, $3  }
0x1: {  	(tag) =	ssettag $0x0;
	lr =	simm.s32 $0x1  }
0x2: {  	[smem:$0x3F9A] =	sst lr;
	_ =	strace $0xD0000000  }
0x3: {  	_ = 	snop  }
0x4: {  	_ = 	snop  }
0x5: {  	_ = 	snop  }
0x6: {  	_ = 	snop  }
0x7: {  	_ = 	snop  }
__scs_overlays_trampoline_lowered:
0x8: {  	[smem:$0x3FA9] =	sst s0  }
0x9: {  	[smem:$0x3FAA] =	sst s1  }
0xa: {  	[smem:$0x3FAB] =	sst s2  }
0xb: {  	[smem:$0x3FAC] =	sst s3  }
0xc: {  	[smem:$0x3FAD] =	sst s4  }
0xd: {  	[smem:$0x3FAE] =	sst s5  }
0xe: {  	[smem:$0x3FAF] =	sst s6  }
0xf: {  	[smem:$0x3FB0] =	sst s7  }
0x10: {  	[smem:$0x3FB1] =	sst s8  }
0x11: {  	[smem:$0x3FB2] =	sst s9;
	s0 =	simm.s32 @!p0 $0x0  }
0x12: {  	s1 =	sld [smem:$0x3F98];
	s0 =	simm.s32 @p0 $0x1  }
0x13: {  	[smem:$0x3FB3] =	sst s0;
	s0 =	simm.s32 @!p1 $0x0  }
0x14: {  	s2 =	sld [smem:$0x3F97];
	s0 =	simm.s32 @p1 $0x1  }
0x15: {  	[smem:$0x3FB4] =	sst s0;
	s0 =	simm.s32 @!p2 $0x0  }
0x16: {  	s3 =	sld [smem:$0x3FDB];
	s0 =	simm.s32 @p2 $0x1  }
0x17: {  	s4 =	simm.s32 $0x1BF5;
	[smem:$0x3FB6] =	sst s0  }
0x18: {  	s0 =	sld [smem:$0x3F99];
	_ =	swait.ge [sflag:s4], $0x0  }
0x19: {  	s7 =	sld [smem:$0x3F9A]  }
0x1a: {  	s8 =	sadd.s32 $0xFFFFE003, lr  }
0x1b: {  	s9 =	sadd.s32 $0xFFFFFEF7, lr;
	s5 =	simm.s32 $0xFFFFFFFF;
	p2 =	slt.u32 s8, $0xFFFFF086  }
0x1c: {  	p1 =	slt.u32 s9, $0xF7A;
	s5 =	simm.s32 @!p2 $0x0  }
0x1d: {  	s5 =	simm.s32 @p1 $0x1;
	p0 =	seq.s32 s7, s2  }
0x1e: {  	s7 =	smul.u32 @!p0 $0xF7A, s2;
	p2 =	seq.s32 @!p0 s5, $0x0  }
0x1f: {  	s9 =	smul.u32 $0xF7A, s1;
	s8 =	simm.s32 @!p0 $0x1BF5;
	p2 =	por !p2, p0  }
0x20: {  	[sflag:s8] =	ssyncset.s32 @!p0 $0xFFFFF086;
	s6 =	sadd.s32 @!p0 s3, s7;
	s7 =	simm.s32 @!p0 $0x108  }
0x21: {  	s3 =	sadd.s32 s3, s9;
	s6 =	sadd.s32 @!p0 $0x88, s6;
	s7 =	simm.s32 @p2 $0x1082  }
0x22: {  	[simem:s7], [sflag:s8] =	dma.local @!p0 [hbm:s6], $0xF7A  }
0x23: {  	s9 =	sor.u32 $0xD0000000, s2;
	s6 =	simm.s32 $0x108;
	_ =	swait.ge @!p0 [sflag:s8], $0x0  }
0x24: {  	s3 =	sadd.s32 $0x88, s3;
	s6 =	simm.s32 @!p1 $0x1082;
	[sflag:s4] =	ssyncset.s32 $0xFFFFF086  }
0x25: {  	[simem:s6], [sflag:s4] =	dma.local [hbm:s3], $0xF7A  }
0x26: {  	[smem:$0x3F9A] =	sst s1;
	(tag) =	ssettag s2;
	_ =	strace s9  }
0x27: {  	s1 =	sld [smem:$0x3FAA]  }
0x28: {  	s2 =	sld [smem:$0x3FAB]  }
0x29: {  	s4 =	sld [smem:$0x3FAD]  }
0x2a: {  	p0 =	seq.s32 s5, $0x0;
	s5 =	sld [smem:$0x3FAE]  }
0x2b: {  	s6 =	sld [smem:$0x3FAF]  }
0x2c: {  	s7 =	sld [smem:$0x3FB0]  }
0x2d: {  	s3 =	simm.s32 $0x108;
	s8 =	sld [smem:$0x3FB1]  }
0x2e: {  	s3 =	simm.s32 @!p0 $0x1082;
	s9 =	sld [smem:$0x3FB2]  }
0x2f: {  	lr =	sadd.s32 s0, s3;
	s0 =	sld [smem:$0x3FA9]  }
0x30: {  	s3 =	sld [smem:$0x3FAC]  }
0x31: {  	[smem:$0x3FB5] =	sst s10  }
0x32: {  	s10 =	sld [smem:$0x3FB3];
	_ =	sdelay $0x3  }
0x33: {  	p0 =	seq.s32 s10, $0x1;
	s10 =	sld [smem:$0x3FB5];
	_ =	sdelay $0x3  }
0x34: {  	[smem:$0x3FB5] =	sst s10  }
0x35: {  	s10 =	sld [smem:$0x3FB4];
	_ =	sdelay $0x3  }
0x36: {  	p1 =	seq.s32 s10, $0x1;
	s10 =	sld [smem:$0x3FB5];
	_ =	sdelay $0x3  }
0x37: {  	[smem:$0x3FB5] =	sst s10  }
0x38: {  	s10 =	sld [smem:$0x3FB6]  }
0x39: {  	_ = 	snop;
	(pc) =	sbr.ind lr, $3  }
0x3a: {  	_ = 	snop  }
0x3b: {  	_ = 	snop  }
0x3c: {  	p2 =	seq.s32 s10, $0x1;
	s10 =	sld [smem:$0x3FB5]  }
0x3d: {  	_ =	shalt  }
0x3e: {  	_ =	shalt  }
0x3f: {  	_ =	shalt  }
0x40: {  	_ =	shalt  }
0x41: {  	_ =	shalt  }
0x42: {  	_ =	shalt  }
0x43: {  	_ =	shalt  }
0x44: {  	_ =	shalt  }
0x45: {  	_ =	shalt  }
0x46: {  	_ =	shalt  }
0x47: {  	_ =	shalt  }
0x48: {  	_ =	shalt  }
0x49: {  	_ =	shalt  }
0x4a: {  	_ =	shalt  }
0x4b: {  	_ =	shalt  }
0x4c: {  	_ =	shalt  }
0x4d: {  	_ =	shalt  }
0x4e: {  	_ =	shalt  }
0x4f: {  	_ =	shalt  }
0x50: {  	_ =	shalt  }
0x51: {  	_ =	shalt  }
0x52: {  	_ =	shalt  }
0x53: {  	_ =	shalt  }
0x54: {  	_ =	shalt  }
0x55: {  	_ =	shalt  }
0x56: {  	_ =	shalt  }
0x57: {  	_ =	shalt  }
0x58: {  	_ =	shalt  }
0x59: {  	_ =	shalt  }
0x5a: {  	_ =	shalt  }
0x5b: {  	_ =	shalt  }
0x5c: {  	_ =	shalt  }
0x5d: {  	_ =	shalt  }
0x5e: {  	_ =	shalt  }
0x5f: {  	_ =	shalt  }
0x60: {  	_ =	shalt  }
0x61: {  	_ =	shalt  }
0x62: {  	_ =	shalt  }
0x63: {  	_ =	shalt  }
0x64: {  	_ =	shalt  }
0x65: {  	_ =	shalt  }
0x66: {  	_ =	shalt  }
0x67: {  	_ =	shalt  }
0x68: {  	_ =	shalt  }
0x69: {  	_ =	shalt  }
0x6a: {  	_ =	shalt  }
0x6b: {  	_ =	shalt  }
0x6c: {  	_ =	shalt  }
0x6d: {  	_ =	shalt  }
0x6e: {  	_ =	shalt  }
0x6f: {  	_ =	shalt  }
0x70: {  	_ =	shalt  }
0x71: {  	_ =	shalt  }
0x72: {  	_ =	shalt  }
0x73: {  	_ =	shalt  }
0x74: {  	_ =	shalt  }
0x75: {  	_ =	shalt  }
0x76: {  	_ =	shalt  }
0x77: {  	_ =	shalt  }
0x78: {  	_ =	shalt  }
0x79: {  	_ =	shalt  }
0x7a: {  	_ =	shalt  }
0x7b: {  	_ =	shalt  }
0x7c: {  	_ =	shalt  }
0x7d: {  	_ =	shalt  }
0x7e: {  	_ =	shalt  }
0x7f: {  	_ =	shalt  }
0x80: {  	_ =	shalt  }
0x81: {  	_ =	shalt  }
0x82: {  	_ =	shalt  }
0x83: {  	_ =	shalt  }
0x84: {  	_ =	shalt  }
0x85: {  	_ =	shalt  }
0x86: {  	_ =	shalt  }
0x87: {  	_ =	shalt  }
.Lfunc_end0:
.L_simem_size_0:
called_computation_lowered:
.L_overlay_start_0:
0x88: {  	s2 =	sld [smem:$0x3FD9]  }
0x89: {  	s3 =	sld [smem:$0x3FFE];
	_ =	sdelay $0x1  }
0x8a: {  	s1 =	srdreg.scid  }
0x8b: {  	s0 =	sand.u32 $0x1, s1  }
0x8c: {  	s17 =	sshll.u32 s0, $0xA;
	s2 =	sadd.s32 s3, s2  }
0x8d: {  	s2 =	sadd.s32 s2, s17  }
0x8e: {  	[smem:$0x3FC1] =	sst s2  }
0x8f: {  	_ = 	snop  }
0x90: {  	s2 =	sld [smem:$0x3FD0];
	(tm) =	ssettm $0x1  }
0x91: {  	s18 =	sld [smem:$0x3FFB];
	_ =	sdelay $0x3  }
0x92: {  	_ =	strace s18  }
0x93: {  	s3 =	sld [smem:$0x3FFC];
	_ =	sdelay $0x3  }
0x94: {  	_ =	strace s3  }
0x95: {  	s3 =	sld [smem:$0x3FFD];
	_ =	sdelay $0x3  }
0x96: {  	_ =	strace s3  }
0x97: {  	_ =	strace $0x8FFFFFFF  }
0x98: {  	s19 =	sld [smem:$0x3FDB];
	_ =	sdelay $0x1  }
0x99: {  	s4 =	simm.s32 $_scs_section_size  }
0x9a: {  	s5 =	simm.s32 $_size__tile_overlayer_lowered;
	s6 =	simm.s32 $_tile_overlayer_lowered  }
0x9b: {  	s22 =	simm.s32 $0x1BFF;
	s21 =	sshll.u32 s6, $0x1;
	s3 =	sadd.s32 s4, s19  }
0x9c: {  	s7 =	simm.s32 $0x0;
	s20 =	sshll.u32 s5, $0x1;
	s5 =	sadd.s32 s21, s3  }
0x9d: {  	[timem:s7], [sflag:s22] =	dma.local [hbm:s5], s20  }
0x9e: {  	_ =	swait.ge [sflag:s22], s20  }
0x9f: {  	s4 =	ssub.s32 $0x0, s20;
	[sflag:s22] =	ssyncset.done $0x0  }
0xa0: {  	[sflag:s22] =	ssyncadd.s32 s4;
	_ =	sdelay $0x1  }
0xa1: {  	s23 =	simm.s32 $0x1B8B  }
0xa2: {  	_ =	swait.ge [sflag:s23], $0x1  }
0xa3: {  	[sflag:s23] =	ssyncset.done $0x0  }
0xa4: {  	s25 =	simm.s32 $0x1B8E;
	s24 =	sld [smem:$0x3FFE];
	[sflag:s23] =	ssyncadd.s32 $0xFFFFFFFF  }
0xa5: {  	s26 =	simm.s32 $execute0_lowered;
	[smem:$0x3FD2] =	sst s25  }
0xa6: {  	s5 =	sshll.u32 s26, $0x1;
	_ =	strace $0x80000046;
	[dreg:$0x1] =	wrdreg $0xFFFFFFFF  }
0xa7: {  	s28 =	simm.s32 $_size_execute0_lowered;
	s3 =	sadd.s32 s3, s5;
	[dreg:$0x0] =	wrdreg $0x0  }
0xa8: {  	s5 =	sshll.u32 s28, $0x1;
	[dreg:$0x2] =	wrdreg s3  }
0xa9: {  	[dreg:$0x3] =	wrdreg s5  }
0xaa: {  	[dreg:$0x4] =	wrdreg $0xC0  }
0xab: {  	_ =	task [dreg:s7], $0x5FFFF  }
0xac: {  	[dreg:$0x1] =	wrdreg $0xFFFFFFFF  }
0xad: {  	[dreg:$0x0] =	wrdreg $0x60  }
0xae: {  	[dreg:$0x2] =	wrdreg s24  }
0xaf: {  	[dreg:$0x3] =	wrdreg s2  }
0xb0: {  	[dreg:$0x4] =	wrdreg $0x68000  }
0xb1: {  	[dreg:$0x5] =	wrdreg $0x9  }
0xb2: {  	_ =	task.clear_ibuf [dreg:s7], $0x6FFFF;
	_ =	strace $0x90000046  }
0xb3: {  	s29 =	simm.s32 $0x9;
	_ =	strace $0x80000048  }
0xb4: {  	_ =	swait.ge [sflag:s29], $0x1  }
0xb5: {  	[sflag:s29] =	ssyncadd.s32 $0xFFFFFFFF  }
0xb6: {  	_ =	strace $0x90000048  }
0xb7: {  	_ =	sfence  }
0xb8: {  	s30 =	sld [smem:$0x0];
	_ =	sdelay $0x2  }
0xb9: {  	s31 =	sshll.u32 s1, $0xD;
	s1 =	sshrl.u32 s1, $0x2  }
0xba: {  	s3 =	sand.u32 $0x4000, s31;
	s1 =	sadd.s32 s1, s30  }
0xbb: {  	s0 =	sor.u32 s3, s0;
	s1 =	sshll.u32 s1, $0x11  }
0xbc: {  	s0 =	sor.u32 s1, s0  }
0xbd: {  	s0 =	sadd.s32 $0x8F2B, s0  }
0xbe: {  	[sflag:s0] =	ssyncadd.remote.s32 $0x1  }
0xbf: {  	_ =	sfence.sel $0xFFFF  }
0xc0: {  	[dreg:$0x0] =	wrdreg $0xFFFFFFFF;
	(pc) =	sbr.abs _section_cstart, $3  }
0xc1: {  	[dreg:$0x1] =	wrdreg $0xFFFFFFFF  }
0xc2: {  	_ =	task.clear_ibuf [dreg:s7], $0x2FFFF;
	_ =	strace $0x9FFFFFFF  }
0xc3: {  	(tm) =	ssettm $0x7FFFFFFF  }
tec
execute0_lowered:
.L_overlay_start_1:
0x0: {  	(tag) =	ssettag $0x1  }
0x1: {  	s6 =	rddreg [dreg:$0x0]  }
0x2: {  	s0 =	srdreg.scid;
	s2 =	rddreg [dreg:$0x1]  }
0x3: {  	s3 =	rddreg [dreg:$0x2];
	s4 =	simm.s32 $0x0;
	s13 =	simm.s32 $0x80  }
0x4: {  	s14 =	simm.s32 $0x1;
	s5 =	sand.u32 $0x1, s0;
	s0 =	stileid.u32  }
0x5: {  	s15 =	simm.s32 $0x0;
	[smem:$0x7FF] =	sst s4;
	s8 =	smul.u32 $0x13C00, s0  }
0x6: {  	s1 =	sshll.u32 s5, $0x4;
	s9 =	smul.u32 $0x13C000, s5;
	s5 =	ssub.s32 $0x2, s5  }
0x7: {  	s28 =	smul.u32 $0x4F000, s0;
	s31 =	sshll.u32 s0, $0x6;
	s1 =	sor.u32 s0, s1  }
0x8: {  	s29 =	sshrl.u32 s5, $0x1;
	s7 =	smul.u32 $0x500, s1;
	s1 =	rddreg [dreg:$0x3]  }
0x9: {  	_ =	strace $0x80000047;
	s10 =	sshrl.u32 s8, $0x3;
	s8 =	sadd.s32 s8, s9  }
0xa: {  	s11 =	ssub.s32 s5, s29;
	s30 =	sshrl.u32 s28, $0x2;
	s8 =	sshrl.u32 s8, $0x3  }
0xb: {  	s10 =	sadd.s32 s10, s6;
	s12 =	sadd.s32 s30, s3;
	s9 =	smax.u32 s11, $0x1  }
0xc: {  	s11 =	simm.s32 $0x2;
	s7 =	sadd.s32 s7, s6;
	s8 =	sadd.s32 s8, s6  }
0xd: {  	s5 =	sadd.s32 $0xE600, s10;
	s6 =	sor.u32 $0x1C02, s31;
	s10 =	sshrl.u32 s12, $0x3  }
0xe: {  	s12 =	simm.s32 $0x2800;
	s7 =	sadd.s32 $0x4600, s7;
	s8 =	sadd.s32 $0x35E00, s8  }
.LBB2_1:
0xf: {  	[spmem:s10], [sflag:s6] =	dma.local [hbm:s5], $0x2780  }
0x10: {  	_ =	swait.ge [sflag:s11], $0x2780  }
0x11: {  	[sflag:s11] =	ssyncset.done $0x0  }
0x12: {  	[sflag:s11] =	ssyncadd.s32 $0xFFFFD880  }
0x13: {  	[tilespmem:s12], [sflag:$0x2] =	stream.linear.gather [hbm4b:s2+s4], $0x4000, $0x38;
	[tilespmem:$0x1A400] =	vst v63  }
0x14: {  	_ =	swait.ge [sflag:s11], $0x4000  }
0x15: {  	[sflag:s11] =	ssyncset.done $0x0  }
0x16: {  	[sflag:s11] =	ssyncadd.s32 $0xFFFFC000  }
0x17: {  	[tilespmem:s4], [sflag:$0x2] =	stream.linear.gather [hbm4b:s7+s4], $0x2800, $0x38;
	[tilespmem:$0x1A400] =	vst v63  }
0x18: {  	_ =	swait.ge [sflag:s11], $0x2800  }
0x19: {  	[sflag:s11] =	ssyncset.done $0x0  }
0x1a: {  	[sflag:s11] =	ssyncadd.s32 $0xFFFFD800  }
0x1b: {  	s16 =	simm.s32 $0x0;
	[bflag:$0x0] =	sbarrier.arrive $0xFFFF  }
.LBB2_2:
0x1c: {  	p0 =	sne.s32 s16, $0x9E00  }
.Ltmp0:
0x1d: {  	_ = 	snop;
	(pc) =	sbr.rel @p0 .LBB2_2-.Ltmp0, $3  }
0x1e: {  	_ =	sdelay $0x1  }
0x1f: {  	s17 =	sshra.s32 s16, $0x2;
	s16 =	sadd.s32 $0x200, s16  }
0x20: {  	[spmem:s3] =	stream.indirect.scatter.add.f32 [tilespmem:s12], [sflag:$0x1], $0x80, s17, s13, $0xb8;
	[tilespmem:$0x1A400] =	vst v63  }
0x21: {  	_ =	swait.ge [sflag:s14], $0x4000  }
0x22: {  	s16 =	simm.s32 $0x4F;
	[sflag:s14] =	ssyncset.done $0x0  }
.LBB2_4:
0x23: {  	p0 =	sne.s32 s16, $0x1;
	s16 =	sadd.s32 $0xFFFFFFFF, s16;
	[sflag:s14] =	ssyncadd.s32 $0xFFFFC000  }
.Ltmp1:
0x24: {  	(pc) =	sbr.rel @p0 .LBB2_4-.Ltmp1, $3  }
0x25: {  	_ =	sdelay $0x1  }
0x26: {  	_ =	swait.ge [sflag:s14], $0x4000  }
0x27: {  	[sflag:s14] =	ssyncset.done $0x0  }
0x28: {  	s15 =	sadd.s32 $0x1, s15  }
0x29: {  	[sflag:s14] =	ssyncadd.s32 $0xFFFFC000;
	p0 =	sne.s32 s15, s9  }
.Ltmp2:
0x2a: {  	[bflag:$0x0] =	sbarrier.arrive $0xFFFF;
	(pc) =	sbr.rel @p0 .LBB2_1-.Ltmp2, $4  }
0x2b: {  	[hbm:s8], [sflag:s6] =	dma.local [spmem:s10], $0x2780  }
0x2c: {  	_ =	swait.ge [sflag:s11], $0x2780  }
0x2d: {  	[sflag:s11] =	ssyncset.done $0x0  }
0x2e: {  	[sflag:s11] =	ssyncadd.s32 $0xFFFFD880  }
0x2f: {  	_ =	sfence.sel $0x180000  }
0x30: {  	[bflag:$0x0] =	sbarrier.arrive $0xFFFF  }
0x31: {  	p0 =	sne.s32 s0, $0x0;
	_ =	strace $0x90000047  }
0x32: {  	s0 =	sadd.s32 @!p0 $0x100000, s1;
	[bflag:$0x2] =	sbarrier.arrive $0xFFFF  }
0x33: {  	[sflag:s0] =	ssyncadd.tile.s32 @!p0 $0x1;
	_ =	shalt  }
.Lfunc_end2:
_tile_overlayer_lowered:
.L_overlay_start_2:
0x34: {  	(tag) =	ssettag $0x2  }
0x35: {  	s0 =	rddreg [dreg:$0x0];
	s2 =	stileid.u32  }
0x36: {  	s1 =	rddreg [dreg:$0x1];
	p0 =	sne.s32 s2, $0x0  }
0x37: {  	s3 =	rddreg [dreg:$0x2];
	[bflag:$0x3] =	sbarrier.arrive $0xFFFF;
	s2 =	simm.s32 @!p0 $0x1C02  }
0x38: {  	[timem:s3], [sflag:s2] =	dma.local @!p0 [hbm:s0], s1  }
0x39: {  	s0 =	simm.s32 @!p0 $0x2  }
0x3a: {  	_ =	swait.ge @!p0 [sflag:s0], s1  }
0x3b: {  	s1 =	ssub.s32 @!p0 $0x0, s1;
	[sflag:s0] =	ssyncset.done @!p0 $0x0  }
0x3c: {  	[sflag:s0] =	ssyncadd.s32 @!p0 s1  }
0x3d: {  	[bflag:$0x3] =	sbarrier.arrive $0xFFFF  }
0x3e: {  	_ =	shalt  }

// kernel: kernel.14.cloned.1.call-start
scs
__scs_entry_jumppad:
0x0: {  	(pc) =	sbr.rel $0x88, $3  }
0x1: {  	(tag) =	ssettag $0x0;
	lr =	simm.s32 $0x1  }
0x2: {  	[smem:$0x3F9A] =	sst lr;
	_ =	strace $0xD0000000  }
0x3: {  	_ = 	snop  }
0x4: {  	_ = 	snop  }
0x5: {  	_ = 	snop  }
0x6: {  	_ = 	snop  }
0x7: {  	_ = 	snop  }
__scs_overlays_trampoline_lowered:
0x8: {  	[smem:$0x3FA9] =	sst s0  }
0x9: {  	[smem:$0x3FAA] =	sst s1  }
0xa: {  	[smem:$0x3FAB] =	sst s2  }
0xb: {  	[smem:$0x3FAC] =	sst s3  }
0xc: {  	[smem:$0x3FAD] =	sst s4  }
0xd: {  	[smem:$0x3FAE] =	sst s5  }
0xe: {  	[smem:$0x3FAF] =	sst s6  }
0xf: {  	[smem:$0x3FB0] =	sst s7  }
0x10: {  	[smem:$0x3FB1] =	sst s8  }
0x11: {  	[smem:$0x3FB2] =	sst s9;
	s0 =	simm.s32 @!p0 $0x0  }
0x12: {  	s1 =	sld [smem:$0x3F98];
	s0 =	simm.s32 @p0 $0x1  }
0x13: {  	[smem:$0x3FB3] =	sst s0;
	s0 =	simm.s32 @!p1 $0x0  }
0x14: {  	s2 =	sld [smem:$0x3F97];
	s0 =	simm.s32 @p1 $0x1  }
0x15: {  	[smem:$0x3FB4] =	sst s0;
	s0 =	simm.s32 @!p2 $0x0  }
0x16: {  	s3 =	sld [smem:$0x3FDB];
	s0 =	simm.s32 @p2 $0x1  }
0x17: {  	s4 =	simm.s32 $0x1BF5;
	[smem:$0x3FB6] =	sst s0  }
0x18: {  	s0 =	sld [smem:$0x3F99];
	_ =	swait.ge [sflag:s4], $0x0  }
0x19: {  	s7 =	sld [smem:$0x3F9A]  }
0x1a: {  	s8 =	sadd.s32 $0xFFFFE003, lr  }
0x1b: {  	s9 =	sadd.s32 $0xFFFFFEF7, lr;
	s5 =	simm.s32 $0xFFFFFFFF;
	p2 =	slt.u32 s8, $0xFFFFF086  }
0x1c: {  	p1 =	slt.u32 s9, $0xF7A;
	s5 =	simm.s32 @!p2 $0x0  }
0x1d: {  	s5 =	simm.s32 @p1 $0x1;
	p0 =	seq.s32 s7, s2  }
0x1e: {  	s7 =	smul.u32 @!p0 $0xF7A, s2;
	p2 =	seq.s32 @!p0 s5, $0x0  }
0x1f: {  	s9 =	smul.u32 $0xF7A, s1;
	s8 =	simm.s32 @!p0 $0x1BF5;
	p2 =	por !p2, p0  }
0x20: {  	[sflag:s8] =	ssyncset.s32 @!p0 $0xFFFFF086;
	s6 =	sadd.s32 @!p0 s3, s7;
	s7 =	simm.s32 @!p0 $0x108  }
0x21: {  	s3 =	sadd.s32 s3, s9;
	s6 =	sadd.s32 @!p0 $0x88, s6;
	s7 =	simm.s32 @p2 $0x1082  }
0x22: {  	[simem:s7], [sflag:s8] =	dma.local @!p0 [hbm:s6], $0xF7A  }
0x23: {  	s9 =	sor.u32 $0xD0000000, s2;
	s6 =	simm.s32 $0x108;
	_ =	swait.ge @!p0 [sflag:s8], $0x0  }
0x24: {  	s3 =	sadd.s32 $0x88, s3;
	s6 =	simm.s32 @!p1 $0x1082;
	[sflag:s4] =	ssyncset.s32 $0xFFFFF086  }
0x25: {  	[simem:s6], [sflag:s4] =	dma.local [hbm:s3], $0xF7A  }
0x26: {  	[smem:$0x3F9A] =	sst s1;
	(tag) =	ssettag s2;
	_ =	strace s9  }
0x27: {  	s1 =	sld [smem:$0x3FAA]  }
0x28: {  	s2 =	sld [smem:$0x3FAB]  }
0x29: {  	s4 =	sld [smem:$0x3FAD]  }
0x2a: {  	p0 =	seq.s32 s5, $0x0;
	s5 =	sld [smem:$0x3FAE]  }
0x2b: {  	s6 =	sld [smem:$0x3FAF]  }
0x2c: {  	s7 =	sld [smem:$0x3FB0]  }
0x2d: {  	s3 =	simm.s32 $0x108;
	s8 =	sld [smem:$0x3FB1]  }
0x2e: {  	s3 =	simm.s32 @!p0 $0x1082;
	s9 =	sld [smem:$0x3FB2]  }
0x2f: {  	lr =	sadd.s32 s0, s3;
	s0 =	sld [smem:$0x3FA9]  }
0x30: {  	s3 =	sld [smem:$0x3FAC]  }
0x31: {  	[smem:$0x3FB5] =	sst s10  }
0x32: {  	s10 =	sld [smem:$0x3FB3];
	_ =	sdelay $0x3  }
0x33: {  	p0 =	seq.s32 s10, $0x1;
	s10 =	sld [smem:$0x3FB5];
	_ =	sdelay $0x3  }
0x34: {  	[smem:$0x3FB5] =	sst s10  }
0x35: {  	s10 =	sld [smem:$0x3FB4];
	_ =	sdelay $0x3  }
0x36: {  	p1 =	seq.s32 s10, $0x1;
	s10 =	sld [smem:$0x3FB5];
	_ =	sdelay $0x3  }
0x37: {  	[smem:$0x3FB5] =	sst s10  }
0x38: {  	s10 =	sld [smem:$0x3FB6]  }
0x39: {  	_ = 	snop;
	(pc) =	sbr.ind lr, $3  }
0x3a: {  	_ = 	snop  }
0x3b: {  	_ = 	snop  }
0x3c: {  	p2 =	seq.s32 s10, $0x1;
	s10 =	sld [smem:$0x3FB5]  }
0x3d: {  	_ =	shalt  }
0x3e: {  	_ =	shalt  }
0x3f: {  	_ =	shalt  }
0x40: {  	_ =	shalt  }
0x41: {  	_ =	shalt  }
0x42: {  	_ =	shalt  }
0x43: {  	_ =	shalt  }
0x44: {  	_ =	shalt  }
0x45: {  	_ =	shalt  }
0x46: {  	_ =	shalt  }
0x47: {  	_ =	shalt  }
0x48: {  	_ =	shalt  }
0x49: {  	_ =	shalt  }
0x4a: {  	_ =	shalt  }
0x4b: {  	_ =	shalt  }
0x4c: {  	_ =	shalt  }
0x4d: {  	_ =	shalt  }
0x4e: {  	_ =	shalt  }
0x4f: {  	_ =	shalt  }
0x50: {  	_ =	shalt  }
0x51: {  	_ =	shalt  }
0x52: {  	_ =	shalt  }
0x53: {  	_ =	shalt  }
0x54: {  	_ =	shalt  }
0x55: {  	_ =	shalt  }
0x56: {  	_ =	shalt  }
0x57: {  	_ =	shalt  }
0x58: {  	_ =	shalt  }
0x59: {  	_ =	shalt  }
0x5a: {  	_ =	shalt  }
0x5b: {  	_ =	shalt  }
0x5c: {  	_ =	shalt  }
0x5d: {  	_ =	shalt  }
0x5e: {  	_ =	shalt  }
0x5f: {  	_ =	shalt  }
0x60: {  	_ =	shalt  }
0x61: {  	_ =	shalt  }
0x62: {  	_ =	shalt  }
0x63: {  	_ =	shalt  }
0x64: {  	_ =	shalt  }
0x65: {  	_ =	shalt  }
0x66: {  	_ =	shalt  }
0x67: {  	_ =	shalt  }
0x68: {  	_ =	shalt  }
0x69: {  	_ =	shalt  }
0x6a: {  	_ =	shalt  }
0x6b: {  	_ =	shalt  }
0x6c: {  	_ =	shalt  }
0x6d: {  	_ =	shalt  }
0x6e: {  	_ =	shalt  }
0x6f: {  	_ =	shalt  }
0x70: {  	_ =	shalt  }
0x71: {  	_ =	shalt  }
0x72: {  	_ =	shalt  }
0x73: {  	_ =	shalt  }
0x74: {  	_ =	shalt  }
0x75: {  	_ =	shalt  }
0x76: {  	_ =	shalt  }
0x77: {  	_ =	shalt  }
0x78: {  	_ =	shalt  }
0x79: {  	_ =	shalt  }
0x7a: {  	_ =	shalt  }
0x7b: {  	_ =	shalt  }
0x7c: {  	_ =	shalt  }
0x7d: {  	_ =	shalt  }
0x7e: {  	_ =	shalt  }
0x7f: {  	_ =	shalt  }
0x80: {  	_ =	shalt  }
0x81: {  	_ =	shalt  }
0x82: {  	_ =	shalt  }
0x83: {  	_ =	shalt  }
0x84: {  	_ =	shalt  }
0x85: {  	_ =	shalt  }
0x86: {  	_ =	shalt  }
0x87: {  	_ =	shalt  }
.Lfunc_end0:
.L_simem_size_0:
called_computation.1_lowered:
.L_overlay_start_0:
0x88: {  	s2 =	sld [smem:$0x3FD9]  }
0x89: {  	s3 =	sld [smem:$0x3FFE];
	_ =	sdelay $0x1  }
0x8a: {  	s1 =	srdreg.scid  }
0x8b: {  	s0 =	sand.u32 $0x1, s1  }
0x8c: {  	s16 =	sshll.u32 s0, $0xA;
	s2 =	sadd.s32 s3, s2  }
0x8d: {  	s2 =	sadd.s32 s2, s16  }
0x8e: {  	[smem:$0x3FC1] =	sst s2  }
0x8f: {  	_ = 	snop  }
0x90: {  	(tm) =	ssettm $0x1  }
0x91: {  	s17 =	sld [smem:$0x3FFB];
	_ =	sdelay $0x3  }
0x92: {  	_ =	strace s17  }
0x93: {  	s2 =	sld [smem:$0x3FFC];
	_ =	sdelay $0x3  }
0x94: {  	_ =	strace s2  }
0x95: {  	s2 =	sld [smem:$0x3FFD];
	_ =	sdelay $0x3  }
0x96: {  	_ =	strace s2  }
0x97: {  	_ =	strace $0x8FFFFFFF  }
0x98: {  	s18 =	sld [smem:$0x3FDB];
	_ =	sdelay $0x1  }
0x99: {  	s19 =	simm.s32 $_scs_section_size  }
0x9a: {  	s4 =	simm.s32 $_size__tile_overlayer_lowered;
	s5 =	simm.s32 $_tile_overlayer_lowered  }
0x9b: {  	s22 =	simm.s32 $0x1BFF;
	s21 =	sshll.u32 s5, $0x1;
	s2 =	sadd.s32 s19, s18  }
0x9c: {  	s6 =	simm.s32 $0x0;
	s20 =	sshll.u32 s4, $0x1;
	s4 =	sadd.s32 s21, s2  }
0x9d: {  	[timem:s6], [sflag:s22] =	dma.local [hbm:s4], s20  }
0x9e: {  	_ =	swait.ge [sflag:s22], s20  }
0x9f: {  	s3 =	ssub.s32 $0x0, s20;
	[sflag:s22] =	ssyncset.done $0x0  }
0xa0: {  	[sflag:s22] =	ssyncadd.s32 s3;
	_ =	sdelay $0x1  }
0xa1: {  	s23 =	simm.s32 $0x1B8B  }
0xa2: {  	_ =	swait.ge [sflag:s23], $0x1  }
0xa3: {  	[sflag:s23] =	ssyncset.done $0x0  }
0xa4: {  	s25 =	simm.s32 $0x1B8E;
	s24 =	sld [smem:$0x3FFE];
	[sflag:s23] =	ssyncadd.s32 $0xFFFFFFFF  }
0xa5: {  	s26 =	simm.s32 $execute0_lowered;
	[smem:$0x3FD2] =	sst s25  }
0xa6: {  	s4 =	sshll.u32 s26, $0x1;
	_ =	strace $0x80000049;
	[dreg:$0x1] =	wrdreg $0xFFFFFFFF  }
0xa7: {  	s28 =	simm.s32 $_size_execute0_lowered;
	s2 =	sadd.s32 s2, s4;
	[dreg:$0x0] =	wrdreg $0x0  }
0xa8: {  	s4 =	sshll.u32 s28, $0x1;
	[dreg:$0x2] =	wrdreg s2  }
0xa9: {  	[dreg:$0x3] =	wrdreg s4  }
0xaa: {  	[dreg:$0x4] =	wrdreg $0xC0  }
0xab: {  	_ =	task [dreg:s6], $0x5FFFF  }
0xac: {  	[dreg:$0x1] =	wrdreg $0xFFFFFFFF  }
0xad: {  	[dreg:$0x0] =	wrdreg $0x60  }
0xae: {  	[dreg:$0x2] =	wrdreg s24  }
0xaf: {  	[dreg:$0x3] =	wrdreg $0xA8000  }
0xb0: {  	[dreg:$0x4] =	wrdreg $0x9  }
0xb1: {  	_ =	task.clear_ibuf [dreg:s6], $0x5FFFF;
	_ =	strace $0x90000049  }
0xb2: {  	s29 =	simm.s32 $0x9;
	_ =	strace $0x8000004B  }
0xb3: {  	_ =	swait.ge [sflag:s29], $0x1  }
0xb4: {  	[sflag:s29] =	ssyncadd.s32 $0xFFFFFFFF  }
0xb5: {  	_ =	strace $0x9000004B  }
0xb6: {  	_ =	sfence  }
0xb7: {  	s30 =	sld [smem:$0x0];
	_ =	sdelay $0x2  }
0xb8: {  	s31 =	sshll.u32 s1, $0xD;
	s1 =	sshrl.u32 s1, $0x2  }
0xb9: {  	s3 =	sand.u32 $0x4000, s31;
	s1 =	sadd.s32 s1, s30  }
0xba: {  	s0 =	sor.u32 s3, s0;
	s1 =	sshll.u32 s1, $0x11  }
0xbb: {  	s0 =	sor.u32 s1, s0  }
0xbc: {  	s0 =	sadd.s32 $0x8F2B, s0  }
0xbd: {  	[sflag:s0] =	ssyncadd.remote.s32 $0x1  }
0xbe: {  	_ =	sfence.sel $0xFFFF  }
0xbf: {  	[dreg:$0x0] =	wrdreg $0xFFFFFFFF;
	(pc) =	sbr.abs _section_cstart, $3  }
0xc0: {  	[dreg:$0x1] =	wrdreg $0xFFFFFFFF  }
0xc1: {  	_ =	task.clear_ibuf [dreg:s6], $0x2FFFF;
	_ =	strace $0x9FFFFFFF  }
0xc2: {  	(tm) =	ssettm $0x7FFFFFFF  }
0xc3: {  	_ =	shalt  }
tec
execute0_lowered:
.L_overlay_start_1:
0x0: {  	(tag) =	ssettag $0x1  }
0x1: {  	s5 =	rddreg [dreg:$0x0]  }
0x2: {  	s2 =	rddreg [dreg:$0x1]  }
0x3: {  	s0 =	rddreg [dreg:$0x2]  }
0x4: {  	s3 =	simm.s32 $0x0;
	s1 =	stileid.u32;
	s4 =	srdreg.scid  }
0x5: {  	s16 =	simm.s32 $0x80;
	s17 =	simm.s32 $0x2800;
	s18 =	simm.s32 $0x1  }
0x6: {  	s19 =	simm.s32 $0x6800;
	s20 =	simm.s32 $0x2;
	s21 =	simm.s32 $0x1380  }
0x7: {  	s22 =	simm.s32 $0x2700;
	s23 =	simm.s32 $0x2780;
	s24 =	simm.s32 $0x0  }
0x8: {  	[smem:$0x7FF] =	sst s3;
	s6 =	smul.u32 $0x13C00, s1;
	s7 =	sand.u32 $0x1, s4  }
0x9: {  	s9 =	sadd.s32 $0x84E00, s5;
	s10 =	sadd.s32 $0x4600, s5;
	s4 =	sadd.s32 $0x35E00, s5  }
0xa: {  	s12 =	smul.u32 $0x4F000, s1;
	s30 =	sshll.u32 s1, $0x6;
	_ =	strace $0x8000004A  }
0xb: {  	s8 =	smul.u32 $0x13C000, s7;
	s28 =	sshll.u32 s7, $0x4;
	s7 =	ssub.s32 $0x2, s7  }
0xc: {  	s11 =	sshrl.u32 s6, $0x3;
	s13 =	sshrl.u32 s7, $0x1;
	s29 =	sshrl.u32 s12, $0x2  }
0xd: {  	s11 =	sadd.s32 s11, s5;
	s6 =	sadd.s32 s6, s8;
	s8 =	sor.u32 s1, s28  }
0xe: {  	s13 =	ssub.s32 s7, s13;
	s15 =	sadd.s32 s29, s2;
	s6 =	sshrl.u32 s6, $0x3  }
0xf: {  	s8 =	smul.u32 $0x2800, s8;
	s12 =	smax.u32 s13, $0x1;
	s13 =	sshrl.u32 s15, $0x3  }
0x10: {  	s15 =	simm.s32 $0x1400;
	s14 =	sadd.s32 s6, s5;
	s5 =	sadd.s32 $0xE600, s11  }
0x11: {  	s6 =	sor.u32 $0x1C03, s30;
	s8 =	sshrl.u32 s8, $0x3;
	s11 =	sadd.s32 $0x8EE00, s14  }
0x12: {  	s14 =	simm.s32 $0x3;
	s31 =	sadd.s32 $0x280, s8;
	s7 =	sadd.s32 s9, s8  }
0x13: {  	s8 =	sadd.s32 s10, s8;
	s9 =	sadd.s32 s9, s31;
	s10 =	sadd.s32 s10, s31  }
.LBB2_1:
0x14: {  	[spmem:s13], [sflag:s6] =	dma.local [hbm:s5], $0x2780  }
0x15: {  	_ =	swait.ge [sflag:s14], $0x2780  }
0x16: {  	[sflag:s14] =	ssyncset.done $0x0  }
0x17: {  	[sflag:s14] =	ssyncadd.s32 $0xFFFFD880  }
0x18: {  	[bflag:$0x0] =	sbarrier.arrive $0xFFFF  }
0x19: {  	[tilespmem:s3], [sflag:$0x3] =	stream.linear.gather [hbm4b:s7+s3], $0x1400, $0x38;
	[tilespmem:$0x1E400] =	vst v63  }
0x1a: {  	_ =	swait.ge [sflag:s14], $0x1400  }
0x1b: {  	[sflag:s14] =	ssyncset.done $0x0  }
0x1c: {  	[sflag:s14] =	ssyncadd.s32 $0xFFFFEC00  }
0x1d: {  	[tilespmem:s15], [sflag:$0x3] =	stream.linear.gather [hbm4b:s8+s3], $0x1400, $0x38;
	[tilespmem:$0x1E400] =	vst v63  }
0x1e: {  	_ =	swait.ge [sflag:s14], $0x1400  }
0x1f: {  	[sflag:s14] =	ssyncset.done $0x0  }
0x20: {  	[sflag:s14] =	ssyncadd.s32 $0xFFFFEC00  }
0x21: {  	[tilespmem:s17], [sflag:$0x1] =	stream.indirect.gather [hbm4b:s4+s16], $0x80, s3, s16, $0xb8;
	[tilespmem:$0x1E400] =	vst v63  }
0x22: {  	_ =	swait.ge [sflag:s18], $0x4000  }
0x23: {  	[sflag:s18] =	ssyncset.done $0x0  }
0x24: {  	s25 =	simm.s32 $0x80;
	[sflag:s18] =	ssyncadd.s32 $0xFFFFC000  }
0x25: {  	[tilespmem:s19], [sflag:$0x2] =	stream.indirect.gather [hbm4b:s4+s16], $0x80, s25, s16, $0xb8;
	[tilespmem:$0x1E400] =	vst v63  }
0x26: {  	s29 =	simm.s32 $0x1400  }
0x27: {  	[spmem:s2] =	stream.indirect.scatter.add.f32 [tilespmem:s17], [sflag:$0x3], $0x80, s29, s16, $0xb8;
	[tilespmem:$0x1E400] =	vst v63  }
0x28: {  	_ =	swait.ge [sflag:s14], $0x4000  }
0x29: {  	[sflag:s14] =	ssyncset.done $0x0  }
0x2a: {  	[sflag:s14] =	ssyncadd.s32 $0xFFFFC000  }
0x2b: {  	_ =	swait.ge [sflag:s20], $0x4000  }
0x2c: {  	[sflag:s20] =	ssyncset.done $0x0  }
0x2d: {  	s30 =	simm.s32 $0x100;
	[sflag:s20] =	ssyncadd.s32 $0xFFFFC000  }
0x2e: {  	[tilespmem:s17], [sflag:$0x1] =	stream.indirect.gather [hbm4b:s4+s16], $0x80, s30, s16, $0xb8;
	[tilespmem:$0x1E400] =	vst v63  }
0x2f: {  	s31 =	simm.s32 $0x1480  }
0x30: {  	[spmem:s2] =	stream.indirect.scatter.add.f32 [tilespmem:s19], [sflag:$0x3], $0x80, s31, s16, $0xb8;
	[tilespmem:$0x1E400] =	vst v63  }
0x31: {  	_ =	swait.ge [sflag:s14], $0x4000  }
0x32: {  	s25 =	simm.s32 $0x400;
	[sflag:s14] =	ssyncset.done $0x0  }
.LBB2_2:
0x33: {  	p0 =	sne.s32 s25, $0x4800  }
0x34: {  	[sflag:s14] =	ssyncadd.s32 $0xFFFFC000;
	s26 =	smov.u32 s25;
	s25 =	sadd.s32 $0x400, s25  }
0x35: {  	_ = 	snop  }
0x36: {  	_ =	swait.ge [sflag:s18], $0x4000  }
0x37: {  	s26 =	sshra.s32 s26, $0x2;
	[sflag:s18] =	ssyncset.done $0x0  }
0x38: {  	s28 =	sadd.s32 $0x80, s26;
	[sflag:s18] =	ssyncadd.s32 $0xFFFFC000  }
0x39: {  	[tilespmem:s19], [sflag:$0x2] =	stream.indirect.gather [hbm4b:s4+s16], $0x80, s28, s16, $0xb8;
	[tilespmem:$0x1E400] =	vst v63  }
0x3a: {  	s28 =	sadd.s32 $0x1400, s26  }
0x3b: {  	[spmem:s2] =	stream.indirect.scatter.add.f32 [tilespmem:s17], [sflag:$0x3], $0x80, s28, s16, $0xb8;
	[tilespmem:$0x1E400] =	vst v63  }
0x3c: {  	_ =	swait.ge [sflag:s14], $0x4000  }
0x3d: {  	[sflag:s14] =	ssyncset.done $0x0  }
0x3e: {  	[sflag:s14] =	ssyncadd.s32 $0xFFFFC000  }
0x3f: {  	_ =	swait.ge [sflag:s20], $0x4000  }
0x40: {  	[sflag:s20] =	ssyncset.done $0x0  }
0x41: {  	s28 =	sadd.s32 $0x100, s26;
	[sflag:s20] =	ssyncadd.s32 $0xFFFFC000  }
0x42: {  	[tilespmem:s17], [sflag:$0x1] =	stream.indirect.gather [hbm4b:s4+s16], $0x80, s28, s16, $0xb8;
	[tilespmem:$0x1E400] =	vst v63  }
.Ltmp0:
0x43: {  	_ = 	snop;
	(pc) =	sbr.rel @p0 .LBB2_2-.Ltmp0, $4  }
0x44: {  	s26 =	sadd.s32 $0x1480, s26  }
0x45: {  	[spmem:s2] =	stream.indirect.scatter.add.f32 [tilespmem:s19], [sflag:$0x3], $0x80, s26, s16, $0xb8;
	[tilespmem:$0x1E400] =	vst v63  }
0x46: {  	_ =	swait.ge [sflag:s14], $0x4000  }
0x47: {  	[sflag:s14] =	ssyncset.done $0x0  }
0x48: {  	[sflag:s14] =	ssyncadd.s32 $0xFFFFC000  }
0x49: {  	_ =	swait.ge [sflag:s18], $0x4000  }
0x4a: {  	[sflag:s18] =	ssyncset.done $0x0  }
0x4b: {  	[sflag:s18] =	ssyncadd.s32 $0xFFFFC000  }
0x4c: {  	[tilespmem:s19], [sflag:$0x2] =	stream.indirect.gather [hbm4b:s4+s16], $0x80, s21, s16, $0xb8;
	[tilespmem:$0x1E400] =	vst v63  }
0x4d: {  	_ = 	snop  }
0x4e: {  	[spmem:s2] =	stream.indirect.scatter.add.f32 [tilespmem:s17], [sflag:$0x3], $0x80, s22, s16, $0xb8;
	[tilespmem:$0x1E400] =	vst v63  }
0x4f: {  	_ =	swait.ge [sflag:s14], $0x4000  }
0x50: {  	[sflag:s14] =	ssyncset.done $0x0  }
0x51: {  	[sflag:s14] =	ssyncadd.s32 $0xFFFFC000  }
0x52: {  	_ =	swait.ge [sflag:s20], $0x4000  }
0x53: {  	[sflag:s20] =	ssyncset.done $0x0  }
0x54: {  	s25 =	simm.s32 $0x0;
	[sflag:s20] =	ssyncadd.s32 $0xFFFFC000  }
0x55: {  	[tilespmem:s17], [sflag:$0x1] =	stream.indirect.gather [hbm4b:s4+s16], $0x80, s25, s16, $0xb8;
	[tilespmem:$0x1E400] =	vst v63  }
0x56: {  	_ = 	snop  }
0x57: {  	[spmem:s2] =	stream.indirect.scatter.add.f32 [tilespmem:s19], [sflag:$0x3], $0x80, s23, s16, $0xb8;
	[tilespmem:$0x1E400] =	vst v63  }
0x58: {  	_ =	swait.ge [sflag:s14], $0x4000  }
0x59: {  	[sflag:s14] =	ssyncset.done $0x0  }
0x5a: {  	[sflag:s14] =	ssyncadd.s32 $0xFFFFC000  }
0x5b: {  	_ =	swait.ge [sflag:s18], $0x4000  }
0x5c: {  	[sflag:s18] =	ssyncset.done $0x0  }
0x5d: {  	[sflag:s18] =	ssyncadd.s32 $0xFFFFC000  }
0x5e: {  	[tilespmem:s25], [sflag:$0x3] =	stream.linear.gather [hbm4b:s9+s25], $0x1400, $0x38;
	[tilespmem:$0x1E400] =	vst v63  }
0x5f: {  	_ =	swait.ge [sflag:s14], $0x1400  }
0x60: {  	[sflag:s14] =	ssyncset.done $0x0  }
0x61: {  	[sflag:s14] =	ssyncadd.s32 $0xFFFFEC00  }
0x62: {  	[tilespmem:s15], [sflag:$0x3] =	stream.linear.gather [hbm4b:s10+s25], $0x1400, $0x38;
	[tilespmem:$0x1E400] =	vst v63  }
0x63: {  	_ =	swait.ge [sflag:s14], $0x1400  }
0x64: {  	[sflag:s14] =	ssyncset.done $0x0  }
0x65: {  	[sflag:s14] =	ssyncadd.s32 $0xFFFFEC00  }
0x66: {  	[tilespmem:s17], [sflag:$0x1] =	stream.indirect.gather [hbm4b:s4+s16], $0x80, s25, s16, $0xb8;
	[tilespmem:$0x1E400] =	vst v63  }
0x67: {  	_ =	swait.ge [sflag:s18], $0x4000  }
0x68: {  	[sflag:s18] =	ssyncset.done $0x0  }
0x69: {  	s28 =	simm.s32 $0x80;
	[sflag:s18] =	ssyncadd.s32 $0xFFFFC000  }
0x6a: {  	[tilespmem:s19], [sflag:$0x2] =	stream.indirect.gather [hbm4b:s4+s16], $0x80, s28, s16, $0xb8;
	[tilespmem:$0x1E400] =	vst v63  }
0x6b: {  	s29 =	simm.s32 $0x1400  }
0x6c: {  	[spmem:s2] =	stream.indirect.scatter.add.f32 [tilespmem:s17], [sflag:$0x3], $0x80, s29, s16, $0xb8;
	[tilespmem:$0x1E400] =	vst v63  }
0x6d: {  	_ =	swait.ge [sflag:s14], $0x4000  }
0x6e: {  	[sflag:s14] =	ssyncset.done $0x0  }
0x6f: {  	[sflag:s14] =	ssyncadd.s32 $0xFFFFC000  }
0x70: {  	_ =	swait.ge [sflag:s20], $0x4000  }
0x71: {  	[sflag:s20] =	ssyncset.done $0x0  }
0x72: {  	s30 =	simm.s32 $0x100;
	[sflag:s20] =	ssyncadd.s32 $0xFFFFC000  }
0x73: {  	[tilespmem:s17], [sflag:$0x1] =	stream.indirect.gather [hbm4b:s4+s16], $0x80, s30, s16, $0xb8;
	[tilespmem:$0x1E400] =	vst v63  }
0x74: {  	s31 =	simm.s32 $0x1480  }
0x75: {  	[spmem:s2] =	stream.indirect.scatter.add.f32 [tilespmem:s19], [sflag:$0x3], $0x80, s31, s16, $0xb8;
	[tilespmem:$0x1E400] =	vst v63  }
0x76: {  	_ =	swait.ge [sflag:s14], $0x4000  }
0x77: {  	s25 =	simm.s32 $0x400;
	[sflag:s14] =	ssyncset.done $0x0  }
.LBB2_4:
0x78: {  	p0 =	sne.s32 s25, $0x4800  }
0x79: {  	[sflag:s14] =	ssyncadd.s32 $0xFFFFC000;
	s26 =	smov.u32 s25;
	s25 =	sadd.s32 $0x400, s25  }
0x7a: {  	_ = 	snop  }
0x7b: {  	_ =	swait.ge [sflag:s18], $0x4000  }
0x7c: {  	s26 =	sshra.s32 s26, $0x2;
	[sflag:s18] =	ssyncset.done $0x0  }
0x7d: {  	s28 =	sadd.s32 $0x80, s26;
	[sflag:s18] =	ssyncadd.s32 $0xFFFFC000  }
0x7e: {  	[tilespmem:s19], [sflag:$0x2] =	stream.indirect.gather [hbm4b:s4+s16], $0x80, s28, s16, $0xb8;
	[tilespmem:$0x1E400] =	vst v63  }
0x7f: {  	s28 =	sadd.s32 $0x1400, s26  }
0x80: {  	[spmem:s2] =	stream.indirect.scatter.add.f32 [tilespmem:s17], [sflag:$0x3], $0x80, s28, s16, $0xb8;
	[tilespmem:$0x1E400] =	vst v63  }
0x81: {  	_ =	swait.ge [sflag:s14], $0x4000  }
0x82: {  	[sflag:s14] =	ssyncset.done $0x0  }
0x83: {  	[sflag:s14] =	ssyncadd.s32 $0xFFFFC000  }
0x84: {  	_ =	swait.ge [sflag:s20], $0x4000  }
0x85: {  	[sflag:s20] =	ssyncset.done $0x0  }
0x86: {  	s28 =	sadd.s32 $0x100, s26;
	[sflag:s20] =	ssyncadd.s32 $0xFFFFC000  }
0x87: {  	[tilespmem:s17], [sflag:$0x1] =	stream.indirect.gather [hbm4b:s4+s16], $0x80, s28, s16, $0xb8;
	[tilespmem:$0x1E400] =	vst v63  }
.Ltmp1:
0x88: {  	_ = 	snop;
	(pc) =	sbr.rel @p0 .LBB2_4-.Ltmp1, $4  }
0x89: {  	s26 =	sadd.s32 $0x1480, s26  }
0x8a: {  	[spmem:s2] =	stream.indirect.scatter.add.f32 [tilespmem:s19], [sflag:$0x3], $0x80, s26, s16, $0xb8;
	[tilespmem:$0x1E400] =	vst v63  }
0x8b: {  	_ =	swait.ge [sflag:s14], $0x4000  }
0x8c: {  	[sflag:s14] =	ssyncset.done $0x0  }
0x8d: {  	[sflag:s14] =	ssyncadd.s32 $0xFFFFC000  }
0x8e: {  	_ =	swait.ge [sflag:s18], $0x4000  }
0x8f: {  	[sflag:s18] =	ssyncset.done $0x0  }
0x90: {  	[sflag:s18] =	ssyncadd.s32 $0xFFFFC000  }
0x91: {  	[tilespmem:s19], [sflag:$0x2] =	stream.indirect.gather [hbm4b:s4+s16], $0x80, s21, s16, $0xb8;
	[tilespmem:$0x1E400] =	vst v63  }
0x92: {  	_ = 	snop  }
0x93: {  	[spmem:s2] =	stream.indirect.scatter.add.f32 [tilespmem:s17], [sflag:$0x3], $0x80, s22, s16, $0xb8;
	[tilespmem:$0x1E400] =	vst v63  }
0x94: {  	_ =	swait.ge [sflag:s14], $0x4000  }
0x95: {  	[sflag:s14] =	ssyncset.done $0x0  }
0x96: {  	[sflag:s14] =	ssyncadd.s32 $0xFFFFC000  }
0x97: {  	_ =	swait.ge [sflag:s20], $0x4000  }
0x98: {  	[sflag:s20] =	ssyncset.done $0x0  }
0x99: {  	[sflag:s20] =	ssyncadd.s32 $0xFFFFC000  }
0x9a: {  	[tilespmem:s17], [sflag:$0x1] =	stream.indirect.gather [hbm4b:s4+s16], $0x80, s3, s16, $0xb8;
	[tilespmem:$0x1E400] =	vst v63  }
0x9b: {  	_ = 	snop  }
0x9c: {  	[spmem:s2] =	stream.indirect.scatter.add.f32 [tilespmem:s19], [sflag:$0x3], $0x80, s23, s16, $0xb8;
	[tilespmem:$0x1E400] =	vst v63  }
0x9d: {  	_ =	swait.ge [sflag:s14], $0x4000  }
0x9e: {  	[sflag:s14] =	ssyncset.done $0x0  }
0x9f: {  	[sflag:s14] =	ssyncadd.s32 $0xFFFFC000  }
0xa0: {  	_ =	swait.ge [sflag:s18], $0x4000  }
0xa1: {  	s24 =	sadd.s32 $0x1, s24;
	[sflag:s18] =	ssyncset.done $0x0  }
0xa2: {  	p0 =	sne.s32 s24, s12;
	[sflag:s18] =	ssyncadd.s32 $0xFFFFC000  }
.Ltmp2:
0xa3: {  	[bflag:$0x0] =	sbarrier.arrive $0xFFFF;
	(pc) =	sbr.rel @p0 .LBB2_1-.Ltmp2, $4  }
0xa4: {  	[hbm:s11], [sflag:s6] =	dma.local [spmem:s13], $0x2780  }
0xa5: {  	_ =	swait.ge [sflag:s14], $0x2780  }
0xa6: {  	[sflag:s14] =	ssyncset.done $0x0  }
0xa7: {  	[sflag:s14] =	ssyncadd.s32 $0xFFFFD880  }
0xa8: {  	_ =	sfence.sel $0x180000  }
0xa9: {  	[bflag:$0x0] =	sbarrier.arrive $0xFFFF  }
0xaa: {  	p0 =	sne.s32 s1, $0x0;
	_ =	strace $0x9000004A  }
0xab: {  	s0 =	sadd.s32 @!p0 $0x100000, s0;
	[bflag:$0x2] =	sbarrier.arrive $0xFFFF  }
0xac: {  	[sflag:s0] =	ssyncadd.tile.s32 @!p0 $0x1;
	_ =	shalt  }
.Lfunc_end2:
_tile_overlayer_lowered:
.L_overlay_start_2:
0xad: {  	(tag) =	ssettag $0x2  }
0xae: {  	s0 =	rddreg [dreg:$0x0];
	s2 =	stileid.u32  }
0xaf: {  	s1 =	rddreg [dreg:$0x1];
	p0 =	sne.s32 s2, $0x0  }
0xb0: {  	s3 =	rddreg [dreg:$0x2];
	[bflag:$0x3] =	sbarrier.arrive $0xFFFF;
	s2 =	simm.s32 @!p0 $0x1C03  }
0xb1: {  	[timem:s3], [sflag:s2] =	dma.local @!p0 [hbm:s0], s1  }
0xb2: {  	s0 =	simm.s32 @!p0 $0x3  }
0xb3: {  	_ =	swait.ge @!p0 [sflag:s0], s1  }
0xb4: {  	s1 =	ssub.s32 @!p0 $0x0, s1;
	[sflag:s0] =	ssyncset.done @!p0 $0x0  }
0xb5: {  	[sflag:s0] =	ssyncadd.s32 @!p0 s1  }
0xb6: {  	[bflag:$0x3] =	sbarrier.arrive $0xFFFF  }
0xb7: {  	_ =	shalt  }

// kernel: kernel.17.cloned.1.call-start
scs
__scs_entry_jumppad:
0x0: {  	(pc) =	sbr.rel $0x88, $3  }
0x1: {  	(tag) =	ssettag $0x0;
	lr =	simm.s32 $0x1  }
0x2: {  	[smem:$0x3F9A] =	sst lr;
	_ =	strace $0xD0000000  }
0x3: {  	_ = 	snop  }
0x4: {  	_ = 	snop  }
0x5: {  	_ = 	snop  }
0x6: {  	_ = 	snop  }
0x7: {  	_ = 	snop  }
__scs_overlays_trampoline_lowered:
0x8: {  	[smem:$0x3FA9] =	sst s0  }
0x9: {  	[smem:$0x3FAA] =	sst s1  }
0xa: {  	[smem:$0x3FAB] =	sst s2  }
0xb: {  	[smem:$0x3FAC] =	sst s3  }
0xc: {  	[smem:$0x3FAD] =	sst s4  }
0xd: {  	[smem:$0x3FAE] =	sst s5  }
0xe: {  	[smem:$0x3FAF] =	sst s6  }
0xf: {  	[smem:$0x3FB0] =	sst s7  }
0x10: {  	[smem:$0x3FB1] =	sst s8  }
0x11: {  	[smem:$0x3FB2] =	sst s9;
	s0 =	simm.s32 @!p0 $0x0  }
0x12: {  	s1 =	sld [smem:$0x3F98];
	s0 =	simm.s32 @p0 $0x1  }
0x13: {  	[smem:$0x3FB3] =	sst s0;
	s0 =	simm.s32 @!p1 $0x0  }
0x14: {  	s2 =	sld [smem:$0x3F97];
	s0 =	simm.s32 @p1 $0x1  }
0x15: {  	[smem:$0x3FB4] =	sst s0;
	s0 =	simm.s32 @!p2 $0x0  }
0x16: {  	s3 =	sld [smem:$0x3FDB];
	s0 =	simm.s32 @p2 $0x1  }
0x17: {  	s4 =	simm.s32 $0x1BF5;
	[smem:$0x3FB6] =	sst s0  }
0x18: {  	s0 =	sld [smem:$0x3F99];
	_ =	swait.ge [sflag:s4], $0x0  }
0x19: {  	s7 =	sld [smem:$0x3F9A]  }
0x1a: {  	s8 =	sadd.s32 $0xFFFFE003, lr  }
0x1b: {  	s9 =	sadd.s32 $0xFFFFFEF7, lr;
	s5 =	simm.s32 $0xFFFFFFFF;
	p2 =	slt.u32 s8, $0xFFFFF086  }
0x1c: {  	p1 =	slt.u32 s9, $0xF7A;
	s5 =	simm.s32 @!p2 $0x0  }
0x1d: {  	s5 =	simm.s32 @p1 $0x1;
	p0 =	seq.s32 s7, s2  }
0x1e: {  	s7 =	smul.u32 @!p0 $0xF7A, s2;
	p2 =	seq.s32 @!p0 s5, $0x0  }
0x1f: {  	s9 =	smul.u32 $0xF7A, s1;
	s8 =	simm.s32 @!p0 $0x1BF5;
	p2 =	por !p2, p0  }
0x20: {  	[sflag:s8] =	ssyncset.s32 @!p0 $0xFFFFF086;
	s6 =	sadd.s32 @!p0 s3, s7;
	s7 =	simm.s32 @!p0 $0x108  }
0x21: {  	s3 =	sadd.s32 s3, s9;
	s6 =	sadd.s32 @!p0 $0x88, s6;
	s7 =	simm.s32 @p2 $0x1082  }
0x22: {  	[simem:s7], [sflag:s8] =	dma.local @!p0 [hbm:s6], $0xF7A  }
0x23: {  	s9 =	sor.u32 $0xD0000000, s2;
	s6 =	simm.s32 $0x108;
	_ =	swait.ge @!p0 [sflag:s8], $0x0  }
0x24: {  	s3 =	sadd.s32 $0x88, s3;
	s6 =	simm.s32 @!p1 $0x1082;
	[sflag:s4] =	ssyncset.s32 $0xFFFFF086  }
0x25: {  	[simem:s6], [sflag:s4] =	dma.local [hbm:s3], $0xF7A  }
0x26: {  	[smem:$0x3F9A] =	sst s1;
	(tag) =	ssettag s2;
	_ =	strace s9  }
0x27: {  	s1 =	sld [smem:$0x3FAA]  }
0x28: {  	s2 =	sld [smem:$0x3FAB]  }
0x29: {  	s4 =	sld [smem:$0x3FAD]  }
0x2a: {  	p0 =	seq.s32 s5, $0x0;
	s5 =	sld [smem:$0x3FAE]  }
0x2b: {  	s6 =	sld [smem:$0x3FAF]  }
0x2c: {  	s7 =	sld [smem:$0x3FB0]  }
0x2d: {  	s3 =	simm.s32 $0x108;
	s8 =	sld [smem:$0x3FB1]  }
0x2e: {  	s3 =	simm.s32 @!p0 $0x1082;
	s9 =	sld [smem:$0x3FB2]  }
0x2f: {  	lr =	sadd.s32 s0, s3;
	s0 =	sld [smem:$0x3FA9]  }
0x30: {  	s3 =	sld [smem:$0x3FAC]  }
0x31: {  	[smem:$0x3FB5] =	sst s10  }
0x32: {  	s10 =	sld [smem:$0x3FB3];
	_ =	sdelay $0x3  }
0x33: {  	p0 =	seq.s32 s10, $0x1;
	s10 =	sld [smem:$0x3FB5];
	_ =	sdelay $0x3  }
0x34: {  	[smem:$0x3FB5] =	sst s10  }
0x35: {  	s10 =	sld [smem:$0x3FB4];
	_ =	sdelay $0x3  }
0x36: {  	p1 =	seq.s32 s10, $0x1;
	s10 =	sld [smem:$0x3FB5];
	_ =	sdelay $0x3  }
0x37: {  	[smem:$0x3FB5] =	sst s10  }
0x38: {  	s10 =	sld [smem:$0x3FB6]  }
0x39: {  	_ = 	snop;
	(pc) =	sbr.ind lr, $3  }
0x3a: {  	_ = 	snop  }
0x3b: {  	_ = 	snop  }
0x3c: {  	p2 =	seq.s32 s10, $0x1;
	s10 =	sld [smem:$0x3FB5]  }
0x3d: {  	_ =	shalt  }
0x3e: {  	_ =	shalt  }
0x3f: {  	_ =	shalt  }
0x40: {  	_ =	shalt  }
0x41: {  	_ =	shalt  }
0x42: {  	_ =	shalt  }
0x43: {  	_ =	shalt  }
0x44: {  	_ =	shalt  }
0x45: {  	_ =	shalt  }
0x46: {  	_ =	shalt  }
0x47: {  	_ =	shalt  }
0x48: {  	_ =	shalt  }
0x49: {  	_ =	shalt  }
0x4a: {  	_ =	shalt  }
0x4b: {  	_ =	shalt  }
0x4c: {  	_ =	shalt  }
0x4d: {  	_ =	shalt  }
0x4e: {  	_ =	shalt  }
0x4f: {  	_ =	shalt  }
0x50: {  	_ =	shalt  }
0x51: {  	_ =	shalt  }
0x52: {  	_ =	shalt  }
0x53: {  	_ =	shalt  }
0x54: {  	_ =	shalt  }
0x55: {  	_ =	shalt  }
0x56: {  	_ =	shalt  }
0x57: {  	_ =	shalt  }
0x58: {  	_ =	shalt  }
0x59: {  	_ =	shalt  }
0x5a: {  	_ =	shalt  }
0x5b: {  	_ =	shalt  }
0x5c: {  	_ =	shalt  }
0x5d: {  	_ =	shalt  }
0x5e: {  	_ =	shalt  }
0x5f: {  	_ =	shalt  }
0x60: {  	_ =	shalt  }
0x61: {  	_ =	shalt  }
0x62: {  	_ =	shalt  }
0x63: {  	_ =	shalt  }
0x64: {  	_ =	shalt  }
0x65: {  	_ =	shalt  }
0x66: {  	_ =	shalt  }
0x67: {  	_ =	shalt  }
0x68: {  	_ =	shalt  }
0x69: {  	_ =	shalt  }
0x6a: {  	_ =	shalt  }
0x6b: {  	_ =	shalt  }
0x6c: {  	_ =	shalt  }
0x6d: {  	_ =	shalt  }
0x6e: {  	_ =	shalt  }
0x6f: {  	_ =	shalt  }
0x70: {  	_ =	shalt  }
0x71: {  	_ =	shalt  }
0x72: {  	_ =	shalt  }
0x73: {  	_ =	shalt  }
0x74: {  	_ =	shalt  }
0x75: {  	_ =	shalt  }
0x76: {  	_ =	shalt  }
0x77: {  	_ =	shalt  }
0x78: {  	_ =	shalt  }
0x79: {  	_ =	shalt  }
0x7a: {  	_ =	shalt  }
0x7b: {  	_ =	shalt  }
0x7c: {  	_ =	shalt  }
0x7d: {  	_ =	shalt  }
0x7e: {  	_ =	shalt  }
0x7f: {  	_ =	shalt  }
0x80: {  	_ =	shalt  }
0x81: {  	_ =	shalt  }
0x82: {  	_ =	shalt  }
0x83: {  	_ =	shalt  }
0x84: {  	_ =	shalt  }
0x85: {  	_ =	shalt  }
0x86: {  	_ =	shalt  }
0x87: {  	_ =	shalt  }
.Lfunc_end0:
.L_simem_size_0:
called_computation.2_lowered:
.L_overlay_start_0:
0x88: {  	s2 =	sld [smem:$0x3FD9]  }
0x89: {  	s3 =	sld [smem:$0x3FFE];
	_ =	sdelay $0x1  }
0x8a: {  	s1 =	srdreg.scid  }
0x8b: {  	s0 =	sand.u32 $0x1, s1  }
0x8c: {  	s16 =	sshll.u32 s0, $0xA;
	s2 =	sadd.s32 s3, s2  }
0x8d: {  	s2 =	sadd.s32 s2, s16  }
0x8e: {  	[smem:$0x3FC1] =	sst s2  }
0x8f: {  	_ = 	snop  }
0x90: {  	(tm) =	ssettm $0x1  }
0x91: {  	s17 =	sld [smem:$0x3FFB];
	_ =	sdelay $0x3  }
0x92: {  	_ =	strace s17  }
0x93: {  	s2 =	sld [smem:$0x3FFC];
	_ =	sdelay $0x3  }
0x94: {  	_ =	strace s2  }
0x95: {  	s2 =	sld [smem:$0x3FFD];
	_ =	sdelay $0x3  }
0x96: {  	_ =	strace s2  }
0x97: {  	_ =	strace $0x8FFFFFFF  }
0x98: {  	s18 =	sld [smem:$0x3FDB];
	_ =	sdelay $0x1  }
0x99: {  	s19 =	simm.s32 $_scs_section_size  }
0x9a: {  	s4 =	simm.s32 $_size__tile_overlayer_lowered;
	s5 =	simm.s32 $_tile_overlayer_lowered  }
0x9b: {  	s22 =	simm.s32 $0x1BFF;
	s21 =	sshll.u32 s5, $0x1;
	s2 =	sadd.s32 s19, s18  }
0x9c: {  	s6 =	simm.s32 $0x0;
	s20 =	sshll.u32 s4, $0x1;
	s4 =	sadd.s32 s21, s2  }
0x9d: {  	[timem:s6], [sflag:s22] =	dma.local [hbm:s4], s20  }
0x9e: {  	_ =	swait.ge [sflag:s22], s20  }
0x9f: {  	s3 =	ssub.s32 $0x0, s20;
	[sflag:s22] =	ssyncset.done $0x0  }
0xa0: {  	[sflag:s22] =	ssyncadd.s32 s3;
	_ =	sdelay $0x1  }
0xa1: {  	s23 =	simm.s32 $0x1B8B  }
0xa2: {  	_ =	swait.ge [sflag:s23], $0x1  }
0xa3: {  	[sflag:s23] =	ssyncset.done $0x0  }
0xa4: {  	s25 =	simm.s32 $0x1B8E;
	s24 =	sld [smem:$0x3FFE];
	[sflag:s23] =	ssyncadd.s32 $0xFFFFFFFF  }
0xa5: {  	s26 =	simm.s32 $execute0_lowered;
	[smem:$0x3FD2] =	sst s25  }
0xa6: {  	s4 =	sshll.u32 s26, $0x1;
	_ =	strace $0x8000004C;
	[dreg:$0x1] =	wrdreg $0xFFFFFFFF  }
0xa7: {  	s28 =	simm.s32 $_size_execute0_lowered;
	s2 =	sadd.s32 s2, s4;
	[dreg:$0x0] =	wrdreg $0x0  }
0xa8: {  	s4 =	sshll.u32 s28, $0x1;
	[dreg:$0x2] =	wrdreg s2  }
0xa9: {  	[dreg:$0x3] =	wrdreg s4  }
0xaa: {  	[dreg:$0x4] =	wrdreg $0xC0  }
0xab: {  	_ =	task [dreg:s6], $0x5FFFF  }
0xac: {  	[dreg:$0x1] =	wrdreg $0xFFFFFFFF  }
0xad: {  	[dreg:$0x0] =	wrdreg $0x60  }
0xae: {  	[dreg:$0x2] =	wrdreg s24  }
0xaf: {  	[dreg:$0x3] =	wrdreg $0xA8000  }
0xb0: {  	[dreg:$0x4] =	wrdreg $0x9  }
0xb1: {  	_ =	task.clear_ibuf [dreg:s6], $0x5FFFF;
	_ =	strace $0x9000004C  }
0xb2: {  	s29 =	simm.s32 $0x9;
	_ =	strace $0x8000004E  }
0xb3: {  	_ =	swait.ge [sflag:s29], $0x1  }
0xb4: {  	[sflag:s29] =	ssyncadd.s32 $0xFFFFFFFF  }
0xb5: {  	_ =	strace $0x9000004E  }
0xb6: {  	_ =	sfence  }
0xb7: {  	s30 =	sld [smem:$0x0];
	_ =	sdelay $0x2  }
0xb8: {  	s31 =	sshll.u32 s1, $0xD;
	s1 =	sshrl.u32 s1, $0x2  }
0xb9: {  	s3 =	sand.u32 $0x4000, s31;
	s1 =	sadd.s32 s1, s30  }
0xba: {  	s0 =	sor.u32 s3, s0;
	s1 =	sshll.u32 s1, $0x11  }
0xbb: {  	s0 =	sor.u32 s1, s0  }
0xbc: {  	s0 =	sadd.s32 $0x8F2B, s0  }
0xbd: {  	[sflag:s0] =	ssyncadd.remote.s32 $0x1  }
0xbe: {  	_ =	sfence.sel $0xFFFF  }
0xbf: {  	[dreg:$0x0] =	wrdreg $0xFFFFFFFF;
	(pc) =	sbr.abs _section_cstart, $3  }
0xc0: {  	[dreg:$0x1] =	wrdreg $0xFFFFFFFF  }
0xc1: {  	_ =	task.clear_ibuf [dreg:s6], $0x2FFFF;
	_ =	strace $0x9FFFFFFF  }
0xc2: {  	(tm) =	ssettm $0x7FFFFFFF  }
0xc3: {  	_ =	shalt  }
tec
execute0_lowered:
.L_overlay_start_1:
0x0: {  	(tag) =	ssettag $0x1  }
0x1: {  	s5 =	rddreg [dreg:$0x0]  }
0x2: {  	s2 =	rddreg [dreg:$0x1]  }
0x3: {  	s0 =	rddreg [dreg:$0x2]  }
0x4: {  	s3 =	simm.s32 $0x0;
	s1 =	stileid.u32;
	s4 =	srdreg.scid  }
0x5: {  	s16 =	simm.s32 $0x80;
	s17 =	simm.s32 $0x2800;
	s18 =	simm.s32 $0x1  }
0x6: {  	s19 =	simm.s32 $0x6800;
	s20 =	simm.s32 $0x2;
	s21 =	simm.s32 $0x1380  }
0x7: {  	s22 =	simm.s32 $0x2700;
	s23 =	simm.s32 $0x2780;
	s24 =	simm.s32 $0x0  }
0x8: {  	[smem:$0x7FF] =	sst s3;
	s6 =	smul.u32 $0x13C00, s1;
	s7 =	sand.u32 $0x1, s4  }
0x9: {  	s9 =	sadd.s32 $0x84E00, s5;
	s10 =	sadd.s32 $0x4600, s5;
	s4 =	sadd.s32 $0x35E00, s5  }
0xa: {  	s12 =	smul.u32 $0x4F000, s1;
	s30 =	sshll.u32 s1, $0x6;
	_ =	strace $0x8000004D  }
0xb: {  	s8 =	smul.u32 $0x13C000, s7;
	s28 =	sshll.u32 s7, $0x4;
	s7 =	ssub.s32 $0x2, s7  }
0xc: {  	s11 =	sshrl.u32 s6, $0x3;
	s13 =	sshrl.u32 s7, $0x1;
	s29 =	sshrl.u32 s12, $0x2  }
0xd: {  	s11 =	sadd.s32 s11, s5;
	s6 =	sadd.s32 s6, s8;
	s8 =	sor.u32 s1, s28  }
0xe: {  	s13 =	ssub.s32 s7, s13;
	s15 =	sadd.s32 s29, s2;
	s6 =	sshrl.u32 s6, $0x3  }
0xf: {  	s8 =	smul.u32 $0x2800, s8;
	s12 =	smax.u32 s13, $0x1;
	s13 =	sshrl.u32 s15, $0x3  }
0x10: {  	s15 =	simm.s32 $0x1400;
	s14 =	sadd.s32 s6, s5;
	s5 =	sadd.s32 $0xE600, s11  }
0x11: {  	s6 =	sor.u32 $0x1C03, s30;
	s8 =	sshrl.u32 s8, $0x3;
	s11 =	sadd.s32 $0x8EE00, s14  }
0x12: {  	s14 =	simm.s32 $0x3;
	s31 =	sadd.s32 $0x280, s8;
	s7 =	sadd.s32 s9, s8  }
0x13: {  	s8 =	sadd.s32 s10, s8;
	s9 =	sadd.s32 s9, s31;
	s10 =	sadd.s32 s10, s31  }
.LBB2_1:
0x14: {  	[spmem:s13], [sflag:s6] =	dma.local [hbm:s5], $0x2780  }
0x15: {  	_ =	swait.ge [sflag:s14], $0x2780  }
0x16: {  	[sflag:s14] =	ssyncset.done $0x0  }
0x17: {  	[sflag:s14] =	ssyncadd.s32 $0xFFFFD880  }
0x18: {  	[bflag:$0x0] =	sbarrier.arrive $0xFFFF  }
0x19: {  	[tilespmem:s3], [sflag:$0x3] =	stream.linear.gather [hbm4b:s7+s3], $0x1400, $0x38;
	[tilespmem:$0x1E400] =	vst v63  }
0x1a: {  	_ =	swait.ge [sflag:s14], $0x1400  }
0x1b: {  	[sflag:s14] =	ssyncset.done $0x0  }
0x1c: {  	[sflag:s14] =	ssyncadd.s32 $0xFFFFEC00  }
0x1d: {  	[tilespmem:s15], [sflag:$0x3] =	stream.linear.gather [hbm4b:s8+s3], $0x1400, $0x38;
	[tilespmem:$0x1E400] =	vst v63  }
0x1e: {  	_ =	swait.ge [sflag:s14], $0x1400  }
0x1f: {  	[sflag:s14] =	ssyncset.done $0x0  }
0x20: {  	[sflag:s14] =	ssyncadd.s32 $0xFFFFEC00  }
0x21: {  	[tilespmem:s17], [sflag:$0x1] =	stream.indirect.gather [hbm4b:s4+s16], $0x80, s3, s16, $0xb8;
	[tilespmem:$0x1E400] =	vst v63  }
0x22: {  	_ =	swait.ge [sflag:s18], $0x4000  }
0x23: {  	[sflag:s18] =	ssyncset.done $0x0  }
0x24: {  	s25 =	simm.s32 $0x80;
	[sflag:s18] =	ssyncadd.s32 $0xFFFFC000  }
0x25: {  	[tilespmem:s19], [sflag:$0x2] =	stream.indirect.gather [hbm4b:s4+s16], $0x80, s25, s16, $0xb8;
	[tilespmem:$0x1E400] =	vst v63  }
0x26: {  	s29 =	simm.s32 $0x1400  }
0x27: {  	[spmem:s2] =	stream.indirect.scatter.add.f32 [tilespmem:s17], [sflag:$0x3], $0x80, s29, s16, $0xb8;
	[tilespmem:$0x1E400] =	vst v63  }
0x28: {  	_ =	swait.ge [sflag:s14], $0x4000  }
0x29: {  	[sflag:s14] =	ssyncset.done $0x0  }
0x2a: {  	[sflag:s14] =	ssyncadd.s32 $0xFFFFC000  }
0x2b: {  	_ =	swait.ge [sflag:s20], $0x4000  }
0x2c: {  	[sflag:s20] =	ssyncset.done $0x0  }
0x2d: {  	s30 =	simm.s32 $0x100;
	[sflag:s20] =	ssyncadd.s32 $0xFFFFC000  }
0x2e: {  	[tilespmem:s17], [sflag:$0x1] =	stream.indirect.gather [hbm4b:s4+s16], $0x80, s30, s16, $0xb8;
	[tilespmem:$0x1E400] =	vst v63  }
0x2f: {  	s31 =	simm.s32 $0x1480  }
0x30: {  	[spmem:s2] =	stream.indirect.scatter.add.f32 [tilespmem:s19], [sflag:$0x3], $0x80, s31, s16, $0xb8;
	[tilespmem:$0x1E400] =	vst v63  }
0x31: {  	_ =	swait.ge [sflag:s14], $0x4000  }
0x32: {  	s25 =	simm.s32 $0x400;
	[sflag:s14] =	ssyncset.done $0x0  }
.LBB2_2:
0x33: {  	p0 =	sne.s32 s25, $0x4800  }
0x34: {  	[sflag:s14] =	ssyncadd.s32 $0xFFFFC000;
	s26 =	smov.u32 s25;
	s25 =	sadd.s32 $0x400, s25  }
0x35: {  	_ = 	snop  }
0x36: {  	_ =	swait.ge [sflag:s18], $0x4000  }
0x37: {  	s26 =	sshra.s32 s26, $0x2;
	[sflag:s18] =	ssyncset.done $0x0  }
0x38: {  	s28 =	sadd.s32 $0x80, s26;
	[sflag:s18] =	ssyncadd.s32 $0xFFFFC000  }
0x39: {  	[tilespmem:s19], [sflag:$0x2] =	stream.indirect.gather [hbm4b:s4+s16], $0x80, s28, s16, $0xb8;
	[tilespmem:$0x1E400] =	vst v63  }
0x3a: {  	s28 =	sadd.s32 $0x1400, s26  }
0x3b: {  	[spmem:s2] =	stream.indirect.scatter.add.f32 [tilespmem:s17], [sflag:$0x3], $0x80, s28, s16, $0xb8;
	[tilespmem:$0x1E400] =	vst v63  }
0x3c: {  	_ =	swait.ge [sflag:s14], $0x4000  }
0x3d: {  	[sflag:s14] =	ssyncset.done $0x0  }
0x3e: {  	[sflag:s14] =	ssyncadd.s32 $0xFFFFC000  }
0x3f: {  	_ =	swait.ge [sflag:s20], $0x4000  }
0x40: {  	[sflag:s20] =	ssyncset.done $0x0  }
0x41: {  	s28 =	sadd.s32 $0x100, s26;
	[sflag:s20] =	ssyncadd.s32 $0xFFFFC000  }
0x42: {  	[tilespmem:s17], [sflag:$0x1] =	stream.indirect.gather [hbm4b:s4+s16], $0x80, s28, s16, $0xb8;
	[tilespmem:$0x1E400] =	vst v63  }
.Ltmp0:
0x43: {  	_ = 	snop;
	(pc) =	sbr.rel @p0 .LBB2_2-.Ltmp0, $4  }
0x44: {  	s26 =	sadd.s32 $0x1480, s26  }
0x45: {  	[spmem:s2] =	stream.indirect.scatter.add.f32 [tilespmem:s19], [sflag:$0x3], $0x80, s26, s16, $0xb8;
	[tilespmem:$0x1E400] =	vst v63  }
0x46: {  	_ =	swait.ge [sflag:s14], $0x4000  }
0x47: {  	[sflag:s14] =	ssyncset.done $0x0  }
0x48: {  	[sflag:s14] =	ssyncadd.s32 $0xFFFFC000  }
0x49: {  	_ =	swait.ge [sflag:s18], $0x4000  }
0x4a: {  	[sflag:s18] =	ssyncset.done $0x0  }
0x4b: {  	[sflag:s18] =	ssyncadd.s32 $0xFFFFC000  }
0x4c: {  	[tilespmem:s19], [sflag:$0x2] =	stream.indirect.gather [hbm4b:s4+s16], $0x80, s21, s16, $0xb8;
	[tilespmem:$0x1E400] =	vst v63  }
0x4d: {  	_ = 	snop  }
0x4e: {  	[spmem:s2] =	stream.indirect.scatter.add.f32 [tilespmem:s17], [sflag:$0x3], $0x80, s22, s16, $0xb8;
	[tilespmem:$0x1E400] =	vst v63  }
0x4f: {  	_ =	swait.ge [sflag:s14], $0x4000  }
0x50: {  	[sflag:s14] =	ssyncset.done $0x0  }
0x51: {  	[sflag:s14] =	ssyncadd.s32 $0xFFFFC000  }
0x52: {  	_ =	swait.ge [sflag:s20], $0x4000  }
0x53: {  	[sflag:s20] =	ssyncset.done $0x0  }
0x54: {  	s25 =	simm.s32 $0x0;
	[sflag:s20] =	ssyncadd.s32 $0xFFFFC000  }
0x55: {  	[tilespmem:s17], [sflag:$0x1] =	stream.indirect.gather [hbm4b:s4+s16], $0x80, s25, s16, $0xb8;
	[tilespmem:$0x1E400] =	vst v63  }
0x56: {  	_ = 	snop  }
0x57: {  	[spmem:s2] =	stream.indirect.scatter.add.f32 [tilespmem:s19], [sflag:$0x3], $0x80, s23, s16, $0xb8;
	[tilespmem:$0x1E400] =	vst v63  }
0x58: {  	_ =	swait.ge [sflag:s14], $0x4000  }
0x59: {  	[sflag:s14] =	ssyncset.done $0x0  }
0x5a: {  	[sflag:s14] =	ssyncadd.s32 $0xFFFFC000  }
0x5b: {  	_ =	swait.ge [sflag:s18], $0x4000  }
0x5c: {  	[sflag:s18] =	ssyncset.done $0x0  }
0x5d: {  	[sflag:s18] =	ssyncadd.s32 $0xFFFFC000  }
0x5e: {  	[tilespmem:s25], [sflag:$0x3] =	stream.linear.gather [hbm4b:s9+s25], $0x1400, $0x38;
	[tilespmem:$0x1E400] =	vst v63  }
0x5f: {  	_ =	swait.ge [sflag:s14], $0x1400  }
0x60: {  	[sflag:s14] =	ssyncset.done $0x0  }
0x61: {  	[sflag:s14] =	ssyncadd.s32 $0xFFFFEC00  }
0x62: {  	[tilespmem:s15], [sflag:$0x3] =	stream.linear.gather [hbm4b:s10+s25], $0x1400, $0x38;
	[tilespmem:$0x1E400] =	vst v63  }
0x63: {  	_ =	swait.ge [sflag:s14], $0x1400  }
0x64: {  	[sflag:s14] =	ssyncset.done $0x0  }
0x65: {  	[sflag:s14] =	ssyncadd.s32 $0xFFFFEC00  }
0x66: {  	[tilespmem:s17], [sflag:$0x1] =	stream.indirect.gather [hbm4b:s4+s16], $0x80, s25, s16, $0xb8;
	[tilespmem:$0x1E400] =	vst v63  }
0x67: {  	_ =	swait.ge [sflag:s18], $0x4000  }
0x68: {  	[sflag:s18] =	ssyncset.done $0x0  }
0x69: {  	s28 =	simm.s32 $0x80;
	[sflag:s18] =	ssyncadd.s32 $0xFFFFC000  }
0x6a: {  	[tilespmem:s19], [sflag:$0x2] =	stream.indirect.gather [hbm4b:s4+s16], $0x80, s28, s16, $0xb8;
	[tilespmem:$0x1E400] =	vst v63  }
0x6b: {  	s29 =	simm.s32 $0x1400  }
0x6c: {  	[spmem:s2] =	stream.indirect.scatter.add.f32 [tilespmem:s17], [sflag:$0x3], $0x80, s29, s16, $0xb8;
	[tilespmem:$0x1E400] =	vst v63  }
0x6d: {  	_ =	swait.ge [sflag:s14], $0x4000  }
0x6e: {  	[sflag:s14] =	ssyncset.done $0x0  }
0x6f: {  	[sflag:s14] =	ssyncadd.s32 $0xFFFFC000  }
0x70: {  	_ =	swait.ge [sflag:s20], $0x4000  }
0x71: {  	[sflag:s20] =	ssyncset.done $0x0  }
0x72: {  	s30 =	simm.s32 $0x100;
	[sflag:s20] =	ssyncadd.s32 $0xFFFFC000  }
0x73: {  	[tilespmem:s17], [sflag:$0x1] =	stream.indirect.gather [hbm4b:s4+s16], $0x80, s30, s16, $0xb8;
	[tilespmem:$0x1E400] =	vst v63  }
0x74: {  	s31 =	simm.s32 $0x1480  }
0x75: {  	[spmem:s2] =	stream.indirect.scatter.add.f32 [tilespmem:s19], [sflag:$0x3], $0x80, s31, s16, $0xb8;
	[tilespmem:$0x1E400] =	vst v63  }
0x76: {  	_ =	swait.ge [sflag:s14], $0x4000  }
0x77: {  	s25 =	simm.s32 $0x400;
	[sflag:s14] =	ssyncset.done $0x0  }
.LBB2_4:
0x78: {  	p0 =	sne.s32 s25, $0x4800  }
0x79: {  	[sflag:s14] =	ssyncadd.s32 $0xFFFFC000;
	s26 =	smov.u32 s25;
	s25 =	sadd.s32 $0x400, s25  }
0x7a: {  	_ = 	snop  }
0x7b: {  	_ =	swait.ge [sflag:s18], $0x4000  }
0x7c: {  	s26 =	sshra.s32 s26, $0x2;
	[sflag:s18] =	ssyncset.done $0x0  }
0x7d: {  	s28 =	sadd.s32 $0x80, s26;
	[sflag:s18] =	ssyncadd.s32 $0xFFFFC000  }
0x7e: {  	[tilespmem:s19], [sflag:$0x2] =	stream.indirect.gather [hbm4b:s4+s16], $0x80, s28, s16, $0xb8;
	[tilespmem:$0x1E400] =	vst v63  }
0x7f: {  	s28 =	sadd.s32 $0x1400, s26  }
0x80: {  	[spmem:s2] =	stream.indirect.scatter.add.f32 [tilespmem:s17], [sflag:$0x3], $0x80, s28, s16, $0xb8;
	[tilespmem:$0x1E400] =	vst v63  }
0x81: {  	_ =	swait.ge [sflag:s14], $0x4000  }
0x82: {  	[sflag:s14] =	ssyncset.done $0x0  }
0x83: {  	[sflag:s14] =	ssyncadd.s32 $0xFFFFC000  }
0x84: {  	_ =	swait.ge [sflag:s20], $0x4000  }
0x85: {  	[sflag:s20] =	ssyncset.done $0x0  }
0x86: {  	s28 =	sadd.s32 $0x100, s26;
	[sflag:s20] =	ssyncadd.s32 $0xFFFFC000  }
0x87: {  	[tilespmem:s17], [sflag:$0x1] =	stream.indirect.gather [hbm4b:s4+s16], $0x80, s28, s16, $0xb8;
	[tilespmem:$0x1E400] =	vst v63  }
.Ltmp1:
0x88: {  	_ = 	snop;
	(pc) =	sbr.rel @p0 .LBB2_4-.Ltmp1, $4  }
0x89: {  	s26 =	sadd.s32 $0x1480, s26  }
0x8a: {  	[spmem:s2] =	stream.indirect.scatter.add.f32 [tilespmem:s19], [sflag:$0x3], $0x80, s26, s16, $0xb8;
	[tilespmem:$0x1E400] =	vst v63  }
0x8b: {  	_ =	swait.ge [sflag:s14], $0x4000  }
0x8c: {  	[sflag:s14] =	ssyncset.done $0x0  }
0x8d: {  	[sflag:s14] =	ssyncadd.s32 $0xFFFFC000  }
0x8e: {  	_ =	swait.ge [sflag:s18], $0x4000  }
0x8f: {  	[sflag:s18] =	ssyncset.done $0x0  }
0x90: {  	[sflag:s18] =	ssyncadd.s32 $0xFFFFC000  }
0x91: {  	[tilespmem:s19], [sflag:$0x2] =	stream.indirect.gather [hbm4b:s4+s16], $0x80, s21, s16, $0xb8;
	[tilespmem:$0x1E400] =	vst v63  }
0x92: {  	_ = 	snop  }
0x93: {  	[spmem:s2] =	stream.indirect.scatter.add.f32 [tilespmem:s17], [sflag:$0x3], $0x80, s22, s16, $0xb8;
	[tilespmem:$0x1E400] =	vst v63  }
0x94: {  	_ =	swait.ge [sflag:s14], $0x4000  }
0x95: {  	[sflag:s14] =	ssyncset.done $0x0  }
0x96: {  	[sflag:s14] =	ssyncadd.s32 $0xFFFFC000  }
0x97: {  	_ =	swait.ge [sflag:s20], $0x4000  }
0x98: {  	[sflag:s20] =	ssyncset.done $0x0  }
0x99: {  	[sflag:s20] =	ssyncadd.s32 $0xFFFFC000  }
0x9a: {  	[tilespmem:s17], [sflag:$0x1] =	stream.indirect.gather [hbm4b:s4+s16], $0x80, s3, s16, $0xb8;
	[tilespmem:$0x1E400] =	vst v63  }
0x9b: {  	_ = 	snop  }
0x9c: {  	[spmem:s2] =	stream.indirect.scatter.add.f32 [tilespmem:s19], [sflag:$0x3], $0x80, s23, s16, $0xb8;
	[tilespmem:$0x1E400] =	vst v63  }
0x9d: {  	_ =	swait.ge [sflag:s14], $0x4000  }
0x9e: {  	[sflag:s14] =	ssyncset.done $0x0  }
0x9f: {  	[sflag:s14] =	ssyncadd.s32 $0xFFFFC000  }
0xa0: {  	_ =	swait.ge [sflag:s18], $0x4000  }
0xa1: {  	s24 =	sadd.s32 $0x1, s24;
	[sflag:s18] =	ssyncset.done $0x0  }
0xa2: {  	p0 =	sne.s32 s24, s12;
	[sflag:s18] =	ssyncadd.s32 $0xFFFFC000  }
.Ltmp2:
0xa3: {  	[bflag:$0x0] =	sbarrier.arrive $0xFFFF;
	(pc) =	sbr.rel @p0 .LBB2_1-.Ltmp2, $4  }
0xa4: {  	[hbm:s11], [sflag:s6] =	dma.local [spmem:s13], $0x2780  }
0xa5: {  	_ =	swait.ge [sflag:s14], $0x2780  }
0xa6: {  	[sflag:s14] =	ssyncset.done $0x0  }
0xa7: {  	[sflag:s14] =	ssyncadd.s32 $0xFFFFD880  }
0xa8: {  	_ =	sfence.sel $0x180000  }
0xa9: {  	[bflag:$0x0] =	sbarrier.arrive $0xFFFF  }
0xaa: {  	p0 =	sne.s32 s1, $0x0;
	_ =	strace $0x9000004D  }
0xab: {  	s0 =	sadd.s32 @!p0 $0x100000, s0;
	[bflag:$0x2] =	sbarrier.arrive $0xFFFF  }
0xac: {  	[sflag:s0] =	ssyncadd.tile.s32 @!p0 $0x1;
	_ =	shalt  }
.Lfunc_end2:
_tile_overlayer_lowered:
.L_overlay_start_2:
0xad: {  	(tag) =	ssettag $0x2  }
0xae: {  	s0 =	rddreg [dreg:$0x0];
	s2 =	stileid.u32  }
0xaf: {  	s1 =	rddreg [dreg:$0x1];
	p0 =	sne.s32 s2, $0x0  }
0xb0: {  	s3 =	rddreg [dreg:$0x2];
	[bflag:$0x3] =	sbarrier.arrive $0xFFFF;
	s2 =	simm.s32 @!p0 $0x1C03  }
0xb1: {  	[timem:s3], [sflag:s2] =	dma.local @!p0 [hbm:s0], s1  }
0xb2: {  	s0 =	simm.s32 @!p0 $0x3  }
0xb3: {  	_ =	swait.ge @!p0 [sflag:s0], s1  }
0xb4: {  	s1 =	ssub.s32 @!p0 $0x0, s1;
	[sflag:s0] =	ssyncset.done @!p0 $0x0  }
0xb5: {  	[sflag:s0] =	ssyncadd.s32 @!p0 s1  }
0xb6: {  	[bflag:$0x3] =	sbarrier.arrive $0xFFFF  }
0xb7: {  	_ =	shalt  }

// kernel: kernel.20.cloned.1.call-start
scs
__scs_entry_jumppad:
0x0: {  	(pc) =	sbr.rel $0x88, $3  }
0x1: {  	(tag) =	ssettag $0x0;
	lr =	simm.s32 $0x1  }
0x2: {  	[smem:$0x3F9A] =	sst lr;
	_ =	strace $0xD0000000  }
0x3: {  	_ = 	snop  }
0x4: {  	_ = 	snop  }
0x5: {  	_ = 	snop  }
0x6: {  	_ = 	snop  }
0x7: {  	_ = 	snop  }
__scs_overlays_trampoline_lowered:
0x8: {  	[smem:$0x3FA9] =	sst s0  }
0x9: {  	[smem:$0x3FAA] =	sst s1  }
0xa: {  	[smem:$0x3FAB] =	sst s2  }
0xb: {  	[smem:$0x3FAC] =	sst s3  }
0xc: {  	[smem:$0x3FAD] =	sst s4  }
0xd: {  	[smem:$0x3FAE] =	sst s5  }
0xe: {  	[smem:$0x3FAF] =	sst s6  }
0xf: {  	[smem:$0x3FB0] =	sst s7  }
0x10: {  	[smem:$0x3FB1] =	sst s8  }
0x11: {  	[smem:$0x3FB2] =	sst s9;
	s0 =	simm.s32 @!p0 $0x0  }
0x12: {  	s1 =	sld [smem:$0x3F98];
	s0 =	simm.s32 @p0 $0x1  }
0x13: {  	[smem:$0x3FB3] =	sst s0;
	s0 =	simm.s32 @!p1 $0x0  }
0x14: {  	s2 =	sld [smem:$0x3F97];
	s0 =	simm.s32 @p1 $0x1  }
0x15: {  	[smem:$0x3FB4] =	sst s0;
	s0 =	simm.s32 @!p2 $0x0  }
0x16: {  	s3 =	sld [smem:$0x3FDB];
	s0 =	simm.s32 @p2 $0x1  }
0x17: {  	s4 =	simm.s32 $0x1BF5;
	[smem:$0x3FB6] =	sst s0  }
0x18: {  	s0 =	sld [smem:$0x3F99];
	_ =	swait.ge [sflag:s4], $0x0  }
0x19: {  	s7 =	sld [smem:$0x3F9A]  }
0x1a: {  	s8 =	sadd.s32 $0xFFFFE003, lr  }
0x1b: {  	s9 =	sadd.s32 $0xFFFFFEF7, lr;
	s5 =	simm.s32 $0xFFFFFFFF;
	p2 =	slt.u32 s8, $0xFFFFF086  }
0x1c: {  	p1 =	slt.u32 s9, $0xF7A;
	s5 =	simm.s32 @!p2 $0x0  }
0x1d: {  	s5 =	simm.s32 @p1 $0x1;
	p0 =	seq.s32 s7, s2  }
0x1e: {  	s7 =	smul.u32 @!p0 $0xF7A, s2;
	p2 =	seq.s32 @!p0 s5, $0x0  }
0x1f: {  	s9 =	smul.u32 $0xF7A, s1;
	s8 =	simm.s32 @!p0 $0x1BF5;
	p2 =	por !p2, p0  }
0x20: {  	[sflag:s8] =	ssyncset.s32 @!p0 $0xFFFFF086;
	s6 =	sadd.s32 @!p0 s3, s7;
	s7 =	simm.s32 @!p0 $0x108  }
0x21: {  	s3 =	sadd.s32 s3, s9;
	s6 =	sadd.s32 @!p0 $0x88, s6;
	s7 =	simm.s32 @p2 $0x1082  }
0x22: {  	[simem:s7], [sflag:s8] =	dma.local @!p0 [hbm:s6], $0xF7A  }
0x23: {  	s9 =	sor.u32 $0xD0000000, s2;
	s6 =	simm.s32 $0x108;
	_ =	swait.ge @!p0 [sflag:s8], $0x0  }
0x24: {  	s3 =	sadd.s32 $0x88, s3;
	s6 =	simm.s32 @!p1 $0x1082;
	[sflag:s4] =	ssyncset.s32 $0xFFFFF086  }
0x25: {  	[simem:s6], [sflag:s4] =	dma.local [hbm:s3], $0xF7A  }
0x26: {  	[smem:$0x3F9A] =	sst s1;
	(tag) =	ssettag s2;
	_ =	strace s9  }
0x27: {  	s1 =	sld [smem:$0x3FAA]  }
0x28: {  	s2 =	sld [smem:$0x3FAB]  }
0x29: {  	s4 =	sld [smem:$0x3FAD]  }
0x2a: {  	p0 =	seq.s32 s5, $0x0;
	s5 =	sld [smem:$0x3FAE]  }
0x2b: {  	s6 =	sld [smem:$0x3FAF]  }
0x2c: {  	s7 =	sld [smem:$0x3FB0]  }
0x2d: {  	s3 =	simm.s32 $0x108;
	s8 =	sld [smem:$0x3FB1]  }
0x2e: {  	s3 =	simm.s32 @!p0 $0x1082;
	s9 =	sld [smem:$0x3FB2]  }
0x2f: {  	lr =	sadd.s32 s0, s3;
	s0 =	sld [smem:$0x3FA9]  }
0x30: {  	s3 =	sld [smem:$0x3FAC]  }
0x31: {  	[smem:$0x3FB5] =	sst s10  }
0x32: {  	s10 =	sld [smem:$0x3FB3];
	_ =	sdelay $0x3  }
0x33: {  	p0 =	seq.s32 s10, $0x1;
	s10 =	sld [smem:$0x3FB5];
	_ =	sdelay $0x3  }
0x34: {  	[smem:$0x3FB5] =	sst s10  }
0x35: {  	s10 =	sld [smem:$0x3FB4];
	_ =	sdelay $0x3  }
0x36: {  	p1 =	seq.s32 s10, $0x1;
	s10 =	sld [smem:$0x3FB5];
	_ =	sdelay $0x3  }
0x37: {  	[smem:$0x3FB5] =	sst s10  }
0x38: {  	s10 =	sld [smem:$0x3FB6]  }
0x39: {  	_ = 	snop;
	(pc) =	sbr.ind lr, $3  }
0x3a: {  	_ = 	snop  }
0x3b: {  	_ = 	snop  }
0x3c: {  	p2 =	seq.s32 s10, $0x1;
	s10 =	sld [smem:$0x3FB5]  }
0x3d: {  	_ =	shalt  }
0x3e: {  	_ =	shalt  }
0x3f: {  	_ =	shalt  }
0x40: {  	_ =	shalt  }
0x41: {  	_ =	shalt  }
0x42: {  	_ =	shalt  }
0x43: {  	_ =	shalt  }
0x44: {  	_ =	shalt  }
0x45: {  	_ =	shalt  }
0x46: {  	_ =	shalt  }
0x47: {  	_ =	shalt  }
0x48: {  	_ =	shalt  }
0x49: {  	_ =	shalt  }
0x4a: {  	_ =	shalt  }
0x4b: {  	_ =	shalt  }
0x4c: {  	_ =	shalt  }
0x4d: {  	_ =	shalt  }
0x4e: {  	_ =	shalt  }
0x4f: {  	_ =	shalt  }
0x50: {  	_ =	shalt  }
0x51: {  	_ =	shalt  }
0x52: {  	_ =	shalt  }
0x53: {  	_ =	shalt  }
0x54: {  	_ =	shalt  }
0x55: {  	_ =	shalt  }
0x56: {  	_ =	shalt  }
0x57: {  	_ =	shalt  }
0x58: {  	_ =	shalt  }
0x59: {  	_ =	shalt  }
0x5a: {  	_ =	shalt  }
0x5b: {  	_ =	shalt  }
0x5c: {  	_ =	shalt  }
0x5d: {  	_ =	shalt  }
0x5e: {  	_ =	shalt  }
0x5f: {  	_ =	shalt  }
0x60: {  	_ =	shalt  }
0x61: {  	_ =	shalt  }
0x62: {  	_ =	shalt  }
0x63: {  	_ =	shalt  }
0x64: {  	_ =	shalt  }
0x65: {  	_ =	shalt  }
0x66: {  	_ =	shalt  }
0x67: {  	_ =	shalt  }
0x68: {  	_ =	shalt  }
0x69: {  	_ =	shalt  }
0x6a: {  	_ =	shalt  }
0x6b: {  	_ =	shalt  }
0x6c: {  	_ =	shalt  }
0x6d: {  	_ =	shalt  }
0x6e: {  	_ =	shalt  }
0x6f: {  	_ =	shalt  }
0x70: {  	_ =	shalt  }
0x71: {  	_ =	shalt  }
0x72: {  	_ =	shalt  }
0x73: {  	_ =	shalt  }
0x74: {  	_ =	shalt  }
0x75: {  	_ =	shalt  }
0x76: {  	_ =	shalt  }
0x77: {  	_ =	shalt  }
0x78: {  	_ =	shalt  }
0x79: {  	_ =	shalt  }
0x7a: {  	_ =	shalt  }
0x7b: {  	_ =	shalt  }
0x7c: {  	_ =	shalt  }
0x7d: {  	_ =	shalt  }
0x7e: {  	_ =	shalt  }
0x7f: {  	_ =	shalt  }
0x80: {  	_ =	shalt  }
0x81: {  	_ =	shalt  }
0x82: {  	_ =	shalt  }
0x83: {  	_ =	shalt  }
0x84: {  	_ =	shalt  }
0x85: {  	_ =	shalt  }
0x86: {  	_ =	shalt  }
0x87: {  	_ =	shalt  }
.Lfunc_end0:
.L_simem_size_0:
called_computation.3_lowered:
.L_overlay_start_0:
0x88: {  	s2 =	sld [smem:$0x3FD9]  }
0x89: {  	s3 =	sld [smem:$0x3FFE];
	_ =	sdelay $0x1  }
0x8a: {  	s1 =	srdreg.scid  }
0x8b: {  	s0 =	sand.u32 $0x1, s1  }
0x8c: {  	s16 =	sshll.u32 s0, $0xA;
	s2 =	sadd.s32 s3, s2  }
0x8d: {  	s2 =	sadd.s32 s2, s16  }
0x8e: {  	[smem:$0x3FC1] =	sst s2  }
0x8f: {  	_ = 	snop  }
0x90: {  	(tm) =	ssettm $0x1  }
0x91: {  	s17 =	sld [smem:$0x3FFB];
	_ =	sdelay $0x3  }
0x92: {  	_ =	strace s17  }
0x93: {  	s2 =	sld [smem:$0x3FFC];
	_ =	sdelay $0x3  }
0x94: {  	_ =	strace s2  }
0x95: {  	s2 =	sld [smem:$0x3FFD];
	_ =	sdelay $0x3  }
0x96: {  	_ =	strace s2  }
0x97: {  	_ =	strace $0x8FFFFFFF  }
0x98: {  	s18 =	sld [smem:$0x3FDB];
	_ =	sdelay $0x1  }
0x99: {  	s19 =	simm.s32 $_scs_section_size  }
0x9a: {  	s4 =	simm.s32 $_size__tile_overlayer_lowered;
	s5 =	simm.s32 $_tile_overlayer_lowered  }
0x9b: {  	s22 =	simm.s32 $0x1BFF;
	s21 =	sshll.u32 s5, $0x1;
	s2 =	sadd.s32 s19, s18  }
0x9c: {  	s6 =	simm.s32 $0x0;
	s20 =	sshll.u32 s4, $0x1;
	s4 =	sadd.s32 s21, s2  }
0x9d: {  	[timem:s6], [sflag:s22] =	dma.local [hbm:s4], s20  }
0x9e: {  	_ =	swait.ge [sflag:s22], s20  }
0x9f: {  	s3 =	ssub.s32 $0x0, s20;
	[sflag:s22] =	ssyncset.done $0x0  }
0xa0: {  	[sflag:s22] =	ssyncadd.s32 s3;
	_ =	sdelay $0x1  }
0xa1: {  	s23 =	simm.s32 $0x1B8B  }
0xa2: {  	_ =	swait.ge [sflag:s23], $0x1  }
0xa3: {  	[sflag:s23] =	ssyncset.done $0x0  }
0xa4: {  	s25 =	simm.s32 $0x1B8E;
	s24 =	sld [smem:$0x3FFE];
	[sflag:s23] =	ssyncadd.s32 $0xFFFFFFFF  }
0xa5: {  	s26 =	simm.s32 $execute0_lowered;
	[smem:$0x3FD2] =	sst s25  }
0xa6: {  	s4 =	sshll.u32 s26, $0x1;
	_ =	strace $0x8000004F;
	[dreg:$0x1] =	wrdreg $0xFFFFFFFF  }
0xa7: {  	s28 =	simm.s32 $_size_execute0_lowered;
	s2 =	sadd.s32 s2, s4;
	[dreg:$0x0] =	wrdreg $0x0  }
0xa8: {  	s4 =	sshll.u32 s28, $0x1;
	[dreg:$0x2] =	wrdreg s2  }
0xa9: {  	[dreg:$0x3] =	wrdreg s4  }
0xaa: {  	[dreg:$0x4] =	wrdreg $0xC0  }
0xab: {  	_ =	task [dreg:s6], $0x5FFFF  }
0xac: {  	[dreg:$0x1] =	wrdreg $0xFFFFFFFF  }
0xad: {  	[dreg:$0x0] =	wrdreg $0x60  }
0xae: {  	[dreg:$0x2] =	wrdreg s24  }
0xaf: {  	[dreg:$0x3] =	wrdreg $0xA8000  }
0xb0: {  	[dreg:$0x4] =	wrdreg $0x9  }
0xb1: {  	_ =	task.clear_ibuf [dreg:s6], $0x5FFFF;
	_ =	strace $0x9000004F  }
0xb2: {  	s29 =	simm.s32 $0x9;
	_ =	strace $0x80000051  }
0xb3: {  	_ =	swait.ge [sflag:s29], $0x1  }
0xb4: {  	[sflag:s29] =	ssyncadd.s32 $0xFFFFFFFF  }
0xb5: {  	_ =	strace $0x90000051  }
0xb6: {  	_ =	sfence  }
0xb7: {  	s30 =	sld [smem:$0x0];
	_ =	sdelay $0x2  }
0xb8: {  	s31 =	sshll.u32 s1, $0xD;
	s1 =	sshrl.u32 s1, $0x2  }
0xb9: {  	s3 =	sand.u32 $0x4000, s31;
	s1 =	sadd.s32 s1, s30  }
0xba: {  	s0 =	sor.u32 s3, s0;
	s1 =	sshll.u32 s1, $0x11  }
0xbb: {  	s0 =	sor.u32 s1, s0  }
0xbc: {  	s0 =	sadd.s32 $0x8F2B, s0  }
0xbd: {  	[sflag:s0] =	ssyncadd.remote.s32 $0x1  }
0xbe: {  	_ =	sfence.sel $0xFFFF  }
0xbf: {  	[dreg:$0x0] =	wrdreg $0xFFFFFFFF;
	(pc) =	sbr.abs _section_cstart, $3  }
0xc0: {  	[dreg:$0x1] =	wrdreg $0xFFFFFFFF  }
0xc1: {  	_ =	task.clear_ibuf [dreg:s6], $0x2FFFF;
	_ =	strace $0x9FFFFFFF  }
0xc2: {  	(tm) =	ssettm $0x7FFFFFFF  }
0xc3: {  	_ =	shalt  }
tec
execute0_lowered:
.L_overlay_start_1:
0x0: {  	(tag) =	ssettag $0x1  }
0x1: {  	s5 =	rddreg [dreg:$0x0]  }
0x2: {  	s2 =	rddreg [dreg:$0x1]  }
0x3: {  	s0 =	rddreg [dreg:$0x2]  }
0x4: {  	s3 =	simm.s32 $0x0;
	s1 =	stileid.u32;
	s4 =	srdreg.scid  }
0x5: {  	s16 =	simm.s32 $0x80;
	s17 =	simm.s32 $0x2800;
	s18 =	simm.s32 $0x1  }
0x6: {  	s19 =	simm.s32 $0x6800;
	s20 =	simm.s32 $0x2;
	s21 =	simm.s32 $0x1380  }
0x7: {  	s22 =	simm.s32 $0x2700;
	s23 =	simm.s32 $0x2780;
	s24 =	simm.s32 $0x0  }
0x8: {  	[smem:$0x7FF] =	sst s3;
	s6 =	smul.u32 $0x13C00, s1;
	s7 =	sand.u32 $0x1, s4  }
0x9: {  	s9 =	sadd.s32 $0x84E00, s5;
	s10 =	sadd.s32 $0x4600, s5;
	s4 =	sadd.s32 $0x35E00, s5  }
0xa: {  	s12 =	smul.u32 $0x4F000, s1;
	s30 =	sshll.u32 s1, $0x6;
	_ =	strace $0x80000050  }
0xb: {  	s8 =	smul.u32 $0x13C000, s7;
	s28 =	sshll.u32 s7, $0x4;
	s7 =	ssub.s32 $0x2, s7  }
0xc: {  	s11 =	sshrl.u32 s6, $0x3;
	s13 =	sshrl.u32 s7, $0x1;
	s29 =	sshrl.u32 s12, $0x2  }
0xd: {  	s11 =	sadd.s32 s11, s5;
	s6 =	sadd.s32 s6, s8;
	s8 =	sor.u32 s1, s28  }
0xe: {  	s13 =	ssub.s32 s7, s13;
	s15 =	sadd.s32 s29, s2;
	s6 =	sshrl.u32 s6, $0x3  }
0xf: {  	s8 =	smul.u32 $0x2800, s8;
	s12 =	smax.u32 s13, $0x1;
	s13 =	sshrl.u32 s15, $0x3  }
0x10: {  	s15 =	simm.s32 $0x1400;
	s14 =	sadd.s32 s6, s5;
	s5 =	sadd.s32 $0xE600, s11  }
0x11: {  	s6 =	sor.u32 $0x1C03, s30;
	s8 =	sshrl.u32 s8, $0x3;
	s11 =	sadd.s32 $0x8EE00, s14  }
0x12: {  	s14 =	simm.s32 $0x3;
	s31 =	sadd.s32 $0x280, s8;
	s7 =	sadd.s32 s9, s8  }
0x13: {  	s8 =	sadd.s32 s10, s8;
	s9 =	sadd.s32 s9, s31;
	s10 =	sadd.s32 s10, s31  }
.LBB2_1:
0x14: {  	[spmem:s13], [sflag:s6] =	dma.local [hbm:s5], $0x2780  }
0x15: {  	_ =	swait.ge [sflag:s14], $0x2780  }
0x16: {  	[sflag:s14] =	ssyncset.done $0x0  }
0x17: {  	[sflag:s14] =	ssyncadd.s32 $0xFFFFD880  }
0x18: {  	[bflag:$0x0] =	sbarrier.arrive $0xFFFF  }
0x19: {  	[tilespmem:s3], [sflag:$0x3] =	stream.linear.gather [hbm4b:s7+s3], $0x1400, $0x38;
	[tilespmem:$0x1E400] =	vst v63  }
0x1a: {  	_ =	swait.ge [sflag:s14], $0x1400  }
0x1b: {  	[sflag:s14] =	ssyncset.done $0x0  }
0x1c: {  	[sflag:s14] =	ssyncadd.s32 $0xFFFFEC00  }
0x1d: {  	[tilespmem:s15], [sflag:$0x3] =	stream.linear.gather [hbm4b:s8+s3], $0x1400, $0x38;
	[tilespmem:$0x1E400] =	vst v63  }
0x1e: {  	_ =	swait.ge [sflag:s14], $0x1400  }
0x1f: {  	[sflag:s14] =	ssyncset.done $0x0  }
0x20: {  	[sflag:s14] =	ssyncadd.s32 $0xFFFFEC00  }
0x21: {  	[tilespmem:s17], [sflag:$0x1] =	stream.indirect.gather [hbm4b:s4+s16], $0x80, s3, s16, $0xb8;
	[tilespmem:$0x1E400] =	vst v63  }
0x22: {  	_ =	swait.ge [sflag:s18], $0x4000  }
0x23: {  	[sflag:s18] =	ssyncset.done $0x0  }
0x24: {  	s25 =	simm.s32 $0x80;
	[sflag:s18] =	ssyncadd.s32 $0xFFFFC000  }
0x25: {  	[tilespmem:s19], [sflag:$0x2] =	stream.indirect.gather [hbm4b:s4+s16], $0x80, s25, s16, $0xb8;
	[tilespmem:$0x1E400] =	vst v63  }
0x26: {  	s29 =	simm.s32 $0x1400  }
0x27: {  	[spmem:s2] =	stream.indirect.scatter.add.f32 [tilespmem:s17], [sflag:$0x3], $0x80, s29, s16, $0xb8;
	[tilespmem:$0x1E400] =	vst v63  }
0x28: {  	_ =	swait.ge [sflag:s14], $0x4000  }
0x29: {  	[sflag:s14] =	ssyncset.done $0x0  }
0x2a: {  	[sflag:s14] =	ssyncadd.s32 $0xFFFFC000  }
0x2b: {  	_ =	swait.ge [sflag:s20], $0x4000  }
0x2c: {  	[sflag:s20] =	ssyncset.done $0x0  }
0x2d: {  	s30 =	simm.s32 $0x100;
	[sflag:s20] =	ssyncadd.s32 $0xFFFFC000  }
0x2e: {  	[tilespmem:s17], [sflag:$0x1] =	stream.indirect.gather [hbm4b:s4+s16], $0x80, s30, s16, $0xb8;
	[tilespmem:$0x1E400] =	vst v63  }
0x2f: {  	s31 =	simm.s32 $0x1480  }
0x30: {  	[spmem:s2] =	stream.indirect.scatter.add.f32 [tilespmem:s19], [sflag:$0x3], $0x80, s31, s16, $0xb8;
	[tilespmem:$0x1E400] =	vst v63  }
0x31: {  	_ =	swait.ge [sflag:s14], $0x4000  }
0x32: {  	s25 =	simm.s32 $0x400;
	[sflag:s14] =	ssyncset.done $0x0  }
.LBB2_2:
0x33: {  	p0 =	sne.s32 s25, $0x4800  }
0x34: {  	[sflag:s14] =	ssyncadd.s32 $0xFFFFC000;
	s26 =	smov.u32 s25;
	s25 =	sadd.s32 $0x400, s25  }
0x35: {  	_ = 	snop  }
0x36: {  	_ =	swait.ge [sflag:s18], $0x4000  }
0x37: {  	s26 =	sshra.s32 s26, $0x2;
	[sflag:s18] =	ssyncset.done $0x0  }
0x38: {  	s28 =	sadd.s32 $0x80, s26;
	[sflag:s18] =	ssyncadd.s32 $0xFFFFC000  }
0x39: {  	[tilespmem:s19], [sflag:$0x2] =	stream.indirect.gather [hbm4b:s4+s16], $0x80, s28, s16, $0xb8;
	[tilespmem:$0x1E400] =	vst v63  }
0x3a: {  	s28 =	sadd.s32 $0x1400, s26  }
0x3b: {  	[spmem:s2] =	stream.indirect.scatter.add.f32 [tilespmem:s17], [sflag:$0x3], $0x80, s28, s16, $0xb8;
	[tilespmem:$0x1E400] =	vst v63  }
0x3c: {  	_ =	swait.ge [sflag:s14], $0x4000  }
0x3d: {  	[sflag:s14] =	ssyncset.done $0x0  }
0x3e: {  	[sflag:s14] =	ssyncadd.s32 $0xFFFFC000  }
0x3f: {  	_ =	swait.ge [sflag:s20], $0x4000  }
0x40: {  	[sflag:s20] =	ssyncset.done $0x0  }
0x41: {  	s28 =	sadd.s32 $0x100, s26;
	[sflag:s20] =	ssyncadd.s32 $0xFFFFC000  }
0x42: {  	[tilespmem:s17], [sflag:$0x1] =	stream.indirect.gather [hbm4b:s4+s16], $0x80, s28, s16, $0xb8;
	[tilespmem:$0x1E400] =	vst v63  }
.Ltmp0:
0x43: {  	_ = 	snop;
	(pc) =	sbr.rel @p0 .LBB2_2-.Ltmp0, $4  }
0x44: {  	s26 =	sadd.s32 $0x1480, s26  }
0x45: {  	[spmem:s2] =	stream.indirect.scatter.add.f32 [tilespmem:s19], [sflag:$0x3], $0x80, s26, s16, $0xb8;
	[tilespmem:$0x1E400] =	vst v63  }
0x46: {  	_ =	swait.ge [sflag:s14], $0x4000  }
0x47: {  	[sflag:s14] =	ssyncset.done $0x0  }
0x48: {  	[sflag:s14] =	ssyncadd.s32 $0xFFFFC000  }
0x49: {  	_ =	swait.ge [sflag:s18], $0x4000  }
0x4a: {  	[sflag:s18] =	ssyncset.done $0x0  }
0x4b: {  	[sflag:s18] =	ssyncadd.s32 $0xFFFFC000  }
0x4c: {  	[tilespmem:s19], [sflag:$0x2] =	stream.indirect.gather [hbm4b:s4+s16], $0x80, s21, s16, $0xb8;
	[tilespmem:$0x1E400] =	vst v63  }
0x4d: {  	_ = 	snop  }
0x4e: {  	[spmem:s2] =	stream.indirect.scatter.add.f32 [tilespmem:s17], [sflag:$0x3], $0x80, s22, s16, $0xb8;
	[tilespmem:$0x1E400] =	vst v63  }
0x4f: {  	_ =	swait.ge [sflag:s14], $0x4000  }
0x50: {  	[sflag:s14] =	ssyncset.done $0x0  }
0x51: {  	[sflag:s14] =	ssyncadd.s32 $0xFFFFC000  }
0x52: {  	_ =	swait.ge [sflag:s20], $0x4000  }
0x53: {  	[sflag:s20] =	ssyncset.done $0x0  }
0x54: {  	s25 =	simm.s32 $0x0;
	[sflag:s20] =	ssyncadd.s32 $0xFFFFC000  }
0x55: {  	[tilespmem:s17], [sflag:$0x1] =	stream.indirect.gather [hbm4b:s4+s16], $0x80, s25, s16, $0xb8;
	[tilespmem:$0x1E400] =	vst v63  }
0x56: {  	_ = 	snop  }
0x57: {  	[spmem:s2] =	stream.indirect.scatter.add.f32 [tilespmem:s19], [sflag:$0x3], $0x80, s23, s16, $0xb8;
	[tilespmem:$0x1E400] =	vst v63  }
0x58: {  	_ =	swait.ge [sflag:s14], $0x4000  }
0x59: {  	[sflag:s14] =	ssyncset.done $0x0  }
0x5a: {  	[sflag:s14] =	ssyncadd.s32 $0xFFFFC000  }
0x5b: {  	_ =	swait.ge [sflag:s18], $0x4000  }
0x5c: {  	[sflag:s18] =	ssyncset.done $0x0  }
0x5d: {  	[sflag:s18] =	ssyncadd.s32 $0xFFFFC000  }
0x5e: {  	[tilespmem:s25], [sflag:$0x3] =	stream.linear.gather [hbm4b:s9+s25], $0x1400, $0x38;
	[tilespmem:$0x1E400] =	vst v63  }
0x5f: {  	_ =	swait.ge [sflag:s14], $0x1400  }
0x60: {  	[sflag:s14] =	ssyncset.done $0x0  }
0x61: {  	[sflag:s14] =	ssyncadd.s32 $0xFFFFEC00  }
0x62: {  	[tilespmem:s15], [sflag:$0x3] =	stream.linear.gather [hbm4b:s10+s25], $0x1400, $0x38;
	[tilespmem:$0x1E400] =	vst v63  }
0x63: {  	_ =	swait.ge [sflag:s14], $0x1400  }
0x64: {  	[sflag:s14] =	ssyncset.done $0x0  }
0x65: {  	[sflag:s14] =	ssyncadd.s32 $0xFFFFEC00  }
0x66: {  	[tilespmem:s17], [sflag:$0x1] =	stream.indirect.gather [hbm4b:s4+s16], $0x80, s25, s16, $0xb8;
	[tilespmem:$0x1E400] =	vst v63  }
0x67: {  	_ =	swait.ge [sflag:s18], $0x4000  }
0x68: {  	[sflag:s18] =	ssyncset.done $0x0  }
0x69: {  	s28 =	simm.s32 $0x80;
	[sflag:s18] =	ssyncadd.s32 $0xFFFFC000  }
0x6a: {  	[tilespmem:s19], [sflag:$0x2] =	stream.indirect.gather [hbm4b:s4+s16], $0x80, s28, s16, $0xb8;
	[tilespmem:$0x1E400] =	vst v63  }
0x6b: {  	s29 =	simm.s32 $0x1400  }
0x6c: {  	[spmem:s2] =	stream.indirect.scatter.add.f32 [tilespmem:s17], [sflag:$0x3], $0x80, s29, s16, $0xb8;
	[tilespmem:$0x1E400] =	vst v63  }
0x6d: {  	_ =	swait.ge [sflag:s14], $0x4000  }
0x6e: {  	[sflag:s14] =	ssyncset.done $0x0  }
0x6f: {  	[sflag:s14] =	ssyncadd.s32 $0xFFFFC000  }
0x70: {  	_ =	swait.ge [sflag:s20], $0x4000  }
0x71: {  	[sflag:s20] =	ssyncset.done $0x0  }
0x72: {  	s30 =	simm.s32 $0x100;
	[sflag:s20] =	ssyncadd.s32 $0xFFFFC000  }
0x73: {  	[tilespmem:s17], [sflag:$0x1] =	stream.indirect.gather [hbm4b:s4+s16], $0x80, s30, s16, $0xb8;
	[tilespmem:$0x1E400] =	vst v63  }
0x74: {  	s31 =	simm.s32 $0x1480  }
0x75: {  	[spmem:s2] =	stream.indirect.scatter.add.f32 [tilespmem:s19], [sflag:$0x3], $0x80, s31, s16, $0xb8;
	[tilespmem:$0x1E400] =	vst v63  }
0x76: {  	_ =	swait.ge [sflag:s14], $0x4000  }
0x77: {  	s25 =	simm.s32 $0x400;
	[sflag:s14] =	ssyncset.done $0x0  }
.LBB2_4:
0x78: {  	p0 =	sne.s32 s25, $0x4800  }
0x79: {  	[sflag:s14] =	ssyncadd.s32 $0xFFFFC000;
	s26 =	smov.u32 s25;
	s25 =	sadd.s32 $0x400, s25  }
0x7a: {  	_ = 	snop  }
0x7b: {  	_ =	swait.ge [sflag:s18], $0x4000  }
0x7c: {  	s26 =	sshra.s32 s26, $0x2;
	[sflag:s18] =	ssyncset.done $0x0  }
0x7d: {  	s28 =	sadd.s32 $0x80, s26;
	[sflag:s18] =	ssyncadd.s32 $0xFFFFC000  }
0x7e: {  	[tilespmem:s19], [sflag:$0x2] =	stream.indirect.gather [hbm4b:s4+s16], $0x80, s28, s16, $0xb8;
	[tilespmem:$0x1E400] =	vst v63  }
0x7f: {  	s28 =	sadd.s32 $0x1400, s26  }
0x80: {  	[spmem:s2] =	stream.indirect.scatter.add.f32 [tilespmem:s17], [sflag:$0x3], $0x80, s28, s16, $0xb8;
	[tilespmem:$0x1E400] =	vst v63  }
0x81: {  	_ =	swait.ge [sflag:s14], $0x4000  }
0x82: {  	[sflag:s14] =	ssyncset.done $0x0  }
0x83: {  	[sflag:s14] =	ssyncadd.s32 $0xFFFFC000  }
0x84: {  	_ =	swait.ge [sflag:s20], $0x4000  }
0x85: {  	[sflag:s20] =	ssyncset.done $0x0  }
0x86: {  	s28 =	sadd.s32 $0x100, s26;
	[sflag:s20] =	ssyncadd.s32 $0xFFFFC000  }
0x87: {  	[tilespmem:s17], [sflag:$0x1] =	stream.indirect.gather [hbm4b:s4+s16], $0x80, s28, s16, $0xb8;
	[tilespmem:$0x1E400] =	vst v63  }
.Ltmp1:
0x88: {  	_ = 	snop;
	(pc) =	sbr.rel @p0 .LBB2_4-.Ltmp1, $4  }
0x89: {  	s26 =	sadd.s32 $0x1480, s26  }
0x8a: {  	[spmem:s2] =	stream.indirect.scatter.add.f32 [tilespmem:s19], [sflag:$0x3], $0x80, s26, s16, $0xb8;
	[tilespmem:$0x1E400] =	vst v63  }
0x8b: {  	_ =	swait.ge [sflag:s14], $0x4000  }
0x8c: {  	[sflag:s14] =	ssyncset.done $0x0  }
0x8d: {  	[sflag:s14] =	ssyncadd.s32 $0xFFFFC000  }
0x8e: {  	_ =	swait.ge [sflag:s18], $0x4000  }
0x8f: {  	[sflag:s18] =	ssyncset.done $0x0  }
0x90: {  	[sflag:s18] =	ssyncadd.s32 $0xFFFFC000  }
0x91: {  	[tilespmem:s19], [sflag:$0x2] =	stream.indirect.gather [hbm4b:s4+s16], $0x80, s21, s16, $0xb8;
	[tilespmem:$0x1E400] =	vst v63  }
0x92: {  	_ = 	snop  }
0x93: {  	[spmem:s2] =	stream.indirect.scatter.add.f32 [tilespmem:s17], [sflag:$0x3], $0x80, s22, s16, $0xb8;
	[tilespmem:$0x1E400] =	vst v63  }
0x94: {  	_ =	swait.ge [sflag:s14], $0x4000  }
0x95: {  	[sflag:s14] =	ssyncset.done $0x0  }
0x96: {  	[sflag:s14] =	ssyncadd.s32 $0xFFFFC000  }
0x97: {  	_ =	swait.ge [sflag:s20], $0x4000  }
0x98: {  	[sflag:s20] =	ssyncset.done $0x0  }
0x99: {  	[sflag:s20] =	ssyncadd.s32 $0xFFFFC000  }
0x9a: {  	[tilespmem:s17], [sflag:$0x1] =	stream.indirect.gather [hbm4b:s4+s16], $0x80, s3, s16, $0xb8;
	[tilespmem:$0x1E400] =	vst v63  }
0x9b: {  	_ = 	snop  }
0x9c: {  	[spmem:s2] =	stream.indirect.scatter.add.f32 [tilespmem:s19], [sflag:$0x3], $0x80, s23, s16, $0xb8;
	[tilespmem:$0x1E400] =	vst v63  }
0x9d: {  	_ =	swait.ge [sflag:s14], $0x4000  }
0x9e: {  	[sflag:s14] =	ssyncset.done $0x0  }
0x9f: {  	[sflag:s14] =	ssyncadd.s32 $0xFFFFC000  }
0xa0: {  	_ =	swait.ge [sflag:s18], $0x4000  }
0xa1: {  	s24 =	sadd.s32 $0x1, s24;
	[sflag:s18] =	ssyncset.done $0x0  }
0xa2: {  	p0 =	sne.s32 s24, s12;
	[sflag:s18] =	ssyncadd.s32 $0xFFFFC000  }
.Ltmp2:
0xa3: {  	[bflag:$0x0] =	sbarrier.arrive $0xFFFF;
	(pc) =	sbr.rel @p0 .LBB2_1-.Ltmp2, $4  }
0xa4: {  	[hbm:s11], [sflag:s6] =	dma.local [spmem:s13], $0x2780  }
0xa5: {  	_ =	swait.ge [sflag:s14], $0x2780  }
0xa6: {  	[sflag:s14] =	ssyncset.done $0x0  }
0xa7: {  	[sflag:s14] =	ssyncadd.s32 $0xFFFFD880  }
0xa8: {  	_ =	sfence.sel $0x180000  }
0xa9: {  	[bflag:$0x0] =	sbarrier.arrive $0xFFFF  }
0xaa: {  	p0 =	sne.s32 s1, $0x0;
	_ =	strace $0x90000050  }
0xab: {  	s0 =	sadd.s32 @!p0 $0x100000, s0;
	[bflag:$0x2] =	sbarrier.arrive $0xFFFF  }
0xac: {  	[sflag:s0] =	ssyncadd.tile.s32 @!p0 $0x1;
	_ =	shalt  }
.Lfunc_end2:
_tile_overlayer_lowered:
.L_overlay_start_2:
0xad: {  	(tag) =	ssettag $0x2  }
0xae: {  	s0 =	rddreg [dreg:$0x0];
	s2 =	stileid.u32  }
0xaf: {  	s1 =	rddreg [dreg:$0x1];
	p0 =	sne.s32 s2, $0x0  }
0xb0: {  	s3 =	rddreg [dreg:$0x2];
	[bflag:$0x3] =	sbarrier.arrive $0xFFFF;
	s2 =	simm.s32 @!p0 $0x1C03  }
0xb1: {  	[timem:s3], [sflag:s2] =	dma.local @!p0 [hbm:s0], s1  }
0xb2: {  	s0 =	simm.s32 @!p0 $0x3  }
0xb3: {  	_ =	swait.ge @!p0 [sflag:s0], s1  }
0xb4: {  	s1 =	ssub.s32 @!p0 $0x0, s1;
	[sflag:s0] =	ssyncset.done @!p0 $0x0  }
0xb5: {  	[sflag:s0] =	ssyncadd.s32 @!p0 s1  }
0xb6: {  	[bflag:$0x3] =	sbarrier.arrive $0xFFFF  }
0xb7: {  	_ =	shalt  }

</sc_bundles>
